<compile_context>
chip_gen: v7x
topology: tpu7x:2x2x1
jax: 0.10.2.dev20260603
libtpu: 0.0.44.dev20260713+nightly
codegen_flags: <defaults>
</compile_context>

<pallas_src>
import jax
import jax.numpy as jnp
from jax import lax
from jax.experimental import pallas as pl
from jax.experimental.pallas import tpu as pltpu
from jax.experimental.pallas import tpu_sc as plsc

N = 10000
E = 160000
D = 256
NH = 16
HD = 16
UW = 128


BN = 400


def _ln_relu(x, g, b):
    mu = jnp.mean(x, axis=-1, keepdims=True)
    var = jnp.mean((x - mu) ** 2, axis=-1, keepdims=True)
    x = (x - mu) * lax.rsqrt(var + 1e-5) * g + b
    return jnp.maximum(x, 0.0)


def _k1_body(h_ref, wq1_ref, bq1_ref, gq_ref, beq_ref, wq2_ref, bq2_ref,
             wk_hi_ref, wk_hj_ref, wv_hi_ref, wv_hj_ref,
             tdst_ref, tsrc_ref):
    h = h_ref[...]
    x = jnp.dot(h, wq1_ref[...], preferred_element_type=jnp.float32) + bq1_ref[...]
    x = _ln_relu(x, gq_ref[...], beq_ref[...])
    q = jnp.dot(x, wq2_ref[...], preferred_element_type=jnp.float32) + bq2_ref[...]
    tdst_ref[:, 0:D] = q
    tdst_ref[:, D:2 * D] = jnp.dot(h, wk_hi_ref[...], preferred_element_type=jnp.float32)
    tdst_ref[:, 2 * D:3 * D] = jnp.dot(h, wv_hi_ref[...], preferred_element_type=jnp.float32)
    tsrc_ref[:, 0:D] = jnp.dot(h, wk_hj_ref[...], preferred_element_type=jnp.float32)
    tsrc_ref[:, D:2 * D] = jnp.dot(h, wv_hj_ref[...], preferred_element_type=jnp.float32)


def _k1(h, wq1, bq1, gq, beq, wq2, bq2, wk_hi, wk_hj, wv_hi, wv_hj):
    nb = N // BN
    full = lambda shape: pl.BlockSpec(shape, lambda i: (0, 0))
    return pl.pallas_call(
        _k1_body,
        grid=(nb,),
        in_specs=[
            pl.BlockSpec((BN, D), lambda i: (i, 0)),
            full((D, D)), full((1, D)), full((1, D)), full((1, D)),
            full((D, D)), full((1, D)),
            full((D, D)), full((D, D)), full((D, D)), full((D, D)),
        ],
        out_specs=[
            pl.BlockSpec((BN, 3 * D), lambda i: (i, 0)),
            pl.BlockSpec((BN, 2 * D), lambda i: (i, 0)),
        ],
        out_shape=[
            jax.ShapeDtypeStruct((N, 3 * D), jnp.float32),
            jax.ShapeDtypeStruct((N, 2 * D), jnp.float32),
        ],
    )(h, wq1, bq1, gq, beq, wq2, bq2, wk_hi, wk_hj, wv_hi, wv_hj)



EPW = E // 32
CH = 40
NCH = EPW // CH
G_CH = 96
G_N = EPW // G_CH
G_TAIL = EPW - G_N * G_CH


def _k2_body(tdst_hbm, tsrc_hbm, dst_hbm, src_hbm, gd_hbm, gs_hbm,
             id0, id1, is0, is1, rd0, rd1, rs0, rs1, sd0, sd1, ss0, ss1):
    wid = lax.axis_index("s") * 2 + lax.axis_index("c")
    base = wid * EPW
    idb = (id0, id1)
    isb = (is0, is1)
    rd = (rd0, rd1)
    rs = (rs0, rs1)
    sdm = (sd0, sd1)
    ssm = (ss0, ss1)

    def start(off, n, b):
        pltpu.sync_copy(dst_hbm.at[pl.ds(off, G_CH)], idb[b])
        pltpu.sync_copy(src_hbm.at[pl.ds(off, G_CH)], isb[b])
        pltpu.async_copy(tdst_hbm.at[idb[b]], rd[b], sdm[b])
        pltpu.async_copy(tsrc_hbm.at[isb[b]], rs[b], ssm[b])

    def wait(b):
        pltpu.make_async_copy(tdst_hbm.at[idb[b]], rd[b], sdm[b]).wait()
        pltpu.make_async_copy(tsrc_hbm.at[isb[b]], rs[b], ssm[b]).wait()

    def out(off, b):
        pltpu.sync_copy(rd[b], gd_hbm.at[pl.ds(off, G_CH)])
        pltpu.sync_copy(rs[b], gs_hbm.at[pl.ds(off, G_CH)])

    start(base, G_CH, 0)
    start(base + G_CH, G_CH, 1)

    def step(j, c):
        for b in range(2):
            i = 2 * j + b
            wait(b)
            out(base + i * G_CH, b)

            @pl.when(i + 2 < G_N)
            def _():
                start(base + (i + 2) * G_CH, G_CH, b)
        return c

    lax.fori_loop(0, G_N // 2, step, 0)
    toff = base + G_N * G_CH
    pltpu.sync_copy(dst_hbm.at[pl.ds(toff, G_TAIL)], id0.at[pl.ds(0, G_TAIL)])
    pltpu.sync_copy(src_hbm.at[pl.ds(toff, G_TAIL)], is0.at[pl.ds(0, G_TAIL)])
    pltpu.async_copy(tdst_hbm.at[id0.at[pl.ds(0, G_TAIL)]], rd0.at[pl.ds(0, G_TAIL)], sd0).wait()
    pltpu.async_copy(tsrc_hbm.at[is0.at[pl.ds(0, G_TAIL)]], rs0.at[pl.ds(0, G_TAIL)], ss0).wait()
    pltpu.sync_copy(rd0.at[pl.ds(0, G_TAIL)], gd_hbm.at[pl.ds(toff, G_TAIL)])
    pltpu.sync_copy(rs0.at[pl.ds(0, G_TAIL)], gs_hbm.at[pl.ds(toff, G_TAIL)])


def _k2(tdst, tsrc, dst, src):
    mesh = plsc.VectorSubcoreMesh(core_axis_name="c", subcore_axis_name="s")
    f = pl.kernel(
        _k2_body,
        mesh=mesh,
        out_type=[
            jax.ShapeDtypeStruct((E, 384), jnp.int32),
            jax.ShapeDtypeStruct((E, 256), jnp.int32),
        ],
        scratch_types=[
            pltpu.VMEM((G_CH,), jnp.int32),
            pltpu.VMEM((G_CH,), jnp.int32),
            pltpu.VMEM((G_CH,), jnp.int32),
            pltpu.VMEM((G_CH,), jnp.int32),
            pltpu.VMEM((G_CH, 384), jnp.int32),
            pltpu.VMEM((G_CH, 384), jnp.int32),
            pltpu.VMEM((G_CH, 256), jnp.int32),
            pltpu.VMEM((G_CH, 256), jnp.int32),
            pltpu.SemaphoreType.DMA,
            pltpu.SemaphoreType.DMA,
            pltpu.SemaphoreType.DMA,
            pltpu.SemaphoreType.DMA,
        ],
    )
    return f(tdst, tsrc, dst, src)



BE = 640


def _unpack(xi32):
    lo = lax.bitcast_convert_type(xi32 << 16, jnp.float32)
    hi = lax.bitcast_convert_type(xi32 & jnp.int32(-65536), jnp.float32)
    return jnp.concatenate([lo, hi], axis=1)


def _k3_body(ef_ref, rf_ref, gd_ref, gs_ref, wer_e_ref, wer_r_ref, wew_ref,
             bk1_ref, gk_ref, bek_ref, wk2_ref, bk2_ref,
             bv1_ref, gv_ref, bev_ref, wv2_ref, bv2_ref,
             hmat_ref, ewb_ref, rx_ref,
             u_ref):
    ef = ef_ref[...]
    rf = rf_ref[...]
    pk_d = _unpack(gd_ref[:, 128:256])
    pv_d = _unpack(gd_ref[:, 256:384])
    pk_s = _unpack(gs_ref[:, 0:128])
    pv_s = _unpack(gs_ref[:, 128:256])
    b16 = lambda x: x.astype(jnp.bfloat16)
    pre = (jnp.dot(b16(ef), b16(wer_e_ref[...]), preferred_element_type=jnp.float32)
           + jnp.dot(b16(rf), b16(wer_r_ref[...]), preferred_element_type=jnp.float32))
    pre_k = pre[:, 0:D] + pk_d + pk_s + bk1_ref[...]
    pre_v = pre[:, D:2 * D] + pv_d + pv_s + bv1_ref[...]
    xk = _ln_relu(pre_k, gk_ref[...], bek_ref[...])
    xv = _ln_relu(pre_v, gv_ref[...], bev_ref[...])
    k = jnp.dot(b16(xk), b16(wk2_ref[...]), preferred_element_type=jnp.float32) + bk2_ref[...]
    v = jnp.dot(b16(xv), b16(wv2_ref[...]), preferred_element_type=jnp.float32) + bv2_ref[...]
    qd = _unpack(gd_ref[:, 0:128])
    s = jnp.dot(b16(qd * k), b16(hmat_ref[...]), preferred_element_type=jnp.float32) * 0.25
    ew_pre = jnp.dot(rf, wew_ref[...], preferred_element_type=jnp.float32)
    e_w = jax.nn.sigmoid(ew_pre[:, 0:1] + ewb_ref[0, 0])
    t = jnp.exp(jnp.clip(s, -60.0, 60.0))
    p = t * (v * e_w)
    rx = rx_ref[...]
    u_ref[:, 0:NH] = t
    u_ref[:, NH:2 * NH] = p * rx[:, 0:1]
    u_ref[:, 2 * NH:3 * NH] = p * rx[:, 1:2]
    u_ref[:, 3 * NH:4 * NH] = p * rx[:, 2:3]
    u_ref[:, 4 * NH:UW] = jnp.zeros((BE, UW - 4 * NH), jnp.float32)


def _k3(ef, rf, gd, gs, wer_e, wer_r, wew, bk1, gk, bek, wk2, bk2, bv1, gv, bev, wv2, bv2, hmat, ewb, rel_x):
    nb = E // BE
    full = lambda shape: pl.BlockSpec(shape, lambda i: (0, 0))
    return pl.pallas_call(
        _k3_body,
        grid=(nb,),
        in_specs=[
            pl.BlockSpec((BE, 16), lambda i: (i, 0)),
            pl.BlockSpec((BE, 64), lambda i: (i, 0)),
            pl.BlockSpec((BE, 384), lambda i: (i, 0)),
            pl.BlockSpec((BE, 256), lambda i: (i, 0)),
            full((16, 2 * D)), full((64, 2 * D)), full((64, 8)),
            full((1, D)), full((1, D)), full((1, D)), full((D, D)), full((1, D)),
            full((1, D)), full((1, D)), full((1, D)), full((D, NH)), full((1, NH)),
            full((D, NH)), full((1, 1)),
            pl.BlockSpec((BE, 3), lambda i: (i, 0)),
        ],
        out_specs=pl.BlockSpec((BE, UW), lambda i: (i, 0)),
        out_shape=jax.ShapeDtypeStruct((E, UW), jnp.float32),
    )(ef, rf, gd, gs, wer_e, wer_r, wew, bk1, gk, bek, wk2, bk2, bv1, gv, bev, wv2, bv2, hmat, ewb, rel_x)




SCH = 40
SNCH = EPW // SCH


def _k5_body(u_hbm, dst2_hbm, zeros_hbm, s_hbm, slab_v, u0, u1, su0, su1, shared):
    cid = lax.axis_index("c")
    sid = lax.axis_index("s")
    wid = cid * 16 + sid
    base = wid * EPW

    @pl.when(sid == 0)
    def _():
        pltpu.sync_copy(zeros_hbm, shared)

    pltpu.sync_copy(dst2_hbm.at[wid], slab_v)
    plsc.subcore_barrier()

    ub = (u0, u1)
    sub = (su0, su1)

    def start(i, b):
        pltpu.async_copy(u_hbm.at[pl.ds(base + i * SCH, SCH)], ub[b], sub[b])

    def wait(b):
        pltpu.make_async_copy(u_hbm.at[pl.ds(base, SCH)], ub[b], sub[b]).wait()

    start(0, 0)
    start(1, 1)

    def step(j, c):
        for b in range(2):
            i = 2 * j + b
            wait(b)
            pltpu.sync_copy(ub[b], shared.at[slab_v.at[i]], add=True)

            @pl.when(i + 2 < SNCH)
            def _():
                start(i + 2, b)
        return c

    lax.fori_loop(0, SNCH // 2, step, 0)
    wait(0)
    pltpu.sync_copy(ub[0], shared.at[slab_v.at[SNCH - 1]], add=True)
    plsc.subcore_barrier()

    @pl.when(sid == 0)
    def _():
        pltpu.sync_copy(shared, s_hbm.at[cid])


def _k5(u, dst2, zeros):
    mesh = plsc.VectorSubcoreMesh(core_axis_name="c", subcore_axis_name="s")
    f = pl.kernel(
        _k5_body,
        mesh=mesh,
        out_type=jax.ShapeDtypeStruct((2, N, UW), jnp.float32),
        scratch_types=[
            pltpu.VMEM((SNCH, SCH), jnp.int32),
            pltpu.VMEM((SCH, UW), jnp.float32),
            pltpu.VMEM((SCH, UW), jnp.float32),
            pltpu.SemaphoreType.DMA,
            pltpu.SemaphoreType.DMA,
            pltpu.VMEM_SHARED((N, UW), jnp.float32),
        ],
    )
    return f(u, dst2, zeros)



BN6 = 2000


def _k6_body(s_ref, o_ref):
    den = s_ref[0, :, 0:NH] + s_ref[1, :, 0:NH]
    r = 1.0 / (den + 1e-16)
    for c in range(3):
        a = s_ref[0, :, (c + 1) * NH:(c + 2) * NH] + s_ref[1, :, (c + 1) * NH:(c + 2) * NH]
        o_ref[:, c:c + 1] = jnp.sum(a * r, axis=-1, keepdims=True) * (1.0 / NH)
    o_ref[:, 3:4] = jnp.zeros((BN6, 1), jnp.float32)


def _k6(s):
    nb = N // BN6
    return pl.pallas_call(
        _k6_body,
        grid=(nb,),
        in_specs=[pl.BlockSpec((2, BN6, UW), lambda i: (0, i, 0))],
        out_specs=pl.BlockSpec((BN6, 4), lambda i: (i, 0)),
        out_shape=jax.ShapeDtypeStruct((N, 4), jnp.float32),
    )(s)




def kernel(h, rel_x, r_feat, edge_feat, edge_index, xk_W1, xk_b1, xk_g, xk_be,
           xk_W2, xk_b2, xv_W1, xv_b1, xv_g, xv_be, xv_W2, xv_b2,
           xq_W1, xq_b1, xq_g, xq_be, xq_W2, xq_b2, ew_W, ew_b):
    src = edge_index[0]
    dst = edge_index[1]
    row = lambda x: x.reshape(1, -1)

    tdst, tsrc = _k1(
        h, xq_W1, row(xq_b1), row(xq_g), row(xq_be), xq_W2, row(xq_b2),
        xk_W1[80:336], xk_W1[336:592], xv_W1[80:336], xv_W1[336:592])

    def pack_block(b):
        b16 = lax.bitcast_convert_type(b.astype(jnp.bfloat16), jnp.uint16)
        lo = b16[:, :128].astype(jnp.uint32)
        hi = b16[:, 128:].astype(jnp.uint32)
        return lax.bitcast_convert_type(lo | (hi << 16), jnp.int32)

    tdst_p = jnp.concatenate([pack_block(tdst[:, i * D:(i + 1) * D]) for i in range(3)], 1)
    tsrc_p = jnp.concatenate([pack_block(tsrc[:, i * D:(i + 1) * D]) for i in range(2)], 1)
    gd, gs = _k2(tdst_p, tsrc_p, dst, src)

    wer_e = jnp.concatenate([xk_W1[0:16], xv_W1[0:16]], axis=1)
    wer_r = jnp.concatenate([xk_W1[16:80], xv_W1[16:80]], axis=1)
    wew = jnp.zeros((64, 8), jnp.float32).at[:, 0].set(ew_W[:, 0])
    hmat = (jax.lax.broadcasted_iota(jnp.int32, (D, NH), 0) // HD
            == jax.lax.broadcasted_iota(jnp.int32, (D, NH), 1)).astype(jnp.float32)

    u = _k3(edge_feat, r_feat, gd, gs, wer_e, wer_r, wew,
            row(xk_b1), row(xk_g), row(xk_be), xk_W2, row(xk_b2),
            row(xv_b1), row(xv_g), row(xv_be), xv_W2, row(xv_b2),
            hmat, ew_b.reshape(1, 1), rel_x)

    sacc = _k5(u, dst.reshape(32, SNCH, SCH), jnp.zeros((N, UW), jnp.float32))

    out = _k6(sacc)
    return out[:, :3]

# --- scband reference (transcript-rebuilt; emitter-appended) ---
"""Pipeline reference for scband-base-h2-xatt-layer-1692217115460 (READ-ONLY COPY).

The authoritative reference and input builder live on the scoring server;
editing this copy changes nothing except your own understanding.
"""

import jax, jax.numpy as jnp
import numpy as np

N = 10000
E = 160000
D_IN = 256
D_HID = 256
D_OUT = 256
N_HEADS = 16
D_EDGE = 16
D_R = 64


def _mlp(x, W1, b1, g, be, W2, b2):
    x = x @ W1 + b1
    mu = jnp.mean(x, axis=-1, keepdims=True)
    var = jnp.var(x, axis=-1, keepdims=True)
    x = (x - mu) / jnp.sqrt(var + 1e-5) * g + be
    x = jax.nn.relu(x)
    return x @ W2 + b2


def _scatter_softmax(s, idx, n):
    m = jax.ops.segment_max(s, idx, num_segments=n)
    m = jnp.where(jnp.isfinite(m), m, 0.0)
    e = jnp.exp(s - m[idx])
    den = jax.ops.segment_sum(e, idx, num_segments=n)
    return e / (den[idx] + 1e-16)


def setup_inputs(seed: int = 0):
    key = jax.random.key(seed)
    ks = jax.random.split(key, 30)
    KV = D_EDGE + D_R + 2 * D_IN
    s = 0.02
    inp = {}
    inp['h'] = jax.random.normal(ks[0], (N, D_IN), jnp.float32)
    inp['rel_x'] = jax.random.normal(ks[1], (E, 3), jnp.float32)
    inp['r_feat'] = jax.random.normal(ks[2], (E, D_R), jnp.float32)
    inp['edge_feat'] = jax.random.normal(ks[3], (E, D_EDGE), jnp.float32)
    inp['edge_index'] = jax.random.randint(ks[4], (2, E), 0, N, dtype=jnp.int32)
    inp['xk_W1'] = jax.random.normal(ks[5], (KV, D_HID), jnp.float32) * s
    inp['xk_b1'] = jnp.zeros((D_HID,), jnp.float32)
    inp['xk_g'] = jnp.ones((D_HID,), jnp.float32)
    inp['xk_be'] = jnp.zeros((D_HID,), jnp.float32)
    inp['xk_W2'] = jax.random.normal(ks[6], (D_HID, D_OUT), jnp.float32) * s
    inp['xk_b2'] = jnp.zeros((D_OUT,), jnp.float32)
    inp['xv_W1'] = jax.random.normal(ks[7], (KV, D_HID), jnp.float32) * s
    inp['xv_b1'] = jnp.zeros((D_HID,), jnp.float32)
    inp['xv_g'] = jnp.ones((D_HID,), jnp.float32)
    inp['xv_be'] = jnp.zeros((D_HID,), jnp.float32)
    inp['xv_W2'] = jax.random.normal(ks[8], (D_HID, N_HEADS), jnp.float32) * s
    inp['xv_b2'] = jnp.zeros((N_HEADS,), jnp.float32)
    inp['xq_W1'] = jax.random.normal(ks[9], (D_IN, D_HID), jnp.float32) * s
    inp['xq_b1'] = jnp.zeros((D_HID,), jnp.float32)
    inp['xq_g'] = jnp.ones((D_HID,), jnp.float32)
    inp['xq_be'] = jnp.zeros((D_HID,), jnp.float32)
    inp['xq_W2'] = jax.random.normal(ks[10], (D_HID, D_OUT), jnp.float32) * s
    inp['xq_b2'] = jnp.zeros((D_OUT,), jnp.float32)
    inp['ew_W'] = jax.random.normal(ks[11], (D_R, 1), jnp.float32) * s
    inp['ew_b'] = jnp.zeros((1,), jnp.float32)
    return inp


def reference(h, rel_x, r_feat, edge_feat, edge_index, xk_W1, xk_b1, xk_g, xk_be, xk_W2, xk_b2, xv_W1, xv_b1, xv_g, xv_be, xv_W2, xv_b2, xq_W1, xq_b1, xq_g, xq_be, xq_W2, xq_b2, ew_W, ew_b):
    src = edge_index[0]
    dst = edge_index[1]
    hi = h[dst]
    hj = h[src]
    kv_input = jnp.concatenate([edge_feat, r_feat, hi, hj], axis=-1)
    hd = D_OUT // N_HEADS
    k = _mlp(kv_input, xk_W1, xk_b1, xk_g, xk_be, xk_W2, xk_b2).reshape(-1, N_HEADS, hd)
    v = _mlp(kv_input, xv_W1, xv_b1, xv_g, xv_be, xv_W2, xv_b2)
    e_w = jax.nn.sigmoid(r_feat @ ew_W + ew_b)
    v = v * e_w
    v = v[:, :, None] * rel_x[:, None, :]
    q = _mlp(h, xq_W1, xq_b1, xq_g, xq_be, xq_W2, xq_b2).reshape(-1, N_HEADS, hd)
    scores = jnp.sum(q[dst] * k, axis=-1) / np.sqrt(hd)
    alpha = _scatter_softmax(scores, dst, N)
    m = alpha[:, :, None] * v
    output = jax.ops.segment_sum(m, dst, num_segments=N)
    return output.mean(axis=1)

if __name__ == "__main__":
    import jax
    _d = setup_inputs()
    print(jax.jit(kernel)(*tuple(_d.values())))

</pallas_src>

<mosaic_0001>
#map = affine_map<(d0, d1) -> (0, 0)>
#map1 = affine_map<(d0, d1) -> (0, 0, 0)>
module attributes {stable_mosaic.version = 14 : i64} {
  func.func @_k5_body(%arg0: i32, %arg1: i32, %arg2: memref<160000x128xf32, #tpu.memory_space<hbm>>, %arg3: memref<32x125x40xi32, #tpu.memory_space<hbm>>, %arg4: memref<10000x128xf32, #tpu.memory_space<hbm>>, %arg5: memref<2x10000x128xf32, #tpu.memory_space<hbm>>, %arg6: memref<125x40xi32, #tpu.memory_space<vmem>>, %arg7: memref<40x128xf32, #tpu.memory_space<vmem>>, %arg8: memref<40x128xf32, #tpu.memory_space<vmem>>, %arg9: memref<!tpu.dma_semaphore, #tpu.memory_space<semaphore_mem>>, %arg10: memref<!tpu.dma_semaphore, #tpu.memory_space<semaphore_mem>>, %arg11: memref<10000x128xf32, #tpu.memory_space<vmem_shared>>) attributes {dimension_semantics = [#tpu.dimension_semantics<core_parallel>, #tpu.dimension_semantics<subcore_parallel>], iteration_bounds = array<i64: 2, 16>, scalar_prefetch = 0 : i64, scratch_operands = 6 : i64, tpu.core_type = #tpu.core_type<sc_vector_subcore>, window_params = [{transform_indices = #map}, {transform_indices = #map1}, {transform_indices = #map}, {transform_indices = #map1}]} {
    %mul3A = arith.constant 16 : i32
    %mul3A_0 = arith.muli %arg0, %mul3A : i32
    %add3A = arith.addi %mul3A_0, %arg1 : i32
    %mul3A_1 = arith.constant 5000 : i32
    %mul3A_2 = arith.muli %add3A, %mul3A_1 : i32
    %eq3A = arith.constant 0 : i32
    %eq3A_3 = arith.cmpi eq, %arg1, %eq3A : i32
    %convert_element_type3A = arith.extui %eq3A_3 : i1 to i32
    %cond3A = arith.constant 0 : i32
    %cond3A_4 = arith.cmpi ne, %convert_element_type3A, %cond3A : i32
    scf.if %cond3A_4 {
      "tpu.region"() ({
        %run_scoped3A_30 = tpu.sem_alloc : memref<!tpu.dma_semaphore, #tpu.memory_space<semaphore_mem>>
        tpu.enqueue_dma source(%arg4 : memref<10000x128xf32, #tpu.memory_space<hbm>>) target(%arg11 : memref<10000x128xf32, #tpu.memory_space<vmem_shared>>) target_semaphore(%run_scoped3A_30 : memref<!tpu.dma_semaphore, #tpu.memory_space<semaphore_mem>>)
        tpu.wait_dma2 semaphore(%run_scoped3A_30 : memref<!tpu.dma_semaphore, #tpu.memory_space<semaphore_mem>>) src(%arg4 : memref<10000x128xf32, #tpu.memory_space<hbm>>) dst(%arg11 : memref<10000x128xf32, #tpu.memory_space<vmem_shared>>)
        tpu.yield
      }) : () -> ()
    } else {
    }
    "tpu.region"() ({
      %run_scoped3A_30 = tpu.sem_alloc : memref<!tpu.dma_semaphore, #tpu.memory_space<semaphore_mem>>
      %dma_start3A_31 = arith.constant 0 : i32
      %dma_start3A_32 = arith.constant 0 : i32
      %dma_start3A_33 = tpu.memref_slice %arg3[%add3A, %dma_start3A_31, %dma_start3A_32] : memref<32x125x40xi32, #tpu.memory_space<hbm>> -> memref<1x125x40xi32, #tpu.memory_space<hbm>>
      %dma_start3A_34 = tpu.memref_squeeze %dma_start3A_33 : memref<1x125x40xi32, #tpu.memory_space<hbm>> -> memref<125x40xi32, #tpu.memory_space<hbm>>
      %dma_start3A_35 = arith.constant 0 : i32
      %dma_start3A_36 = arith.constant 0 : i32
      %dma_start3A_37 = tpu.memref_slice %arg3[%add3A, %dma_start3A_35, %dma_start3A_36] : memref<32x125x40xi32, #tpu.memory_space<hbm>> -> memref<1x125x40xi32, #tpu.memory_space<hbm>>
      %dma_start3A_38 = tpu.memref_squeeze %dma_start3A_37 : memref<1x125x40xi32, #tpu.memory_space<hbm>> -> memref<125x40xi32, #tpu.memory_space<hbm>>
      tpu.enqueue_dma source(%dma_start3A_38 : memref<125x40xi32, #tpu.memory_space<hbm>>) target(%arg6 : memref<125x40xi32, #tpu.memory_space<vmem>>) target_semaphore(%run_scoped3A_30 : memref<!tpu.dma_semaphore, #tpu.memory_space<semaphore_mem>>)
      %dma_wait3A_39 = arith.constant 0 : i32
      %dma_wait3A_40 = arith.constant 0 : i32
      %dma_wait3A_41 = tpu.memref_slice %arg3[%add3A, %dma_wait3A_39, %dma_wait3A_40] : memref<32x125x40xi32, #tpu.memory_space<hbm>> -> memref<1x125x40xi32, #tpu.memory_space<hbm>>
      %dma_wait3A_42 = tpu.memref_squeeze %dma_wait3A_41 : memref<1x125x40xi32, #tpu.memory_space<hbm>> -> memref<125x40xi32, #tpu.memory_space<hbm>>
      %dma_wait3A_43 = arith.constant 0 : i32
      %dma_wait3A_44 = arith.constant 0 : i32
      %dma_wait3A_45 = tpu.memref_slice %arg3[%add3A, %dma_wait3A_43, %dma_wait3A_44] : memref<32x125x40xi32, #tpu.memory_space<hbm>> -> memref<1x125x40xi32, #tpu.memory_space<hbm>>
      %dma_wait3A_46 = tpu.memref_squeeze %dma_wait3A_45 : memref<1x125x40xi32, #tpu.memory_space<hbm>> -> memref<125x40xi32, #tpu.memory_space<hbm>>
      tpu.wait_dma2 semaphore(%run_scoped3A_30 : memref<!tpu.dma_semaphore, #tpu.memory_space<semaphore_mem>>) src(%dma_wait3A_46 : memref<125x40xi32, #tpu.memory_space<hbm>>) dst(%arg6 : memref<125x40xi32, #tpu.memory_space<vmem>>)
      tpu.yield
    }) : () -> ()
    %barrier3A = arith.constant 0 : index
    tpu.barrier barrier_id(%barrier3A)
    %add3A_5 = arith.constant 0 : i32
    %add3A_6 = arith.addi %mul3A_2, %add3A_5 : i32
    %dma_start3A = arith.constant 0 : i32
    %dma_start3A_7 = tpu.memref_slice %arg2[%add3A_6, %dma_start3A] : memref<160000x128xf32, #tpu.memory_space<hbm>> -> memref<40x128xf32, #tpu.memory_space<hbm>>
    %dma_start3A_8 = arith.constant 0 : i32
    %dma_start3A_9 = tpu.memref_slice %arg2[%add3A_6, %dma_start3A_8] : memref<160000x128xf32, #tpu.memory_space<hbm>> -> memref<40x128xf32, #tpu.memory_space<hbm>>
    tpu.enqueue_dma source(%dma_start3A_9 : memref<40x128xf32, #tpu.memory_space<hbm>>) target(%arg7 : memref<40x128xf32, #tpu.memory_space<vmem>>) target_semaphore(%arg9 : memref<!tpu.dma_semaphore, #tpu.memory_space<semaphore_mem>>)
    %add3A_10 = arith.constant 40 : i32
    %add3A_11 = arith.addi %mul3A_2, %add3A_10 : i32
    %dma_start3A_12 = arith.constant 0 : i32
    %dma_start3A_13 = tpu.memref_slice %arg2[%add3A_11, %dma_start3A_12] : memref<160000x128xf32, #tpu.memory_space<hbm>> -> memref<40x128xf32, #tpu.memory_space<hbm>>
    %dma_start3A_14 = arith.constant 0 : i32
    %dma_start3A_15 = tpu.memref_slice %arg2[%add3A_11, %dma_start3A_14] : memref<160000x128xf32, #tpu.memory_space<hbm>> -> memref<40x128xf32, #tpu.memory_space<hbm>>
    tpu.enqueue_dma source(%dma_start3A_15 : memref<40x128xf32, #tpu.memory_space<hbm>>) target(%arg8 : memref<40x128xf32, #tpu.memory_space<vmem>>) target_semaphore(%arg10 : memref<!tpu.dma_semaphore, #tpu.memory_space<semaphore_mem>>)
    %scan3A = arith.constant 0 : i32
    %scan3A_16 = arith.constant 0 : i32
    %scan3A_17 = arith.constant 62 : i32
    %scan3A_18 = arith.addi %scan3A_16, %scan3A_17 : i32
    %scan3A_19 = arith.constant 1 : i32
    scf.for %scan3A_30 = %scan3A_16 to %scan3A_18 step %scan3A_19  : i32 {
      %mul3A_31 = arith.constant 2 : i32
      %mul3A_32 = arith.muli %mul3A_31, %scan3A_30 : i32
      %add3A_33 = arith.constant 0 : i32
      %add3A_34 = arith.addi %mul3A_32, %add3A_33 : i32
      %dma_wait3A_35 = arith.constant 0 : i32
      %dma_wait3A_36 = tpu.memref_slice %arg2[%mul3A_2, %dma_wait3A_35] : memref<160000x128xf32, #tpu.memory_space<hbm>> -> memref<40x128xf32, #tpu.memory_space<hbm>>
      %dma_wait3A_37 = arith.constant 0 : i32
      %dma_wait3A_38 = tpu.memref_slice %arg2[%mul3A_2, %dma_wait3A_37] : memref<160000x128xf32, #tpu.memory_space<hbm>> -> memref<40x128xf32, #tpu.memory_space<hbm>>
      tpu.wait_dma2 semaphore(%arg9 : memref<!tpu.dma_semaphore, #tpu.memory_space<semaphore_mem>>) src(%dma_wait3A_38 : memref<40x128xf32, #tpu.memory_space<hbm>>) dst(%arg7 : memref<40x128xf32, #tpu.memory_space<vmem>>)
      "tpu.region"() ({
        %run_scoped3A_60 = tpu.sem_alloc : memref<!tpu.dma_semaphore, #tpu.memory_space<semaphore_mem>>
        %dma_start3A_61 = arith.constant 0 : i32
        %dma_start3A_62 = tpu.memref_slice %arg6[%add3A_34, %dma_start3A_61] : memref<125x40xi32, #tpu.memory_space<vmem>> -> memref<1x40xi32, #tpu.memory_space<vmem>>
        %dma_start3A_63 = tpu.memref_squeeze %dma_start3A_62 : memref<1x40xi32, #tpu.memory_space<vmem>> -> memref<40xi32, #tpu.memory_space<vmem>>
        %dma_start3A_64 = arith.constant 0 : i32
        %dma_start3A_65 = arith.constant 0 : i32
        %dma_start3A_66 = tpu.memref_slice %arg11[%dma_start3A_64, %dma_start3A_65] : memref<10000x128xf32, #tpu.memory_space<vmem_shared>> -> memref<10000x128xf32, #tpu.memory_space<vmem_shared>>
        tpu.enqueue_indirect_dma source(%arg7 : memref<40x128xf32, #tpu.memory_space<vmem>>) target(%dma_start3A_66 : memref<10000x128xf32, #tpu.memory_space<vmem_shared>>) offsets(%dma_start3A_63 : memref<40xi32, #tpu.memory_space<vmem>>) semaphore(%run_scoped3A_60 : memref<!tpu.dma_semaphore, #tpu.memory_space<semaphore_mem>>) {add = true}
        %dma_wait3A_67 = arith.constant 0 : i32
        %dma_wait3A_68 = tpu.memref_slice %arg6[%add3A_34, %dma_wait3A_67] : memref<125x40xi32, #tpu.memory_space<vmem>> -> memref<1x40xi32, #tpu.memory_space<vmem>>
        %dma_wait3A_69 = tpu.memref_squeeze %dma_wait3A_68 : memref<1x40xi32, #tpu.memory_space<vmem>> -> memref<40xi32, #tpu.memory_space<vmem>>
        %dma_wait3A_70 = arith.constant 0 : i32
        %dma_wait3A_71 = arith.constant 0 : i32
        %dma_wait3A_72 = tpu.memref_slice %arg11[%dma_wait3A_70, %dma_wait3A_71] : memref<10000x128xf32, #tpu.memory_space<vmem_shared>> -> memref<10000x128xf32, #tpu.memory_space<vmem_shared>>
        tpu.wait_indirect_dma semaphore(%run_scoped3A_60 : memref<!tpu.dma_semaphore, #tpu.memory_space<semaphore_mem>>) src(%arg7 : memref<40x128xf32, #tpu.memory_space<vmem>>) dst(%dma_wait3A_72 : memref<10000x128xf32, #tpu.memory_space<vmem_shared>>)
        tpu.yield
      }) : () -> ()
      %add3A_39 = arith.constant 2 : i32
      %add3A_40 = arith.addi %add3A_34, %add3A_39 : i32
      %lt3A = arith.constant 125 : i32
      %lt3A_41 = arith.cmpi slt, %add3A_40, %lt3A : i32
      %convert_element_type3A_42 = arith.extui %lt3A_41 : i1 to i32
      %cond3A_43 = arith.constant 0 : i32
      %cond3A_44 = arith.cmpi ne, %convert_element_type3A_42, %cond3A_43 : i32
      scf.if %cond3A_44 {
        %add3A_60 = arith.constant 2 : i32
        %add3A_61 = arith.addi %add3A_34, %add3A_60 : i32
        %mul3A_62 = arith.constant 40 : i32
        %mul3A_63 = arith.muli %add3A_61, %mul3A_62 : i32
        %add3A_64 = arith.addi %mul3A_2, %mul3A_63 : i32
        %dma_start3A_65 = arith.constant 0 : i32
        %dma_start3A_66 = tpu.memref_slice %arg2[%add3A_64, %dma_start3A_65] : memref<160000x128xf32, #tpu.memory_space<hbm>> -> memref<40x128xf32, #tpu.memory_space<hbm>>
        %dma_start3A_67 = arith.constant 0 : i32
        %dma_start3A_68 = tpu.memref_slice %arg2[%add3A_64, %dma_start3A_67] : memref<160000x128xf32, #tpu.memory_space<hbm>> -> memref<40x128xf32, #tpu.memory_space<hbm>>
        tpu.enqueue_dma source(%dma_start3A_68 : memref<40x128xf32, #tpu.memory_space<hbm>>) target(%arg7 : memref<40x128xf32, #tpu.memory_space<vmem>>) target_semaphore(%arg9 : memref<!tpu.dma_semaphore, #tpu.memory_space<semaphore_mem>>)
      } else {
      }
      %mul3A_45 = arith.constant 2 : i32
      %mul3A_46 = arith.muli %mul3A_45, %scan3A_30 : i32
      %add3A_47 = arith.constant 1 : i32
      %add3A_48 = arith.addi %mul3A_46, %add3A_47 : i32
      %dma_wait3A_49 = arith.constant 0 : i32
      %dma_wait3A_50 = tpu.memref_slice %arg2[%mul3A_2, %dma_wait3A_49] : memref<160000x128xf32, #tpu.memory_space<hbm>> -> memref<40x128xf32, #tpu.memory_space<hbm>>
      %dma_wait3A_51 = arith.constant 0 : i32
      %dma_wait3A_52 = tpu.memref_slice %arg2[%mul3A_2, %dma_wait3A_51] : memref<160000x128xf32, #tpu.memory_space<hbm>> -> memref<40x128xf32, #tpu.memory_space<hbm>>
      tpu.wait_dma2 semaphore(%arg10 : memref<!tpu.dma_semaphore, #tpu.memory_space<semaphore_mem>>) src(%dma_wait3A_52 : memref<40x128xf32, #tpu.memory_space<hbm>>) dst(%arg8 : memref<40x128xf32, #tpu.memory_space<vmem>>)
      "tpu.region"() ({
        %run_scoped3A_60 = tpu.sem_alloc : memref<!tpu.dma_semaphore, #tpu.memory_space<semaphore_mem>>
        %dma_start3A_61 = arith.constant 0 : i32
        %dma_start3A_62 = tpu.memref_slice %arg6[%add3A_48, %dma_start3A_61] : memref<125x40xi32, #tpu.memory_space<vmem>> -> memref<1x40xi32, #tpu.memory_space<vmem>>
        %dma_start3A_63 = tpu.memref_squeeze %dma_start3A_62 : memref<1x40xi32, #tpu.memory_space<vmem>> -> memref<40xi32, #tpu.memory_space<vmem>>
        %dma_start3A_64 = arith.constant 0 : i32
        %dma_start3A_65 = arith.constant 0 : i32
        %dma_start3A_66 = tpu.memref_slice %arg11[%dma_start3A_64, %dma_start3A_65] : memref<10000x128xf32, #tpu.memory_space<vmem_shared>> -> memref<10000x128xf32, #tpu.memory_space<vmem_shared>>
        tpu.enqueue_indirect_dma source(%arg8 : memref<40x128xf32, #tpu.memory_space<vmem>>) target(%dma_start3A_66 : memref<10000x128xf32, #tpu.memory_space<vmem_shared>>) offsets(%dma_start3A_63 : memref<40xi32, #tpu.memory_space<vmem>>) semaphore(%run_scoped3A_60 : memref<!tpu.dma_semaphore, #tpu.memory_space<semaphore_mem>>) {add = true}
        %dma_wait3A_67 = arith.constant 0 : i32
        %dma_wait3A_68 = tpu.memref_slice %arg6[%add3A_48, %dma_wait3A_67] : memref<125x40xi32, #tpu.memory_space<vmem>> -> memref<1x40xi32, #tpu.memory_space<vmem>>
        %dma_wait3A_69 = tpu.memref_squeeze %dma_wait3A_68 : memref<1x40xi32, #tpu.memory_space<vmem>> -> memref<40xi32, #tpu.memory_space<vmem>>
        %dma_wait3A_70 = arith.constant 0 : i32
        %dma_wait3A_71 = arith.constant 0 : i32
        %dma_wait3A_72 = tpu.memref_slice %arg11[%dma_wait3A_70, %dma_wait3A_71] : memref<10000x128xf32, #tpu.memory_space<vmem_shared>> -> memref<10000x128xf32, #tpu.memory_space<vmem_shared>>
        tpu.wait_indirect_dma semaphore(%run_scoped3A_60 : memref<!tpu.dma_semaphore, #tpu.memory_space<semaphore_mem>>) src(%arg8 : memref<40x128xf32, #tpu.memory_space<vmem>>) dst(%dma_wait3A_72 : memref<10000x128xf32, #tpu.memory_space<vmem_shared>>)
        tpu.yield
      }) : () -> ()
      %add3A_53 = arith.constant 2 : i32
      %add3A_54 = arith.addi %add3A_48, %add3A_53 : i32
      %lt3A_55 = arith.constant 125 : i32
      %lt3A_56 = arith.cmpi slt, %add3A_54, %lt3A_55 : i32
      %convert_element_type3A_57 = arith.extui %lt3A_56 : i1 to i32
      %cond3A_58 = arith.constant 0 : i32
      %cond3A_59 = arith.cmpi ne, %convert_element_type3A_57, %cond3A_58 : i32
      scf.if %cond3A_59 {
        %add3A_60 = arith.constant 2 : i32
        %add3A_61 = arith.addi %add3A_48, %add3A_60 : i32
        %mul3A_62 = arith.constant 40 : i32
        %mul3A_63 = arith.muli %add3A_61, %mul3A_62 : i32
        %add3A_64 = arith.addi %mul3A_2, %mul3A_63 : i32
        %dma_start3A_65 = arith.constant 0 : i32
        %dma_start3A_66 = tpu.memref_slice %arg2[%add3A_64, %dma_start3A_65] : memref<160000x128xf32, #tpu.memory_space<hbm>> -> memref<40x128xf32, #tpu.memory_space<hbm>>
        %dma_start3A_67 = arith.constant 0 : i32
        %dma_start3A_68 = tpu.memref_slice %arg2[%add3A_64, %dma_start3A_67] : memref<160000x128xf32, #tpu.memory_space<hbm>> -> memref<40x128xf32, #tpu.memory_space<hbm>>
        tpu.enqueue_dma source(%dma_start3A_68 : memref<40x128xf32, #tpu.memory_space<hbm>>) target(%arg8 : memref<40x128xf32, #tpu.memory_space<vmem>>) target_semaphore(%arg10 : memref<!tpu.dma_semaphore, #tpu.memory_space<semaphore_mem>>)
      } else {
      }
    }
    %scan3A_20 = arith.constant 62 : i32
    %dma_wait3A = arith.constant 0 : i32
    %dma_wait3A_21 = tpu.memref_slice %arg2[%mul3A_2, %dma_wait3A] : memref<160000x128xf32, #tpu.memory_space<hbm>> -> memref<40x128xf32, #tpu.memory_space<hbm>>
    %dma_wait3A_22 = arith.constant 0 : i32
    %dma_wait3A_23 = tpu.memref_slice %arg2[%mul3A_2, %dma_wait3A_22] : memref<160000x128xf32, #tpu.memory_space<hbm>> -> memref<40x128xf32, #tpu.memory_space<hbm>>
    tpu.wait_dma2 semaphore(%arg9 : memref<!tpu.dma_semaphore, #tpu.memory_space<semaphore_mem>>) src(%dma_wait3A_23 : memref<40x128xf32, #tpu.memory_space<hbm>>) dst(%arg7 : memref<40x128xf32, #tpu.memory_space<vmem>>)
    %run_scoped3A = arith.constant 124 : i32
    "tpu.region"() ({
      %run_scoped3A_30 = tpu.sem_alloc : memref<!tpu.dma_semaphore, #tpu.memory_space<semaphore_mem>>
      %dma_start3A_31 = arith.constant 0 : i32
      %dma_start3A_32 = tpu.memref_slice %arg6[%run_scoped3A, %dma_start3A_31] : memref<125x40xi32, #tpu.memory_space<vmem>> -> memref<1x40xi32, #tpu.memory_space<vmem>>
      %dma_start3A_33 = tpu.memref_squeeze %dma_start3A_32 : memref<1x40xi32, #tpu.memory_space<vmem>> -> memref<40xi32, #tpu.memory_space<vmem>>
      %dma_start3A_34 = arith.constant 0 : i32
      %dma_start3A_35 = arith.constant 0 : i32
      %dma_start3A_36 = tpu.memref_slice %arg11[%dma_start3A_34, %dma_start3A_35] : memref<10000x128xf32, #tpu.memory_space<vmem_shared>> -> memref<10000x128xf32, #tpu.memory_space<vmem_shared>>
      tpu.enqueue_indirect_dma source(%arg7 : memref<40x128xf32, #tpu.memory_space<vmem>>) target(%dma_start3A_36 : memref<10000x128xf32, #tpu.memory_space<vmem_shared>>) offsets(%dma_start3A_33 : memref<40xi32, #tpu.memory_space<vmem>>) semaphore(%run_scoped3A_30 : memref<!tpu.dma_semaphore, #tpu.memory_space<semaphore_mem>>) {add = true}
      %dma_wait3A_37 = arith.constant 0 : i32
      %dma_wait3A_38 = tpu.memref_slice %arg6[%run_scoped3A, %dma_wait3A_37] : memref<125x40xi32, #tpu.memory_space<vmem>> -> memref<1x40xi32, #tpu.memory_space<vmem>>
      %dma_wait3A_39 = tpu.memref_squeeze %dma_wait3A_38 : memref<1x40xi32, #tpu.memory_space<vmem>> -> memref<40xi32, #tpu.memory_space<vmem>>
      %dma_wait3A_40 = arith.constant 0 : i32
      %dma_wait3A_41 = arith.constant 0 : i32
      %dma_wait3A_42 = tpu.memref_slice %arg11[%dma_wait3A_40, %dma_wait3A_41] : memref<10000x128xf32, #tpu.memory_space<vmem_shared>> -> memref<10000x128xf32, #tpu.memory_space<vmem_shared>>
      tpu.wait_indirect_dma semaphore(%run_scoped3A_30 : memref<!tpu.dma_semaphore, #tpu.memory_space<semaphore_mem>>) src(%arg7 : memref<40x128xf32, #tpu.memory_space<vmem>>) dst(%dma_wait3A_42 : memref<10000x128xf32, #tpu.memory_space<vmem_shared>>)
      tpu.yield
    }) : () -> ()
    %barrier3A_24 = arith.constant 0 : index
    tpu.barrier barrier_id(%barrier3A_24)
    %eq3A_25 = arith.constant 0 : i32
    %eq3A_26 = arith.cmpi eq, %arg1, %eq3A_25 : i32
    %convert_element_type3A_27 = arith.extui %eq3A_26 : i1 to i32
    %cond3A_28 = arith.constant 0 : i32
    %cond3A_29 = arith.cmpi ne, %convert_element_type3A_27, %cond3A_28 : i32
    scf.if %cond3A_29 {
      "tpu.region"() ({
        %run_scoped3A_30 = tpu.sem_alloc : memref<!tpu.dma_semaphore, #tpu.memory_space<semaphore_mem>>
        %dma_start3A_31 = arith.constant 0 : i32
        %dma_start3A_32 = arith.constant 0 : i32
        %dma_start3A_33 = tpu.memref_slice %arg5[%arg0, %dma_start3A_31, %dma_start3A_32] : memref<2x10000x128xf32, #tpu.memory_space<hbm>> -> memref<1x10000x128xf32, #tpu.memory_space<hbm>>
        %dma_start3A_34 = tpu.memref_squeeze %dma_start3A_33 : memref<1x10000x128xf32, #tpu.memory_space<hbm>> -> memref<10000x128xf32, #tpu.memory_space<hbm>>
        tpu.enqueue_dma source(%arg11 : memref<10000x128xf32, #tpu.memory_space<vmem_shared>>) target(%dma_start3A_34 : memref<10000x128xf32, #tpu.memory_space<hbm>>) target_semaphore(%run_scoped3A_30 : memref<!tpu.dma_semaphore, #tpu.memory_space<semaphore_mem>>)
        %dma_wait3A_35 = arith.constant 0 : i32
        %dma_wait3A_36 = arith.constant 0 : i32
        %dma_wait3A_37 = tpu.memref_slice %arg5[%arg0, %dma_wait3A_35, %dma_wait3A_36] : memref<2x10000x128xf32, #tpu.memory_space<hbm>> -> memref<1x10000x128xf32, #tpu.memory_space<hbm>>
        %dma_wait3A_38 = tpu.memref_squeeze %dma_wait3A_37 : memref<1x10000x128xf32, #tpu.memory_space<hbm>> -> memref<10000x128xf32, #tpu.memory_space<hbm>>
        tpu.wait_dma2 semaphore(%run_scoped3A_30 : memref<!tpu.dma_semaphore, #tpu.memory_space<semaphore_mem>>) src(%arg11 : memref<10000x128xf32, #tpu.memory_space<vmem_shared>>) dst(%dma_wait3A_38 : memref<10000x128xf32, #tpu.memory_space<hbm>>)
        tpu.yield
      }) : () -> ()
    } else {
    }
    return
  }
}

#map = affine_map<(d0, d1) -> (0, 0)>
#map1 = affine_map<(d0, d1) -> (0)>
module attributes {stable_mosaic.version = 14 : i64} {
  func.func @_k2_body(%arg0: i32, %arg1: i32, %arg2: memref<10000x384xi32, #tpu.memory_space<hbm>>, %arg3: memref<10000x256xi32, #tpu.memory_space<hbm>>, %arg4: memref<160000xi32, #tpu.memory_space<hbm>>, %arg5: memref<160000xi32, #tpu.memory_space<hbm>>, %arg6: memref<160000x384xi32, #tpu.memory_space<hbm>>, %arg7: memref<160000x256xi32, #tpu.memory_space<hbm>>, %arg8: memref<96xi32, #tpu.memory_space<vmem>>, %arg9: memref<96xi32, #tpu.memory_space<vmem>>, %arg10: memref<96xi32, #tpu.memory_space<vmem>>, %arg11: memref<96xi32, #tpu.memory_space<vmem>>, %arg12: memref<96x384xi32, #tpu.memory_space<vmem>>, %arg13: memref<96x384xi32, #tpu.memory_space<vmem>>, %arg14: memref<96x256xi32, #tpu.memory_space<vmem>>, %arg15: memref<96x256xi32, #tpu.memory_space<vmem>>, %arg16: memref<!tpu.dma_semaphore, #tpu.memory_space<semaphore_mem>>, %arg17: memref<!tpu.dma_semaphore, #tpu.memory_space<semaphore_mem>>, %arg18: memref<!tpu.dma_semaphore, #tpu.memory_space<semaphore_mem>>, %arg19: memref<!tpu.dma_semaphore, #tpu.memory_space<semaphore_mem>>) attributes {dimension_semantics = [#tpu.dimension_semantics<core_parallel>, #tpu.dimension_semantics<subcore_parallel>], iteration_bounds = array<i64: 2, 16>, scalar_prefetch = 0 : i64, scratch_operands = 12 : i64, tpu.core_type = #tpu.core_type<sc_vector_subcore>, window_params = [{transform_indices = #map}, {transform_indices = #map}, {transform_indices = #map1}, {transform_indices = #map1}, {transform_indices = #map}, {transform_indices = #map}]} {
    %mul3A = arith.constant 2 : i32
    %mul3A_0 = arith.muli %arg1, %mul3A : i32
    %add3A = arith.addi %mul3A_0, %arg0 : i32
    %mul3A_1 = arith.constant 5000 : i32
    %mul3A_2 = arith.muli %add3A, %mul3A_1 : i32
    "tpu.region"() ({
      %run_scoped3A = tpu.sem_alloc : memref<!tpu.dma_semaphore, #tpu.memory_space<semaphore_mem>>
      %dma_start3A_54 = tpu.memref_slice %arg4[%mul3A_2] : memref<160000xi32, #tpu.memory_space<hbm>> -> memref<96xi32, #tpu.memory_space<hbm>>
      %dma_start3A_55 = tpu.memref_slice %arg4[%mul3A_2] : memref<160000xi32, #tpu.memory_space<hbm>> -> memref<96xi32, #tpu.memory_space<hbm>>
      tpu.enqueue_dma source(%dma_start3A_55 : memref<96xi32, #tpu.memory_space<hbm>>) target(%arg8 : memref<96xi32, #tpu.memory_space<vmem>>) target_semaphore(%run_scoped3A : memref<!tpu.dma_semaphore, #tpu.memory_space<semaphore_mem>>)
      %dma_wait3A_56 = tpu.memref_slice %arg4[%mul3A_2] : memref<160000xi32, #tpu.memory_space<hbm>> -> memref<96xi32, #tpu.memory_space<hbm>>
      %dma_wait3A_57 = tpu.memref_slice %arg4[%mul3A_2] : memref<160000xi32, #tpu.memory_space<hbm>> -> memref<96xi32, #tpu.memory_space<hbm>>
      tpu.wait_dma2 semaphore(%run_scoped3A : memref<!tpu.dma_semaphore, #tpu.memory_space<semaphore_mem>>) src(%dma_wait3A_57 : memref<96xi32, #tpu.memory_space<hbm>>) dst(%arg8 : memref<96xi32, #tpu.memory_space<vmem>>)
      tpu.yield
    }) : () -> ()
    "tpu.region"() ({
      %run_scoped3A = tpu.sem_alloc : memref<!tpu.dma_semaphore, #tpu.memory_space<semaphore_mem>>
      %dma_start3A_54 = tpu.memref_slice %arg5[%mul3A_2] : memref<160000xi32, #tpu.memory_space<hbm>> -> memref<96xi32, #tpu.memory_space<hbm>>
      %dma_start3A_55 = tpu.memref_slice %arg5[%mul3A_2] : memref<160000xi32, #tpu.memory_space<hbm>> -> memref<96xi32, #tpu.memory_space<hbm>>
      tpu.enqueue_dma source(%dma_start3A_55 : memref<96xi32, #tpu.memory_space<hbm>>) target(%arg10 : memref<96xi32, #tpu.memory_space<vmem>>) target_semaphore(%run_scoped3A : memref<!tpu.dma_semaphore, #tpu.memory_space<semaphore_mem>>)
      %dma_wait3A_56 = tpu.memref_slice %arg5[%mul3A_2] : memref<160000xi32, #tpu.memory_space<hbm>> -> memref<96xi32, #tpu.memory_space<hbm>>
      %dma_wait3A_57 = tpu.memref_slice %arg5[%mul3A_2] : memref<160000xi32, #tpu.memory_space<hbm>> -> memref<96xi32, #tpu.memory_space<hbm>>
      tpu.wait_dma2 semaphore(%run_scoped3A : memref<!tpu.dma_semaphore, #tpu.memory_space<semaphore_mem>>) src(%dma_wait3A_57 : memref<96xi32, #tpu.memory_space<hbm>>) dst(%arg10 : memref<96xi32, #tpu.memory_space<vmem>>)
      tpu.yield
    }) : () -> ()
    %dma_start3A = arith.constant 0 : i32
    %dma_start3A_3 = arith.constant 0 : i32
    %dma_start3A_4 = tpu.memref_slice %arg2[%dma_start3A, %dma_start3A_3] : memref<10000x384xi32, #tpu.memory_space<hbm>> -> memref<10000x384xi32, #tpu.memory_space<hbm>>
    tpu.enqueue_indirect_dma source(%dma_start3A_4 : memref<10000x384xi32, #tpu.memory_space<hbm>>) target(%arg12 : memref<96x384xi32, #tpu.memory_space<vmem>>) offsets(%arg8 : memref<96xi32, #tpu.memory_space<vmem>>) semaphore(%arg16 : memref<!tpu.dma_semaphore, #tpu.memory_space<semaphore_mem>>)
    %dma_start3A_5 = arith.constant 0 : i32
    %dma_start3A_6 = arith.constant 0 : i32
    %dma_start3A_7 = tpu.memref_slice %arg3[%dma_start3A_5, %dma_start3A_6] : memref<10000x256xi32, #tpu.memory_space<hbm>> -> memref<10000x256xi32, #tpu.memory_space<hbm>>
    tpu.enqueue_indirect_dma source(%dma_start3A_7 : memref<10000x256xi32, #tpu.memory_space<hbm>>) target(%arg14 : memref<96x256xi32, #tpu.memory_space<vmem>>) offsets(%arg10 : memref<96xi32, #tpu.memory_space<vmem>>) semaphore(%arg18 : memref<!tpu.dma_semaphore, #tpu.memory_space<semaphore_mem>>)
    %add3A_8 = arith.constant 96 : i32
    %add3A_9 = arith.addi %mul3A_2, %add3A_8 : i32
    "tpu.region"() ({
      %run_scoped3A = tpu.sem_alloc : memref<!tpu.dma_semaphore, #tpu.memory_space<semaphore_mem>>
      %dma_start3A_54 = tpu.memref_slice %arg4[%add3A_9] : memref<160000xi32, #tpu.memory_space<hbm>> -> memref<96xi32, #tpu.memory_space<hbm>>
      %dma_start3A_55 = tpu.memref_slice %arg4[%add3A_9] : memref<160000xi32, #tpu.memory_space<hbm>> -> memref<96xi32, #tpu.memory_space<hbm>>
      tpu.enqueue_dma source(%dma_start3A_55 : memref<96xi32, #tpu.memory_space<hbm>>) target(%arg9 : memref<96xi32, #tpu.memory_space<vmem>>) target_semaphore(%run_scoped3A : memref<!tpu.dma_semaphore, #tpu.memory_space<semaphore_mem>>)
      %dma_wait3A_56 = tpu.memref_slice %arg4[%add3A_9] : memref<160000xi32, #tpu.memory_space<hbm>> -> memref<96xi32, #tpu.memory_space<hbm>>
      %dma_wait3A_57 = tpu.memref_slice %arg4[%add3A_9] : memref<160000xi32, #tpu.memory_space<hbm>> -> memref<96xi32, #tpu.memory_space<hbm>>
      tpu.wait_dma2 semaphore(%run_scoped3A : memref<!tpu.dma_semaphore, #tpu.memory_space<semaphore_mem>>) src(%dma_wait3A_57 : memref<96xi32, #tpu.memory_space<hbm>>) dst(%arg9 : memref<96xi32, #tpu.memory_space<vmem>>)
      tpu.yield
    }) : () -> ()
    "tpu.region"() ({
      %run_scoped3A = tpu.sem_alloc : memref<!tpu.dma_semaphore, #tpu.memory_space<semaphore_mem>>
      %dma_start3A_54 = tpu.memref_slice %arg5[%add3A_9] : memref<160000xi32, #tpu.memory_space<hbm>> -> memref<96xi32, #tpu.memory_space<hbm>>
      %dma_start3A_55 = tpu.memref_slice %arg5[%add3A_9] : memref<160000xi32, #tpu.memory_space<hbm>> -> memref<96xi32, #tpu.memory_space<hbm>>
      tpu.enqueue_dma source(%dma_start3A_55 : memref<96xi32, #tpu.memory_space<hbm>>) target(%arg11 : memref<96xi32, #tpu.memory_space<vmem>>) target_semaphore(%run_scoped3A : memref<!tpu.dma_semaphore, #tpu.memory_space<semaphore_mem>>)
      %dma_wait3A_56 = tpu.memref_slice %arg5[%add3A_9] : memref<160000xi32, #tpu.memory_space<hbm>> -> memref<96xi32, #tpu.memory_space<hbm>>
      %dma_wait3A_57 = tpu.memref_slice %arg5[%add3A_9] : memref<160000xi32, #tpu.memory_space<hbm>> -> memref<96xi32, #tpu.memory_space<hbm>>
      tpu.wait_dma2 semaphore(%run_scoped3A : memref<!tpu.dma_semaphore, #tpu.memory_space<semaphore_mem>>) src(%dma_wait3A_57 : memref<96xi32, #tpu.memory_space<hbm>>) dst(%arg11 : memref<96xi32, #tpu.memory_space<vmem>>)
      tpu.yield
    }) : () -> ()
    %dma_start3A_10 = arith.constant 0 : i32
    %dma_start3A_11 = arith.constant 0 : i32
    %dma_start3A_12 = tpu.memref_slice %arg2[%dma_start3A_10, %dma_start3A_11] : memref<10000x384xi32, #tpu.memory_space<hbm>> -> memref<10000x384xi32, #tpu.memory_space<hbm>>
    tpu.enqueue_indirect_dma source(%dma_start3A_12 : memref<10000x384xi32, #tpu.memory_space<hbm>>) target(%arg13 : memref<96x384xi32, #tpu.memory_space<vmem>>) offsets(%arg9 : memref<96xi32, #tpu.memory_space<vmem>>) semaphore(%arg17 : memref<!tpu.dma_semaphore, #tpu.memory_space<semaphore_mem>>)
    %dma_start3A_13 = arith.constant 0 : i32
    %dma_start3A_14 = arith.constant 0 : i32
    %dma_start3A_15 = tpu.memref_slice %arg3[%dma_start3A_13, %dma_start3A_14] : memref<10000x256xi32, #tpu.memory_space<hbm>> -> memref<10000x256xi32, #tpu.memory_space<hbm>>
    tpu.enqueue_indirect_dma source(%dma_start3A_15 : memref<10000x256xi32, #tpu.memory_space<hbm>>) target(%arg15 : memref<96x256xi32, #tpu.memory_space<vmem>>) offsets(%arg11 : memref<96xi32, #tpu.memory_space<vmem>>) semaphore(%arg19 : memref<!tpu.dma_semaphore, #tpu.memory_space<semaphore_mem>>)
    %scan3A = arith.constant 0 : i32
    %scan3A_16 = arith.constant 0 : i32
    %scan3A_17 = arith.constant 26 : i32
    %scan3A_18 = arith.addi %scan3A_16, %scan3A_17 : i32
    %scan3A_19 = arith.constant 1 : i32
    scf.for %scan3A_54 = %scan3A_16 to %scan3A_18 step %scan3A_19  : i32 {
      %mul3A_55 = arith.constant 2 : i32
      %mul3A_56 = arith.muli %mul3A_55, %scan3A_54 : i32
      %add3A_57 = arith.constant 0 : i32
      %add3A_58 = arith.addi %mul3A_56, %add3A_57 : i32
      %dma_wait3A_59 = arith.constant 0 : i32
      %dma_wait3A_60 = arith.constant 0 : i32
      %dma_wait3A_61 = tpu.memref_slice %arg2[%dma_wait3A_59, %dma_wait3A_60] : memref<10000x384xi32, #tpu.memory_space<hbm>> -> memref<10000x384xi32, #tpu.memory_space<hbm>>
      tpu.wait_indirect_dma semaphore(%arg16 : memref<!tpu.dma_semaphore, #tpu.memory_space<semaphore_mem>>) src(%dma_wait3A_61 : memref<10000x384xi32, #tpu.memory_space<hbm>>) dst(%arg12 : memref<96x384xi32, #tpu.memory_space<vmem>>)
      %dma_wait3A_62 = arith.constant 0 : i32
      %dma_wait3A_63 = arith.constant 0 : i32
      %dma_wait3A_64 = tpu.memref_slice %arg3[%dma_wait3A_62, %dma_wait3A_63] : memref<10000x256xi32, #tpu.memory_space<hbm>> -> memref<10000x256xi32, #tpu.memory_space<hbm>>
      tpu.wait_indirect_dma semaphore(%arg18 : memref<!tpu.dma_semaphore, #tpu.memory_space<semaphore_mem>>) src(%dma_wait3A_64 : memref<10000x256xi32, #tpu.memory_space<hbm>>) dst(%arg14 : memref<96x256xi32, #tpu.memory_space<vmem>>)
      %mul3A_65 = arith.constant 96 : i32
      %mul3A_66 = arith.muli %add3A_58, %mul3A_65 : i32
      %add3A_67 = arith.addi %mul3A_2, %mul3A_66 : i32
      "tpu.region"() ({
        %run_scoped3A = tpu.sem_alloc : memref<!tpu.dma_semaphore, #tpu.memory_space<semaphore_mem>>
        %dma_start3A_92 = arith.constant 0 : i32
        %dma_start3A_93 = tpu.memref_slice %arg6[%add3A_67, %dma_start3A_92] : memref<160000x384xi32, #tpu.memory_space<hbm>> -> memref<96x384xi32, #tpu.memory_space<hbm>>
        %dma_start3A_94 = arith.constant 0 : i32
        %dma_start3A_95 = tpu.memref_slice %arg6[%add3A_67, %dma_start3A_94] : memref<160000x384xi32, #tpu.memory_space<hbm>> -> memref<96x384xi32, #tpu.memory_space<hbm>>
        tpu.enqueue_dma source(%arg12 : memref<96x384xi32, #tpu.memory_space<vmem>>) target(%dma_start3A_95 : memref<96x384xi32, #tpu.memory_space<hbm>>) target_semaphore(%run_scoped3A : memref<!tpu.dma_semaphore, #tpu.memory_space<semaphore_mem>>)
        %dma_wait3A_96 = arith.constant 0 : i32
        %dma_wait3A_97 = tpu.memref_slice %arg6[%add3A_67, %dma_wait3A_96] : memref<160000x384xi32, #tpu.memory_space<hbm>> -> memref<96x384xi32, #tpu.memory_space<hbm>>
        %dma_wait3A_98 = arith.constant 0 : i32
        %dma_wait3A_99 = tpu.memref_slice %arg6[%add3A_67, %dma_wait3A_98] : memref<160000x384xi32, #tpu.memory_space<hbm>> -> memref<96x384xi32, #tpu.memory_space<hbm>>
        tpu.wait_dma2 semaphore(%run_scoped3A : memref<!tpu.dma_semaphore, #tpu.memory_space<semaphore_mem>>) src(%arg12 : memref<96x384xi32, #tpu.memory_space<vmem>>) dst(%dma_wait3A_99 : memref<96x384xi32, #tpu.memory_space<hbm>>)
        tpu.yield
      }) : () -> ()
      "tpu.region"() ({
        %run_scoped3A = tpu.sem_alloc : memref<!tpu.dma_semaphore, #tpu.memory_space<semaphore_mem>>
        %dma_start3A_92 = arith.constant 0 : i32
        %dma_start3A_93 = tpu.memref_slice %arg7[%add3A_67, %dma_start3A_92] : memref<160000x256xi32, #tpu.memory_space<hbm>> -> memref<96x256xi32, #tpu.memory_space<hbm>>
        %dma_start3A_94 = arith.constant 0 : i32
        %dma_start3A_95 = tpu.memref_slice %arg7[%add3A_67, %dma_start3A_94] : memref<160000x256xi32, #tpu.memory_space<hbm>> -> memref<96x256xi32, #tpu.memory_space<hbm>>
        tpu.enqueue_dma source(%arg14 : memref<96x256xi32, #tpu.memory_space<vmem>>) target(%dma_start3A_95 : memref<96x256xi32, #tpu.memory_space<hbm>>) target_semaphore(%run_scoped3A : memref<!tpu.dma_semaphore, #tpu.memory_space<semaphore_mem>>)
        %dma_wait3A_96 = arith.constant 0 : i32
        %dma_wait3A_97 = tpu.memref_slice %arg7[%add3A_67, %dma_wait3A_96] : memref<160000x256xi32, #tpu.memory_space<hbm>> -> memref<96x256xi32, #tpu.memory_space<hbm>>
        %dma_wait3A_98 = arith.constant 0 : i32
        %dma_wait3A_99 = tpu.memref_slice %arg7[%add3A_67, %dma_wait3A_98] : memref<160000x256xi32, #tpu.memory_space<hbm>> -> memref<96x256xi32, #tpu.memory_space<hbm>>
        tpu.wait_dma2 semaphore(%run_scoped3A : memref<!tpu.dma_semaphore, #tpu.memory_space<semaphore_mem>>) src(%arg14 : memref<96x256xi32, #tpu.memory_space<vmem>>) dst(%dma_wait3A_99 : memref<96x256xi32, #tpu.memory_space<hbm>>)
        tpu.yield
      }) : () -> ()
      %add3A_68 = arith.constant 2 : i32
      %add3A_69 = arith.addi %add3A_58, %add3A_68 : i32
      %lt3A = arith.constant 52 : i32
      %lt3A_70 = arith.cmpi slt, %add3A_69, %lt3A : i32
      %convert_element_type3A = arith.extui %lt3A_70 : i1 to i32
      %cond3A = arith.constant 0 : i32
      %cond3A_71 = arith.cmpi ne, %convert_element_type3A, %cond3A : i32
      scf.if %cond3A_71 {
        %add3A_92 = arith.constant 2 : i32
        %add3A_93 = arith.addi %add3A_58, %add3A_92 : i32
        %mul3A_94 = arith.constant 96 : i32
        %mul3A_95 = arith.muli %add3A_93, %mul3A_94 : i32
        %add3A_96 = arith.addi %mul3A_2, %mul3A_95 : i32
        "tpu.region"() ({
          %run_scoped3A = tpu.sem_alloc : memref<!tpu.dma_semaphore, #tpu.memory_space<semaphore_mem>>
          %dma_start3A_103 = tpu.memref_slice %arg4[%add3A_96] : memref<160000xi32, #tpu.memory_space<hbm>> -> memref<96xi32, #tpu.memory_space<hbm>>
          %dma_start3A_104 = tpu.memref_slice %arg4[%add3A_96] : memref<160000xi32, #tpu.memory_space<hbm>> -> memref<96xi32, #tpu.memory_space<hbm>>
          tpu.enqueue_dma source(%dma_start3A_104 : memref<96xi32, #tpu.memory_space<hbm>>) target(%arg8 : memref<96xi32, #tpu.memory_space<vmem>>) target_semaphore(%run_scoped3A : memref<!tpu.dma_semaphore, #tpu.memory_space<semaphore_mem>>)
          %dma_wait3A_105 = tpu.memref_slice %arg4[%add3A_96] : memref<160000xi32, #tpu.memory_space<hbm>> -> memref<96xi32, #tpu.memory_space<hbm>>
          %dma_wait3A_106 = tpu.memref_slice %arg4[%add3A_96] : memref<160000xi32, #tpu.memory_space<hbm>> -> memref<96xi32, #tpu.memory_space<hbm>>
          tpu.wait_dma2 semaphore(%run_scoped3A : memref<!tpu.dma_semaphore, #tpu.memory_space<semaphore_mem>>) src(%dma_wait3A_106 : memref<96xi32, #tpu.memory_space<hbm>>) dst(%arg8 : memref<96xi32, #tpu.memory_space<vmem>>)
          tpu.yield
        }) : () -> ()
        "tpu.region"() ({
          %run_scoped3A = tpu.sem_alloc : memref<!tpu.dma_semaphore, #tpu.memory_space<semaphore_mem>>
          %dma_start3A_103 = tpu.memref_slice %arg5[%add3A_96] : memref<160000xi32, #tpu.memory_space<hbm>> -> memref<96xi32, #tpu.memory_space<hbm>>
          %dma_start3A_104 = tpu.memref_slice %arg5[%add3A_96] : memref<160000xi32, #tpu.memory_space<hbm>> -> memref<96xi32, #tpu.memory_space<hbm>>
          tpu.enqueue_dma source(%dma_start3A_104 : memref<96xi32, #tpu.memory_space<hbm>>) target(%arg10 : memref<96xi32, #tpu.memory_space<vmem>>) target_semaphore(%run_scoped3A : memref<!tpu.dma_semaphore, #tpu.memory_space<semaphore_mem>>)
          %dma_wait3A_105 = tpu.memref_slice %arg5[%add3A_96] : memref<160000xi32, #tpu.memory_space<hbm>> -> memref<96xi32, #tpu.memory_space<hbm>>
          %dma_wait3A_106 = tpu.memref_slice %arg5[%add3A_96] : memref<160000xi32, #tpu.memory_space<hbm>> -> memref<96xi32, #tpu.memory_space<hbm>>
          tpu.wait_dma2 semaphore(%run_scoped3A : memref<!tpu.dma_semaphore, #tpu.memory_space<semaphore_mem>>) src(%dma_wait3A_106 : memref<96xi32, #tpu.memory_space<hbm>>) dst(%arg10 : memref<96xi32, #tpu.memory_space<vmem>>)
          tpu.yield
        }) : () -> ()
        %dma_start3A_97 = arith.constant 0 : i32
        %dma_start3A_98 = arith.constant 0 : i32
        %dma_start3A_99 = tpu.memref_slice %arg2[%dma_start3A_97, %dma_start3A_98] : memref<10000x384xi32, #tpu.memory_space<hbm>> -> memref<10000x384xi32, #tpu.memory_space<hbm>>
        tpu.enqueue_indirect_dma source(%dma_start3A_99 : memref<10000x384xi32, #tpu.memory_space<hbm>>) target(%arg12 : memref<96x384xi32, #tpu.memory_space<vmem>>) offsets(%arg8 : memref<96xi32, #tpu.memory_space<vmem>>) semaphore(%arg16 : memref<!tpu.dma_semaphore, #tpu.memory_space<semaphore_mem>>)
        %dma_start3A_100 = arith.constant 0 : i32
        %dma_start3A_101 = arith.constant 0 : i32
        %dma_start3A_102 = tpu.memref_slice %arg3[%dma_start3A_100, %dma_start3A_101] : memref<10000x256xi32, #tpu.memory_space<hbm>> -> memref<10000x256xi32, #tpu.memory_space<hbm>>
        tpu.enqueue_indirect_dma source(%dma_start3A_102 : memref<10000x256xi32, #tpu.memory_space<hbm>>) target(%arg14 : memref<96x256xi32, #tpu.memory_space<vmem>>) offsets(%arg10 : memref<96xi32, #tpu.memory_space<vmem>>) semaphore(%arg18 : memref<!tpu.dma_semaphore, #tpu.memory_space<semaphore_mem>>)
      } else {
      }
      %mul3A_72 = arith.constant 2 : i32
      %mul3A_73 = arith.muli %mul3A_72, %scan3A_54 : i32
      %add3A_74 = arith.constant 1 : i32
      %add3A_75 = arith.addi %mul3A_73, %add3A_74 : i32
      %dma_wait3A_76 = arith.constant 0 : i32
      %dma_wait3A_77 = arith.constant 0 : i32
      %dma_wait3A_78 = tpu.memref_slice %arg2[%dma_wait3A_76, %dma_wait3A_77] : memref<10000x384xi32, #tpu.memory_space<hbm>> -> memref<10000x384xi32, #tpu.memory_space<hbm>>
      tpu.wait_indirect_dma semaphore(%arg17 : memref<!tpu.dma_semaphore, #tpu.memory_space<semaphore_mem>>) src(%dma_wait3A_78 : memref<10000x384xi32, #tpu.memory_space<hbm>>) dst(%arg13 : memref<96x384xi32, #tpu.memory_space<vmem>>)
      %dma_wait3A_79 = arith.constant 0 : i32
      %dma_wait3A_80 = arith.constant 0 : i32
      %dma_wait3A_81 = tpu.memref_slice %arg3[%dma_wait3A_79, %dma_wait3A_80] : memref<10000x256xi32, #tpu.memory_space<hbm>> -> memref<10000x256xi32, #tpu.memory_space<hbm>>
      tpu.wait_indirect_dma semaphore(%arg19 : memref<!tpu.dma_semaphore, #tpu.memory_space<semaphore_mem>>) src(%dma_wait3A_81 : memref<10000x256xi32, #tpu.memory_space<hbm>>) dst(%arg15 : memref<96x256xi32, #tpu.memory_space<vmem>>)
      %mul3A_82 = arith.constant 96 : i32
      %mul3A_83 = arith.muli %add3A_75, %mul3A_82 : i32
      %add3A_84 = arith.addi %mul3A_2, %mul3A_83 : i32
      "tpu.region"() ({
        %run_scoped3A = tpu.sem_alloc : memref<!tpu.dma_semaphore, #tpu.memory_space<semaphore_mem>>
        %dma_start3A_92 = arith.constant 0 : i32
        %dma_start3A_93 = tpu.memref_slice %arg6[%add3A_84, %dma_start3A_92] : memref<160000x384xi32, #tpu.memory_space<hbm>> -> memref<96x384xi32, #tpu.memory_space<hbm>>
        %dma_start3A_94 = arith.constant 0 : i32
        %dma_start3A_95 = tpu.memref_slice %arg6[%add3A_84, %dma_start3A_94] : memref<160000x384xi32, #tpu.memory_space<hbm>> -> memref<96x384xi32, #tpu.memory_space<hbm>>
        tpu.enqueue_dma source(%arg13 : memref<96x384xi32, #tpu.memory_space<vmem>>) target(%dma_start3A_95 : memref<96x384xi32, #tpu.memory_space<hbm>>) target_semaphore(%run_scoped3A : memref<!tpu.dma_semaphore, #tpu.memory_space<semaphore_mem>>)
        %dma_wait3A_96 = arith.constant 0 : i32
        %dma_wait3A_97 = tpu.memref_slice %arg6[%add3A_84, %dma_wait3A_96] : memref<160000x384xi32, #tpu.memory_space<hbm>> -> memref<96x384xi32, #tpu.memory_space<hbm>>
        %dma_wait3A_98 = arith.constant 0 : i32
        %dma_wait3A_99 = tpu.memref_slice %arg6[%add3A_84, %dma_wait3A_98] : memref<160000x384xi32, #tpu.memory_space<hbm>> -> memref<96x384xi32, #tpu.memory_space<hbm>>
        tpu.wait_dma2 semaphore(%run_scoped3A : memref<!tpu.dma_semaphore, #tpu.memory_space<semaphore_mem>>) src(%arg13 : memref<96x384xi32, #tpu.memory_space<vmem>>) dst(%dma_wait3A_99 : memref<96x384xi32, #tpu.memory_space<hbm>>)
        tpu.yield
      }) : () -> ()
      "tpu.region"() ({
        %run_scoped3A = tpu.sem_alloc : memref<!tpu.dma_semaphore, #tpu.memory_space<semaphore_mem>>
        %dma_start3A_92 = arith.constant 0 : i32
        %dma_start3A_93 = tpu.memref_slice %arg7[%add3A_84, %dma_start3A_92] : memref<160000x256xi32, #tpu.memory_space<hbm>> -> memref<96x256xi32, #tpu.memory_space<hbm>>
        %dma_start3A_94 = arith.constant 0 : i32
        %dma_start3A_95 = tpu.memref_slice %arg7[%add3A_84, %dma_start3A_94] : memref<160000x256xi32, #tpu.memory_space<hbm>> -> memref<96x256xi32, #tpu.memory_space<hbm>>
        tpu.enqueue_dma source(%arg15 : memref<96x256xi32, #tpu.memory_space<vmem>>) target(%dma_start3A_95 : memref<96x256xi32, #tpu.memory_space<hbm>>) target_semaphore(%run_scoped3A : memref<!tpu.dma_semaphore, #tpu.memory_space<semaphore_mem>>)
        %dma_wait3A_96 = arith.constant 0 : i32
        %dma_wait3A_97 = tpu.memref_slice %arg7[%add3A_84, %dma_wait3A_96] : memref<160000x256xi32, #tpu.memory_space<hbm>> -> memref<96x256xi32, #tpu.memory_space<hbm>>
        %dma_wait3A_98 = arith.constant 0 : i32
        %dma_wait3A_99 = tpu.memref_slice %arg7[%add3A_84, %dma_wait3A_98] : memref<160000x256xi32, #tpu.memory_space<hbm>> -> memref<96x256xi32, #tpu.memory_space<hbm>>
        tpu.wait_dma2 semaphore(%run_scoped3A : memref<!tpu.dma_semaphore, #tpu.memory_space<semaphore_mem>>) src(%arg15 : memref<96x256xi32, #tpu.memory_space<vmem>>) dst(%dma_wait3A_99 : memref<96x256xi32, #tpu.memory_space<hbm>>)
        tpu.yield
      }) : () -> ()
      %add3A_85 = arith.constant 2 : i32
      %add3A_86 = arith.addi %add3A_75, %add3A_85 : i32
      %lt3A_87 = arith.constant 52 : i32
      %lt3A_88 = arith.cmpi slt, %add3A_86, %lt3A_87 : i32
      %convert_element_type3A_89 = arith.extui %lt3A_88 : i1 to i32
      %cond3A_90 = arith.constant 0 : i32
      %cond3A_91 = arith.cmpi ne, %convert_element_type3A_89, %cond3A_90 : i32
      scf.if %cond3A_91 {
        %add3A_92 = arith.constant 2 : i32
        %add3A_93 = arith.addi %add3A_75, %add3A_92 : i32
        %mul3A_94 = arith.constant 96 : i32
        %mul3A_95 = arith.muli %add3A_93, %mul3A_94 : i32
        %add3A_96 = arith.addi %mul3A_2, %mul3A_95 : i32
        "tpu.region"() ({
          %run_scoped3A = tpu.sem_alloc : memref<!tpu.dma_semaphore, #tpu.memory_space<semaphore_mem>>
          %dma_start3A_103 = tpu.memref_slice %arg4[%add3A_96] : memref<160000xi32, #tpu.memory_space<hbm>> -> memref<96xi32, #tpu.memory_space<hbm>>
          %dma_start3A_104 = tpu.memref_slice %arg4[%add3A_96] : memref<160000xi32, #tpu.memory_space<hbm>> -> memref<96xi32, #tpu.memory_space<hbm>>
          tpu.enqueue_dma source(%dma_start3A_104 : memref<96xi32, #tpu.memory_space<hbm>>) target(%arg9 : memref<96xi32, #tpu.memory_space<vmem>>) target_semaphore(%run_scoped3A : memref<!tpu.dma_semaphore, #tpu.memory_space<semaphore_mem>>)
          %dma_wait3A_105 = tpu.memref_slice %arg4[%add3A_96] : memref<160000xi32, #tpu.memory_space<hbm>> -> memref<96xi32, #tpu.memory_space<hbm>>
          %dma_wait3A_106 = tpu.memref_slice %arg4[%add3A_96] : memref<160000xi32, #tpu.memory_space<hbm>> -> memref<96xi32, #tpu.memory_space<hbm>>
          tpu.wait_dma2 semaphore(%run_scoped3A : memref<!tpu.dma_semaphore, #tpu.memory_space<semaphore_mem>>) src(%dma_wait3A_106 : memref<96xi32, #tpu.memory_space<hbm>>) dst(%arg9 : memref<96xi32, #tpu.memory_space<vmem>>)
          tpu.yield
        }) : () -> ()
        "tpu.region"() ({
          %run_scoped3A = tpu.sem_alloc : memref<!tpu.dma_semaphore, #tpu.memory_space<semaphore_mem>>
          %dma_start3A_103 = tpu.memref_slice %arg5[%add3A_96] : memref<160000xi32, #tpu.memory_space<hbm>> -> memref<96xi32, #tpu.memory_space<hbm>>
          %dma_start3A_104 = tpu.memref_slice %arg5[%add3A_96] : memref<160000xi32, #tpu.memory_space<hbm>> -> memref<96xi32, #tpu.memory_space<hbm>>
          tpu.enqueue_dma source(%dma_start3A_104 : memref<96xi32, #tpu.memory_space<hbm>>) target(%arg11 : memref<96xi32, #tpu.memory_space<vmem>>) target_semaphore(%run_scoped3A : memref<!tpu.dma_semaphore, #tpu.memory_space<semaphore_mem>>)
          %dma_wait3A_105 = tpu.memref_slice %arg5[%add3A_96] : memref<160000xi32, #tpu.memory_space<hbm>> -> memref<96xi32, #tpu.memory_space<hbm>>
          %dma_wait3A_106 = tpu.memref_slice %arg5[%add3A_96] : memref<160000xi32, #tpu.memory_space<hbm>> -> memref<96xi32, #tpu.memory_space<hbm>>
          tpu.wait_dma2 semaphore(%run_scoped3A : memref<!tpu.dma_semaphore, #tpu.memory_space<semaphore_mem>>) src(%dma_wait3A_106 : memref<96xi32, #tpu.memory_space<hbm>>) dst(%arg11 : memref<96xi32, #tpu.memory_space<vmem>>)
          tpu.yield
        }) : () -> ()
        %dma_start3A_97 = arith.constant 0 : i32
        %dma_start3A_98 = arith.constant 0 : i32
        %dma_start3A_99 = tpu.memref_slice %arg2[%dma_start3A_97, %dma_start3A_98] : memref<10000x384xi32, #tpu.memory_space<hbm>> -> memref<10000x384xi32, #tpu.memory_space<hbm>>
        tpu.enqueue_indirect_dma source(%dma_start3A_99 : memref<10000x384xi32, #tpu.memory_space<hbm>>) target(%arg13 : memref<96x384xi32, #tpu.memory_space<vmem>>) offsets(%arg9 : memref<96xi32, #tpu.memory_space<vmem>>) semaphore(%arg17 : memref<!tpu.dma_semaphore, #tpu.memory_space<semaphore_mem>>)
        %dma_start3A_100 = arith.constant 0 : i32
        %dma_start3A_101 = arith.constant 0 : i32
        %dma_start3A_102 = tpu.memref_slice %arg3[%dma_start3A_100, %dma_start3A_101] : memref<10000x256xi32, #tpu.memory_space<hbm>> -> memref<10000x256xi32, #tpu.memory_space<hbm>>
        tpu.enqueue_indirect_dma source(%dma_start3A_102 : memref<10000x256xi32, #tpu.memory_space<hbm>>) target(%arg15 : memref<96x256xi32, #tpu.memory_space<vmem>>) offsets(%arg11 : memref<96xi32, #tpu.memory_space<vmem>>) semaphore(%arg19 : memref<!tpu.dma_semaphore, #tpu.memory_space<semaphore_mem>>)
      } else {
      }
    }
    %scan3A_20 = arith.constant 26 : i32
    %add3A_21 = arith.constant 4992 : i32
    %add3A_22 = arith.addi %mul3A_2, %add3A_21 : i32
    "tpu.region"() ({
      %run_scoped3A = tpu.sem_alloc : memref<!tpu.dma_semaphore, #tpu.memory_space<semaphore_mem>>
      %dma_start3A_54 = arith.constant 0 : i32
      %dma_start3A_55 = tpu.memref_slice %arg8[%dma_start3A_54] : memref<96xi32, #tpu.memory_space<vmem>> -> memref<8xi32, #tpu.memory_space<vmem>>
      %dma_start3A_56 = tpu.memref_slice %arg4[%add3A_22] : memref<160000xi32, #tpu.memory_space<hbm>> -> memref<8xi32, #tpu.memory_space<hbm>>
      %dma_start3A_57 = arith.constant 0 : i32
      %dma_start3A_58 = tpu.memref_slice %arg8[%dma_start3A_57] : memref<96xi32, #tpu.memory_space<vmem>> -> memref<8xi32, #tpu.memory_space<vmem>>
      %dma_start3A_59 = tpu.memref_slice %arg4[%add3A_22] : memref<160000xi32, #tpu.memory_space<hbm>> -> memref<8xi32, #tpu.memory_space<hbm>>
      tpu.enqueue_dma source(%dma_start3A_59 : memref<8xi32, #tpu.memory_space<hbm>>) target(%dma_start3A_58 : memref<8xi32, #tpu.memory_space<vmem>>) target_semaphore(%run_scoped3A : memref<!tpu.dma_semaphore, #tpu.memory_space<semaphore_mem>>)
      %dma_wait3A_60 = arith.constant 0 : i32
      %dma_wait3A_61 = tpu.memref_slice %arg8[%dma_wait3A_60] : memref<96xi32, #tpu.memory_space<vmem>> -> memref<8xi32, #tpu.memory_space<vmem>>
      %dma_wait3A_62 = tpu.memref_slice %arg4[%add3A_22] : memref<160000xi32, #tpu.memory_space<hbm>> -> memref<8xi32, #tpu.memory_space<hbm>>
      %dma_wait3A_63 = arith.constant 0 : i32
      %dma_wait3A_64 = tpu.memref_slice %arg8[%dma_wait3A_63] : memref<96xi32, #tpu.memory_space<vmem>> -> memref<8xi32, #tpu.memory_space<vmem>>
      %dma_wait3A_65 = tpu.memref_slice %arg4[%add3A_22] : memref<160000xi32, #tpu.memory_space<hbm>> -> memref<8xi32, #tpu.memory_space<hbm>>
      tpu.wait_dma2 semaphore(%run_scoped3A : memref<!tpu.dma_semaphore, #tpu.memory_space<semaphore_mem>>) src(%dma_wait3A_65 : memref<8xi32, #tpu.memory_space<hbm>>) dst(%dma_wait3A_64 : memref<8xi32, #tpu.memory_space<vmem>>)
      tpu.yield
    }) : () -> ()
    "tpu.region"() ({
      %run_scoped3A = tpu.sem_alloc : memref<!tpu.dma_semaphore, #tpu.memory_space<semaphore_mem>>
      %dma_start3A_54 = arith.constant 0 : i32
      %dma_start3A_55 = tpu.memref_slice %arg10[%dma_start3A_54] : memref<96xi32, #tpu.memory_space<vmem>> -> memref<8xi32, #tpu.memory_space<vmem>>
      %dma_start3A_56 = tpu.memref_slice %arg5[%add3A_22] : memref<160000xi32, #tpu.memory_space<hbm>> -> memref<8xi32, #tpu.memory_space<hbm>>
      %dma_start3A_57 = arith.constant 0 : i32
      %dma_start3A_58 = tpu.memref_slice %arg10[%dma_start3A_57] : memref<96xi32, #tpu.memory_space<vmem>> -> memref<8xi32, #tpu.memory_space<vmem>>
      %dma_start3A_59 = tpu.memref_slice %arg5[%add3A_22] : memref<160000xi32, #tpu.memory_space<hbm>> -> memref<8xi32, #tpu.memory_space<hbm>>
      tpu.enqueue_dma source(%dma_start3A_59 : memref<8xi32, #tpu.memory_space<hbm>>) target(%dma_start3A_58 : memref<8xi32, #tpu.memory_space<vmem>>) target_semaphore(%run_scoped3A : memref<!tpu.dma_semaphore, #tpu.memory_space<semaphore_mem>>)
      %dma_wait3A_60 = arith.constant 0 : i32
      %dma_wait3A_61 = tpu.memref_slice %arg10[%dma_wait3A_60] : memref<96xi32, #tpu.memory_space<vmem>> -> memref<8xi32, #tpu.memory_space<vmem>>
      %dma_wait3A_62 = tpu.memref_slice %arg5[%add3A_22] : memref<160000xi32, #tpu.memory_space<hbm>> -> memref<8xi32, #tpu.memory_space<hbm>>
      %dma_wait3A_63 = arith.constant 0 : i32
      %dma_wait3A_64 = tpu.memref_slice %arg10[%dma_wait3A_63] : memref<96xi32, #tpu.memory_space<vmem>> -> memref<8xi32, #tpu.memory_space<vmem>>
      %dma_wait3A_65 = tpu.memref_slice %arg5[%add3A_22] : memref<160000xi32, #tpu.memory_space<hbm>> -> memref<8xi32, #tpu.memory_space<hbm>>
      tpu.wait_dma2 semaphore(%run_scoped3A : memref<!tpu.dma_semaphore, #tpu.memory_space<semaphore_mem>>) src(%dma_wait3A_65 : memref<8xi32, #tpu.memory_space<hbm>>) dst(%dma_wait3A_64 : memref<8xi32, #tpu.memory_space<vmem>>)
      tpu.yield
    }) : () -> ()
    %dma_start3A_23 = arith.constant 0 : i32
    %dma_start3A_24 = arith.constant 0 : i32
    %dma_start3A_25 = tpu.memref_slice %arg12[%dma_start3A_23, %dma_start3A_24] : memref<96x384xi32, #tpu.memory_space<vmem>> -> memref<8x384xi32, #tpu.memory_space<vmem>>
    %dma_start3A_26 = arith.constant 0 : i32
    %dma_start3A_27 = tpu.memref_slice %arg8[%dma_start3A_26] : memref<96xi32, #tpu.memory_space<vmem>> -> memref<8xi32, #tpu.memory_space<vmem>>
    %dma_start3A_28 = arith.constant 0 : i32
    %dma_start3A_29 = arith.constant 0 : i32
    %dma_start3A_30 = tpu.memref_slice %arg2[%dma_start3A_28, %dma_start3A_29] : memref<10000x384xi32, #tpu.memory_space<hbm>> -> memref<10000x384xi32, #tpu.memory_space<hbm>>
    tpu.enqueue_indirect_dma source(%dma_start3A_30 : memref<10000x384xi32, #tpu.memory_space<hbm>>) target(%dma_start3A_25 : memref<8x384xi32, #tpu.memory_space<vmem>>) offsets(%dma_start3A_27 : memref<8xi32, #tpu.memory_space<vmem>>) semaphore(%arg16 : memref<!tpu.dma_semaphore, #tpu.memory_space<semaphore_mem>>)
    %dma_wait3A = arith.constant 0 : i32
    %dma_wait3A_31 = arith.constant 0 : i32
    %dma_wait3A_32 = tpu.memref_slice %arg12[%dma_wait3A, %dma_wait3A_31] : memref<96x384xi32, #tpu.memory_space<vmem>> -> memref<8x384xi32, #tpu.memory_space<vmem>>
    %dma_wait3A_33 = arith.constant 0 : i32
    %dma_wait3A_34 = tpu.memref_slice %arg8[%dma_wait3A_33] : memref<96xi32, #tpu.memory_space<vmem>> -> memref<8xi32, #tpu.memory_space<vmem>>
    %dma_wait3A_35 = arith.constant 0 : i32
    %dma_wait3A_36 = arith.constant 0 : i32
    %dma_wait3A_37 = tpu.memref_slice %arg2[%dma_wait3A_35, %dma_wait3A_36] : memref<10000x384xi32, #tpu.memory_space<hbm>> -> memref<10000x384xi32, #tpu.memory_space<hbm>>
    tpu.wait_indirect_dma semaphore(%arg16 : memref<!tpu.dma_semaphore, #tpu.memory_space<semaphore_mem>>) src(%dma_wait3A_37 : memref<10000x384xi32, #tpu.memory_space<hbm>>) dst(%dma_wait3A_32 : memref<8x384xi32, #tpu.memory_space<vmem>>)
    %dma_start3A_38 = arith.constant 0 : i32
    %dma_start3A_39 = arith.constant 0 : i32
    %dma_start3A_40 = tpu.memref_slice %arg14[%dma_start3A_38, %dma_start3A_39] : memref<96x256xi32, #tpu.memory_space<vmem>> -> memref<8x256xi32, #tpu.memory_space<vmem>>
    %dma_start3A_41 = arith.constant 0 : i32
    %dma_start3A_42 = tpu.memref_slice %arg10[%dma_start3A_41] : memref<96xi32, #tpu.memory_space<vmem>> -> memref<8xi32, #tpu.memory_space<vmem>>
    %dma_start3A_43 = arith.constant 0 : i32
    %dma_start3A_44 = arith.constant 0 : i32
    %dma_start3A_45 = tpu.memref_slice %arg3[%dma_start3A_43, %dma_start3A_44] : memref<10000x256xi32, #tpu.memory_space<hbm>> -> memref<10000x256xi32, #tpu.memory_space<hbm>>
    tpu.enqueue_indirect_dma source(%dma_start3A_45 : memref<10000x256xi32, #tpu.memory_space<hbm>>) target(%dma_start3A_40 : memref<8x256xi32, #tpu.memory_space<vmem>>) offsets(%dma_start3A_42 : memref<8xi32, #tpu.memory_space<vmem>>) semaphore(%arg18 : memref<!tpu.dma_semaphore, #tpu.memory_space<semaphore_mem>>)
    %dma_wait3A_46 = arith.constant 0 : i32
    %dma_wait3A_47 = arith.constant 0 : i32
    %dma_wait3A_48 = tpu.memref_slice %arg14[%dma_wait3A_46, %dma_wait3A_47] : memref<96x256xi32, #tpu.memory_space<vmem>> -> memref<8x256xi32, #tpu.memory_space<vmem>>
    %dma_wait3A_49 = arith.constant 0 : i32
    %dma_wait3A_50 = tpu.memref_slice %arg10[%dma_wait3A_49] : memref<96xi32, #tpu.memory_space<vmem>> -> memref<8xi32, #tpu.memory_space<vmem>>
    %dma_wait3A_51 = arith.constant 0 : i32
    %dma_wait3A_52 = arith.constant 0 : i32
    %dma_wait3A_53 = tpu.memref_slice %arg3[%dma_wait3A_51, %dma_wait3A_52] : memref<10000x256xi32, #tpu.memory_space<hbm>> -> memref<10000x256xi32, #tpu.memory_space<hbm>>
    tpu.wait_indirect_dma semaphore(%arg18 : memref<!tpu.dma_semaphore, #tpu.memory_space<semaphore_mem>>) src(%dma_wait3A_53 : memref<10000x256xi32, #tpu.memory_space<hbm>>) dst(%dma_wait3A_48 : memref<8x256xi32, #tpu.memory_space<vmem>>)
    "tpu.region"() ({
      %run_scoped3A = tpu.sem_alloc : memref<!tpu.dma_semaphore, #tpu.memory_space<semaphore_mem>>
      %dma_start3A_54 = arith.constant 0 : i32
      %dma_start3A_55 = arith.constant 0 : i32
      %dma_start3A_56 = tpu.memref_slice %arg12[%dma_start3A_54, %dma_start3A_55] : memref<96x384xi32, #tpu.memory_space<vmem>> -> memref<8x384xi32, #tpu.memory_space<vmem>>
      %dma_start3A_57 = arith.constant 0 : i32
      %dma_start3A_58 = tpu.memref_slice %arg6[%add3A_22, %dma_start3A_57] : memref<160000x384xi32, #tpu.memory_space<hbm>> -> memref<8x384xi32, #tpu.memory_space<hbm>>
      %dma_start3A_59 = arith.constant 0 : i32
      %dma_start3A_60 = tpu.memref_slice %arg6[%add3A_22, %dma_start3A_59] : memref<160000x384xi32, #tpu.memory_space<hbm>> -> memref<8x384xi32, #tpu.memory_space<hbm>>
      %dma_start3A_61 = arith.constant 0 : i32
      %dma_start3A_62 = arith.constant 0 : i32
      %dma_start3A_63 = tpu.memref_slice %arg12[%dma_start3A_61, %dma_start3A_62] : memref<96x384xi32, #tpu.memory_space<vmem>> -> memref<8x384xi32, #tpu.memory_space<vmem>>
      tpu.enqueue_dma source(%dma_start3A_63 : memref<8x384xi32, #tpu.memory_space<vmem>>) target(%dma_start3A_60 : memref<8x384xi32, #tpu.memory_space<hbm>>) target_semaphore(%run_scoped3A : memref<!tpu.dma_semaphore, #tpu.memory_space<semaphore_mem>>)
      %dma_wait3A_64 = arith.constant 0 : i32
      %dma_wait3A_65 = arith.constant 0 : i32
      %dma_wait3A_66 = tpu.memref_slice %arg12[%dma_wait3A_64, %dma_wait3A_65] : memref<96x384xi32, #tpu.memory_space<vmem>> -> memref<8x384xi32, #tpu.memory_space<vmem>>
      %dma_wait3A_67 = arith.constant 0 : i32
      %dma_wait3A_68 = tpu.memref_slice %arg6[%add3A_22, %dma_wait3A_67] : memref<160000x384xi32, #tpu.memory_space<hbm>> -> memref<8x384xi32, #tpu.memory_space<hbm>>
      %dma_wait3A_69 = arith.constant 0 : i32
      %dma_wait3A_70 = tpu.memref_slice %arg6[%add3A_22, %dma_wait3A_69] : memref<160000x384xi32, #tpu.memory_space<hbm>> -> memref<8x384xi32, #tpu.memory_space<hbm>>
      %dma_wait3A_71 = arith.constant 0 : i32
      %dma_wait3A_72 = arith.constant 0 : i32
      %dma_wait3A_73 = tpu.memref_slice %arg12[%dma_wait3A_71, %dma_wait3A_72] : memref<96x384xi32, #tpu.memory_space<vmem>> -> memref<8x384xi32, #tpu.memory_space<vmem>>
      tpu.wait_dma2 semaphore(%run_scoped3A : memref<!tpu.dma_semaphore, #tpu.memory_space<semaphore_mem>>) src(%dma_wait3A_73 : memref<8x384xi32, #tpu.memory_space<vmem>>) dst(%dma_wait3A_70 : memref<8x384xi32, #tpu.memory_space<hbm>>)
      tpu.yield
    }) : () -> ()
    "tpu.region"() ({
      %run_scoped3A = tpu.sem_alloc : memref<!tpu.dma_semaphore, #tpu.memory_space<semaphore_mem>>
      %dma_start3A_54 = arith.constant 0 : i32
      %dma_start3A_55 = arith.constant 0 : i32
      %dma_start3A_56 = tpu.memref_slice %arg14[%dma_start3A_54, %dma_start3A_55] : memref<96x256xi32, #tpu.memory_space<vmem>> -> memref<8x256xi32, #tpu.memory_space<vmem>>
      %dma_start3A_57 = arith.constant 0 : i32
      %dma_start3A_58 = tpu.memref_slice %arg7[%add3A_22, %dma_start3A_57] : memref<160000x256xi32, #tpu.memory_space<hbm>> -> memref<8x256xi32, #tpu.memory_space<hbm>>
      %dma_start3A_59 = arith.constant 0 : i32
      %dma_start3A_60 = tpu.memref_slice %arg7[%add3A_22, %dma_start3A_59] : memref<160000x256xi32, #tpu.memory_space<hbm>> -> memref<8x256xi32, #tpu.memory_space<hbm>>
      %dma_start3A_61 = arith.constant 0 : i32
      %dma_start3A_62 = arith.constant 0 : i32
      %dma_start3A_63 = tpu.memref_slice %arg14[%dma_start3A_61, %dma_start3A_62] : memref<96x256xi32, #tpu.memory_space<vmem>> -> memref<8x256xi32, #tpu.memory_space<vmem>>
      tpu.enqueue_dma source(%dma_start3A_63 : memref<8x256xi32, #tpu.memory_space<vmem>>) target(%dma_start3A_60 : memref<8x256xi32, #tpu.memory_space<hbm>>) target_semaphore(%run_scoped3A : memref<!tpu.dma_semaphore, #tpu.memory_space<semaphore_mem>>)
      %dma_wait3A_64 = arith.constant 0 : i32
      %dma_wait3A_65 = arith.constant 0 : i32
      %dma_wait3A_66 = tpu.memref_slice %arg14[%dma_wait3A_64, %dma_wait3A_65] : memref<96x256xi32, #tpu.memory_space<vmem>> -> memref<8x256xi32, #tpu.memory_space<vmem>>
      %dma_wait3A_67 = arith.constant 0 : i32
      %dma_wait3A_68 = tpu.memref_slice %arg7[%add3A_22, %dma_wait3A_67] : memref<160000x256xi32, #tpu.memory_space<hbm>> -> memref<8x256xi32, #tpu.memory_space<hbm>>
      %dma_wait3A_69 = arith.constant 0 : i32
      %dma_wait3A_70 = tpu.memref_slice %arg7[%add3A_22, %dma_wait3A_69] : memref<160000x256xi32, #tpu.memory_space<hbm>> -> memref<8x256xi32, #tpu.memory_space<hbm>>
      %dma_wait3A_71 = arith.constant 0 : i32
      %dma_wait3A_72 = arith.constant 0 : i32
      %dma_wait3A_73 = tpu.memref_slice %arg14[%dma_wait3A_71, %dma_wait3A_72] : memref<96x256xi32, #tpu.memory_space<vmem>> -> memref<8x256xi32, #tpu.memory_space<vmem>>
      tpu.wait_dma2 semaphore(%run_scoped3A : memref<!tpu.dma_semaphore, #tpu.memory_space<semaphore_mem>>) src(%dma_wait3A_73 : memref<8x256xi32, #tpu.memory_space<vmem>>) dst(%dma_wait3A_70 : memref<8x256xi32, #tpu.memory_space<hbm>>)
      tpu.yield
    }) : () -> ()
    return
  }
}

module attributes {stable_mosaic.version = 14 : i64} {
  func.func @_k1_body(%arg0: i32, %arg1: memref<400x256xf32, #tpu.memory_space<vmem>>, %arg2: memref<256x256xf32, #tpu.memory_space<vmem>>, %arg3: memref<1x256xf32, #tpu.memory_space<vmem>>, %arg4: memref<1x256xf32, #tpu.memory_space<vmem>>, %arg5: memref<1x256xf32, #tpu.memory_space<vmem>>, %arg6: memref<256x256xf32, #tpu.memory_space<vmem>>, %arg7: memref<1x256xf32, #tpu.memory_space<vmem>>, %arg8: memref<256x256xf32, #tpu.memory_space<vmem>>, %arg9: memref<256x256xf32, #tpu.memory_space<vmem>>, %arg10: memref<256x256xf32, #tpu.memory_space<vmem>>, %arg11: memref<256x256xf32, #tpu.memory_space<vmem>>, %arg12: memref<400x768xf32, #tpu.memory_space<vmem>>, %arg13: memref<400x512xf32, #tpu.memory_space<vmem>>) attributes {dimension_semantics = [#tpu.dimension_semantics<arbitrary>], iteration_bounds = array<i64: 25>, scalar_prefetch = 0 : i64, scratch_operands = 0 : i64, tpu.core_type = #tpu.core_type<tc>, window_params = [{transform_indices = @transform_0, window_bounds = array<i64: 400, 256>}, {pipeline_mode = #tpu.pipeline_mode<synchronous>, transform_indices = @transform_1, window_bounds = array<i64: 256, 256>}, {pipeline_mode = #tpu.pipeline_mode<synchronous>, transform_indices = @transform_2, window_bounds = array<i64: 1, 256>}, {pipeline_mode = #tpu.pipeline_mode<synchronous>, transform_indices = @transform_3, window_bounds = array<i64: 1, 256>}, {pipeline_mode = #tpu.pipeline_mode<synchronous>, transform_indices = @transform_4, window_bounds = array<i64: 1, 256>}, {pipeline_mode = #tpu.pipeline_mode<synchronous>, transform_indices = @transform_5, window_bounds = array<i64: 256, 256>}, {pipeline_mode = #tpu.pipeline_mode<synchronous>, transform_indices = @transform_6, window_bounds = array<i64: 1, 256>}, {pipeline_mode = #tpu.pipeline_mode<synchronous>, transform_indices = @transform_7, window_bounds = array<i64: 256, 256>}, {pipeline_mode = #tpu.pipeline_mode<synchronous>, transform_indices = @transform_8, window_bounds = array<i64: 256, 256>}, {pipeline_mode = #tpu.pipeline_mode<synchronous>, transform_indices = @transform_9, window_bounds = array<i64: 256, 256>}, {pipeline_mode = #tpu.pipeline_mode<synchronous>, transform_indices = @transform_10, window_bounds = array<i64: 256, 256>}, {transform_indices = @transform_11, window_bounds = array<i64: 400, 768>}, {transform_indices = @transform_12, window_bounds = array<i64: 400, 512>}]} {
    %get3A = arith.constant 0 : index
    %get3A_0 = arith.constant 0 : index
    %get3A_1 = vector.load %arg1[%get3A, %get3A_0] : memref<400x256xf32, #tpu.memory_space<vmem>>, vector<400x256xf32>
    %get3A_2 = arith.constant 0 : index
    %get3A_3 = arith.constant 0 : index
    %get3A_4 = vector.load %arg2[%get3A_2, %get3A_3] : memref<256x256xf32, #tpu.memory_space<vmem>>, vector<256x256xf32>
    %dot_general3A = arith.constant dense<0.000000e+00> : vector<400x256xf32>
    %dot_general3A_5 = tpu.matmul %get3A_1, %get3A_4, %dot_general3A {dimension_numbers = #tpu.dot_dimension_numbers<[1], [0], [0], [1], [0, 0, 1, 1], [], []>, transpose_lhs_hint = false} : vector<400x256xf32>, vector<256x256xf32>, vector<400x256xf32> -> vector<400x256xf32>
    %get3A_6 = arith.constant 0 : index
    %get3A_7 = arith.constant 0 : index
    %get3A_8 = vector.load %arg3[%get3A_6, %get3A_7] : memref<1x256xf32, #tpu.memory_space<vmem>>, vector<1x256xf32>
    %add3A = vector.broadcast %get3A_8 : vector<1x256xf32> to vector<400x256xf32>
    %add3A_9 = arith.addf %dot_general3A_5, %add3A : vector<400x256xf32>
    %get3A_10 = arith.constant 0 : index
    %get3A_11 = arith.constant 0 : index
    %get3A_12 = vector.load %arg4[%get3A_10, %get3A_11] : memref<1x256xf32, #tpu.memory_space<vmem>>, vector<1x256xf32>
    %get3A_13 = arith.constant 0 : index
    %get3A_14 = arith.constant 0 : index
    %get3A_15 = vector.load %arg5[%get3A_13, %get3A_14] : memref<1x256xf32, #tpu.memory_space<vmem>>, vector<1x256xf32>
    %reduce_sum3A = arith.constant dense<0.000000e+00> : vector<400xf32>
    %reduce_sum3A_16 = vector.multi_reduction <add>, %add3A_9, %reduce_sum3A [1] : vector<400x256xf32> to vector<400xf32>
    %broadcast_in_dim3A = vector.shape_cast %reduce_sum3A_16 : vector<400xf32> to vector<400x1xf32>
    %div3A = arith.constant 2.560000e+02 : f32
    %div3A_17 = vector.broadcast %div3A : f32 to vector<400x1xf32>
    %div3A_18 = arith.divf %broadcast_in_dim3A, %div3A_17 : vector<400x1xf32>
    %sub3A = vector.broadcast %div3A_18 : vector<400x1xf32> to vector<400x256xf32>
    %sub3A_19 = arith.subf %add3A_9, %sub3A : vector<400x256xf32>
    %integer_pow3A = arith.mulf %sub3A_19, %sub3A_19 : vector<400x256xf32>
    %reduce_sum3A_20 = arith.constant dense<0.000000e+00> : vector<400xf32>
    %reduce_sum3A_21 = vector.multi_reduction <add>, %integer_pow3A, %reduce_sum3A_20 [1] : vector<400x256xf32> to vector<400xf32>
    %broadcast_in_dim3A_22 = vector.shape_cast %reduce_sum3A_21 : vector<400xf32> to vector<400x1xf32>
    %div3A_23 = arith.constant 2.560000e+02 : f32
    %div3A_24 = vector.broadcast %div3A_23 : f32 to vector<400x1xf32>
    %div3A_25 = arith.divf %broadcast_in_dim3A_22, %div3A_24 : vector<400x1xf32>
    %sub3A_26 = vector.broadcast %div3A_18 : vector<400x1xf32> to vector<400x256xf32>
    %sub3A_27 = arith.subf %add3A_9, %sub3A_26 : vector<400x256xf32>
    %add3A_28 = arith.constant 9.99999974E-6 : f32
    %add3A_29 = vector.broadcast %add3A_28 : f32 to vector<400x1xf32>
    %add3A_30 = arith.addf %div3A_25, %add3A_29 : vector<400x1xf32>
    %rsqrt3A = math.rsqrt %add3A_30 : vector<400x1xf32>
    %mul3A = vector.broadcast %rsqrt3A : vector<400x1xf32> to vector<400x256xf32>
    %mul3A_31 = arith.mulf %sub3A_27, %mul3A : vector<400x256xf32>
    %mul3A_32 = vector.broadcast %get3A_12 : vector<1x256xf32> to vector<400x256xf32>
    %mul3A_33 = arith.mulf %mul3A_31, %mul3A_32 : vector<400x256xf32>
    %add3A_34 = vector.broadcast %get3A_15 : vector<1x256xf32> to vector<400x256xf32>
    %add3A_35 = arith.addf %mul3A_33, %add3A_34 : vector<400x256xf32>
    %max3A = arith.constant 0.000000e+00 : f32
    %max3A_36 = vector.broadcast %max3A : f32 to vector<400x256xf32>
    %max3A_37 = arith.maximumf %add3A_35, %max3A_36 : vector<400x256xf32>
    %get3A_38 = arith.constant 0 : index
    %get3A_39 = arith.constant 0 : index
    %get3A_40 = vector.load %arg6[%get3A_38, %get3A_39] : memref<256x256xf32, #tpu.memory_space<vmem>>, vector<256x256xf32>
    %dot_general3A_41 = arith.constant dense<0.000000e+00> : vector<400x256xf32>
    %dot_general3A_42 = tpu.matmul %max3A_37, %get3A_40, %dot_general3A_41 {dimension_numbers = #tpu.dot_dimension_numbers<[1], [0], [0], [1], [0, 0, 1, 1], [], []>, transpose_lhs_hint = false} : vector<400x256xf32>, vector<256x256xf32>, vector<400x256xf32> -> vector<400x256xf32>
    %get3A_43 = arith.constant 0 : index
    %get3A_44 = arith.constant 0 : index
    %get3A_45 = vector.load %arg7[%get3A_43, %get3A_44] : memref<1x256xf32, #tpu.memory_space<vmem>>, vector<1x256xf32>
    %add3A_46 = vector.broadcast %get3A_45 : vector<1x256xf32> to vector<400x256xf32>
    %add3A_47 = arith.addf %dot_general3A_42, %add3A_46 : vector<400x256xf32>
    %swap3A = arith.constant 0 : index
    %swap3A_48 = arith.constant 0 : index
    %swap3A_49 = vector.load %arg12[%swap3A, %swap3A_48] : memref<400x768xf32, #tpu.memory_space<vmem>>, vector<400x256xf32>
    tpu.vector_store %arg12[%swap3A, %swap3A_48], %add3A_47 {strides = array<i32>} : memref<400x768xf32, #tpu.memory_space<vmem>>, vector<400x256xf32>,
    %get3A_50 = arith.constant 0 : index
    %get3A_51 = arith.constant 0 : index
    %get3A_52 = vector.load %arg8[%get3A_50, %get3A_51] : memref<256x256xf32, #tpu.memory_space<vmem>>, vector<256x256xf32>
    %dot_general3A_53 = arith.constant dense<0.000000e+00> : vector<400x256xf32>
    %dot_general3A_54 = tpu.matmul %get3A_1, %get3A_52, %dot_general3A_53 {dimension_numbers = #tpu.dot_dimension_numbers<[1], [0], [0], [1], [0, 0, 1, 1], [], []>, transpose_lhs_hint = false} : vector<400x256xf32>, vector<256x256xf32>, vector<400x256xf32> -> vector<400x256xf32>
    %swap3A_55 = arith.constant 0 : index
    %swap3A_56 = arith.constant 256 : index
    %swap3A_57 = vector.load %arg12[%swap3A_55, %swap3A_56] : memref<400x768xf32, #tpu.memory_space<vmem>>, vector<400x256xf32>
    tpu.vector_store %arg12[%swap3A_55, %swap3A_56], %dot_general3A_54 {strides = array<i32>} : memref<400x768xf32, #tpu.memory_space<vmem>>, vector<400x256xf32>,
    %get3A_58 = arith.constant 0 : index
    %get3A_59 = arith.constant 0 : index
    %get3A_60 = vector.load %arg10[%get3A_58, %get3A_59] : memref<256x256xf32, #tpu.memory_space<vmem>>, vector<256x256xf32>
    %dot_general3A_61 = arith.constant dense<0.000000e+00> : vector<400x256xf32>
    %dot_general3A_62 = tpu.matmul %get3A_1, %get3A_60, %dot_general3A_61 {dimension_numbers = #tpu.dot_dimension_numbers<[1], [0], [0], [1], [0, 0, 1, 1], [], []>, transpose_lhs_hint = false} : vector<400x256xf32>, vector<256x256xf32>, vector<400x256xf32> -> vector<400x256xf32>
    %swap3A_63 = arith.constant 0 : index
    %swap3A_64 = arith.constant 512 : index
    %swap3A_65 = vector.load %arg12[%swap3A_63, %swap3A_64] : memref<400x768xf32, #tpu.memory_space<vmem>>, vector<400x256xf32>
    tpu.vector_store %arg12[%swap3A_63, %swap3A_64], %dot_general3A_62 {strides = array<i32>} : memref<400x768xf32, #tpu.memory_space<vmem>>, vector<400x256xf32>,
    %get3A_66 = arith.constant 0 : index
    %get3A_67 = arith.constant 0 : index
    %get3A_68 = vector.load %arg9[%get3A_66, %get3A_67] : memref<256x256xf32, #tpu.memory_space<vmem>>, vector<256x256xf32>
    %dot_general3A_69 = arith.constant dense<0.000000e+00> : vector<400x256xf32>
    %dot_general3A_70 = tpu.matmul %get3A_1, %get3A_68, %dot_general3A_69 {dimension_numbers = #tpu.dot_dimension_numbers<[1], [0], [0], [1], [0, 0, 1, 1], [], []>, transpose_lhs_hint = false} : vector<400x256xf32>, vector<256x256xf32>, vector<400x256xf32> -> vector<400x256xf32>
    %swap3A_71 = arith.constant 0 : index
    %swap3A_72 = arith.constant 0 : index
    %swap3A_73 = vector.load %arg13[%swap3A_71, %swap3A_72] : memref<400x512xf32, #tpu.memory_space<vmem>>, vector<400x256xf32>
    tpu.vector_store %arg13[%swap3A_71, %swap3A_72], %dot_general3A_70 {strides = array<i32>} : memref<400x512xf32, #tpu.memory_space<vmem>>, vector<400x256xf32>,
    %get3A_74 = arith.constant 0 : index
    %get3A_75 = arith.constant 0 : index
    %get3A_76 = vector.load %arg11[%get3A_74, %get3A_75] : memref<256x256xf32, #tpu.memory_space<vmem>>, vector<256x256xf32>
    %dot_general3A_77 = arith.constant dense<0.000000e+00> : vector<400x256xf32>
    %dot_general3A_78 = tpu.matmul %get3A_1, %get3A_76, %dot_general3A_77 {dimension_numbers = #tpu.dot_dimension_numbers<[1], [0], [0], [1], [0, 0, 1, 1], [], []>, transpose_lhs_hint = false} : vector<400x256xf32>, vector<256x256xf32>, vector<400x256xf32> -> vector<400x256xf32>
    %swap3A_79 = arith.constant 0 : index
    %swap3A_80 = arith.constant 256 : index
    %swap3A_81 = vector.load %arg13[%swap3A_79, %swap3A_80] : memref<400x512xf32, #tpu.memory_space<vmem>>, vector<400x256xf32>
    tpu.vector_store %arg13[%swap3A_79, %swap3A_80], %dot_general3A_78 {strides = array<i32>} : memref<400x512xf32, #tpu.memory_space<vmem>>, vector<400x256xf32>,
    return
  }
  func.func @transform_0(%arg0: i32) -> (i32, i32) {
    %c0_i32 = arith.constant 0 : i32
    %c0_i32_0 = arith.constant 0 : i32
    return %arg0, %c0_i32 : i32, i32
  }
  func.func @transform_1(%arg0: i32) -> (i32, i32) {
    %c0_i32 = arith.constant 0 : i32
    %c0_i32_0 = arith.constant 0 : i32
    %c0_i32_1 = arith.constant 0 : i32
    return %c0_i32, %c0_i32_0 : i32, i32
  }
  func.func @transform_2(%arg0: i32) -> (i32, i32) {
    %c0_i32 = arith.constant 0 : i32
    %c0_i32_0 = arith.constant 0 : i32
    %c0_i32_1 = arith.constant 0 : i32
    return %c0_i32, %c0_i32_0 : i32, i32
  }
  func.func @transform_3(%arg0: i32) -> (i32, i32) {
    %c0_i32 = arith.constant 0 : i32
    %c0_i32_0 = arith.constant 0 : i32
    %c0_i32_1 = arith.constant 0 : i32
    return %c0_i32, %c0_i32_0 : i32, i32
  }
  func.func @transform_4(%arg0: i32) -> (i32, i32) {
    %c0_i32 = arith.constant 0 : i32
    %c0_i32_0 = arith.constant 0 : i32
    %c0_i32_1 = arith.constant 0 : i32
    return %c0_i32, %c0_i32_0 : i32, i32
  }
  func.func @transform_5(%arg0: i32) -> (i32, i32) {
    %c0_i32 = arith.constant 0 : i32
    %c0_i32_0 = arith.constant 0 : i32
    %c0_i32_1 = arith.constant 0 : i32
    return %c0_i32, %c0_i32_0 : i32, i32
  }
  func.func @transform_6(%arg0: i32) -> (i32, i32) {
    %c0_i32 = arith.constant 0 : i32
    %c0_i32_0 = arith.constant 0 : i32
    %c0_i32_1 = arith.constant 0 : i32
    return %c0_i32, %c0_i32_0 : i32, i32
  }
  func.func @transform_7(%arg0: i32) -> (i32, i32) {
    %c0_i32 = arith.constant 0 : i32
    %c0_i32_0 = arith.constant 0 : i32
    %c0_i32_1 = arith.constant 0 : i32
    return %c0_i32, %c0_i32_0 : i32, i32
  }
  func.func @transform_8(%arg0: i32) -> (i32, i32) {
    %c0_i32 = arith.constant 0 : i32
    %c0_i32_0 = arith.constant 0 : i32
    %c0_i32_1 = arith.constant 0 : i32
    return %c0_i32, %c0_i32_0 : i32, i32
  }
  func.func @transform_9(%arg0: i32) -> (i32, i32) {
    %c0_i32 = arith.constant 0 : i32
    %c0_i32_0 = arith.constant 0 : i32
    %c0_i32_1 = arith.constant 0 : i32
    return %c0_i32, %c0_i32_0 : i32, i32
  }
  func.func @transform_10(%arg0: i32) -> (i32, i32) {
    %c0_i32 = arith.constant 0 : i32
    %c0_i32_0 = arith.constant 0 : i32
    %c0_i32_1 = arith.constant 0 : i32
    return %c0_i32, %c0_i32_0 : i32, i32
  }
  func.func @transform_11(%arg0: i32) -> (i32, i32) {
    %c0_i32 = arith.constant 0 : i32
    %c0_i32_0 = arith.constant 0 : i32
    return %arg0, %c0_i32 : i32, i32
  }
  func.func @transform_12(%arg0: i32) -> (i32, i32) {
    %c0_i32 = arith.constant 0 : i32
    %c0_i32_0 = arith.constant 0 : i32
    return %arg0, %c0_i32 : i32, i32
  }
}

module attributes {stable_mosaic.version = 14 : i64} {
  func.func @_k3_body(%arg0: i32, %arg1: memref<640x16xf32, #tpu.memory_space<vmem>>, %arg2: memref<640x64xf32, #tpu.memory_space<vmem>>, %arg3: memref<640x384xi32, #tpu.memory_space<vmem>>, %arg4: memref<640x256xi32, #tpu.memory_space<vmem>>, %arg5: memref<16x512xf32, #tpu.memory_space<vmem>>, %arg6: memref<64x512xf32, #tpu.memory_space<vmem>>, %arg7: memref<64x8xf32, #tpu.memory_space<vmem>>, %arg8: memref<1x256xf32, #tpu.memory_space<vmem>>, %arg9: memref<1x256xf32, #tpu.memory_space<vmem>>, %arg10: memref<1x256xf32, #tpu.memory_space<vmem>>, %arg11: memref<256x256xf32, #tpu.memory_space<vmem>>, %arg12: memref<1x256xf32, #tpu.memory_space<vmem>>, %arg13: memref<1x256xf32, #tpu.memory_space<vmem>>, %arg14: memref<1x256xf32, #tpu.memory_space<vmem>>, %arg15: memref<1x256xf32, #tpu.memory_space<vmem>>, %arg16: memref<256x16xf32, #tpu.memory_space<vmem>>, %arg17: memref<1x16xf32, #tpu.memory_space<vmem>>, %arg18: memref<256x16xf32, #tpu.memory_space<vmem>>, %arg19: memref<1x1xf32, #tpu.memory_space<vmem>>, %arg20: memref<640x3xf32, #tpu.memory_space<vmem>>, %arg21: memref<640x128xf32, #tpu.memory_space<vmem>>) attributes {dimension_semantics = [#tpu.dimension_semantics<arbitrary>], iteration_bounds = array<i64: 250>, scalar_prefetch = 0 : i64, scratch_operands = 0 : i64, tpu.core_type = #tpu.core_type<tc>, window_params = [{transform_indices = @transform_0, window_bounds = array<i64: 640, 16>}, {transform_indices = @transform_1, window_bounds = array<i64: 640, 64>}, {transform_indices = @transform_2, window_bounds = array<i64: 640, 384>}, {transform_indices = @transform_3, window_bounds = array<i64: 640, 256>}, {pipeline_mode = #tpu.pipeline_mode<synchronous>, transform_indices = @transform_4, window_bounds = array<i64: 16, 512>}, {pipeline_mode = #tpu.pipeline_mode<synchronous>, transform_indices = @transform_5, window_bounds = array<i64: 64, 512>}, {pipeline_mode = #tpu.pipeline_mode<synchronous>, transform_indices = @transform_6, window_bounds = array<i64: 64, 8>}, {pipeline_mode = #tpu.pipeline_mode<synchronous>, transform_indices = @transform_7, window_bounds = array<i64: 1, 256>}, {pipeline_mode = #tpu.pipeline_mode<synchronous>, transform_indices = @transform_8, window_bounds = array<i64: 1, 256>}, {pipeline_mode = #tpu.pipeline_mode<synchronous>, transform_indices = @transform_9, window_bounds = array<i64: 1, 256>}, {pipeline_mode = #tpu.pipeline_mode<synchronous>, transform_indices = @transform_10, window_bounds = array<i64: 256, 256>}, {pipeline_mode = #tpu.pipeline_mode<synchronous>, transform_indices = @transform_11, window_bounds = array<i64: 1, 256>}, {pipeline_mode = #tpu.pipeline_mode<synchronous>, transform_indices = @transform_12, window_bounds = array<i64: 1, 256>}, {pipeline_mode = #tpu.pipeline_mode<synchronous>, transform_indices = @transform_13, window_bounds = array<i64: 1, 256>}, {pipeline_mode = #tpu.pipeline_mode<synchronous>, transform_indices = @transform_14, window_bounds = array<i64: 1, 256>}, {pipeline_mode = #tpu.pipeline_mode<synchronous>, transform_indices = @transform_15, window_bounds = array<i64: 256, 16>}, {pipeline_mode = #tpu.pipeline_mode<synchronous>, transform_indices = @transform_16, window_bounds = array<i64: 1, 16>}, {pipeline_mode = #tpu.pipeline_mode<synchronous>, transform_indices = @transform_17, window_bounds = array<i64: 256, 16>}, {pipeline_mode = #tpu.pipeline_mode<synchronous>, transform_indices = @transform_18, window_bounds = array<i64: 1, 1>}, {transform_indices = @transform_19, window_bounds = array<i64: 640, 3>}, {transform_indices = @transform_20, window_bounds = array<i64: 640, 128>}]} {
    %get3A = arith.constant 0 : index
    %get3A_0 = arith.constant 0 : index
    %get3A_1 = vector.load %arg1[%get3A, %get3A_0] : memref<640x16xf32, #tpu.memory_space<vmem>>, vector<640x16xf32>
    %get3A_2 = arith.constant 0 : index
    %get3A_3 = arith.constant 0 : index
    %get3A_4 = vector.load %arg2[%get3A_2, %get3A_3] : memref<640x64xf32, #tpu.memory_space<vmem>>, vector<640x64xf32>
    %get3A_5 = arith.constant 0 : index
    %get3A_6 = arith.constant 128 : index
    %get3A_7 = vector.load %arg3[%get3A_5, %get3A_6] : memref<640x384xi32, #tpu.memory_space<vmem>>, vector<640x128xi32>
    %shift_left3A = arith.constant 16 : i32
    %shift_left3A_8 = vector.broadcast %shift_left3A : i32 to vector<640x128xi32>
    %shift_left3A_9 = arith.shli %get3A_7, %shift_left3A_8 : vector<640x128xi32>
    %bitcast_convert_type3A = tpu.bitcast %shift_left3A_9 : vector<640x128xi32> -> vector<640x128xf32>
    %and3A = arith.constant -65536 : i32
    %and3A_10 = vector.broadcast %and3A : i32 to vector<640x128xi32>
    %and3A_11 = arith.andi %get3A_7, %and3A_10 : vector<640x128xi32>
    %bitcast_convert_type3A_12 = tpu.bitcast %and3A_11 : vector<640x128xi32> -> vector<640x128xf32>
    %concatenate3A = tpu.concatenate %bitcast_convert_type3A, %bitcast_convert_type3A_12 in 1 : vector<640x128xf32>, vector<640x128xf32> -> vector<640x256xf32>
    %get3A_13 = arith.constant 0 : index
    %get3A_14 = arith.constant 256 : index
    %get3A_15 = vector.load %arg3[%get3A_13, %get3A_14] : memref<640x384xi32, #tpu.memory_space<vmem>>, vector<640x128xi32>
    %shift_left3A_16 = arith.constant 16 : i32
    %shift_left3A_17 = vector.broadcast %shift_left3A_16 : i32 to vector<640x128xi32>
    %shift_left3A_18 = arith.shli %get3A_15, %shift_left3A_17 : vector<640x128xi32>
    %bitcast_convert_type3A_19 = tpu.bitcast %shift_left3A_18 : vector<640x128xi32> -> vector<640x128xf32>
    %and3A_20 = arith.constant -65536 : i32
    %and3A_21 = vector.broadcast %and3A_20 : i32 to vector<640x128xi32>
    %and3A_22 = arith.andi %get3A_15, %and3A_21 : vector<640x128xi32>
    %bitcast_convert_type3A_23 = tpu.bitcast %and3A_22 : vector<640x128xi32> -> vector<640x128xf32>
    %concatenate3A_24 = tpu.concatenate %bitcast_convert_type3A_19, %bitcast_convert_type3A_23 in 1 : vector<640x128xf32>, vector<640x128xf32> -> vector<640x256xf32>
    %get3A_25 = arith.constant 0 : index
    %get3A_26 = arith.constant 0 : index
    %get3A_27 = vector.load %arg4[%get3A_25, %get3A_26] : memref<640x256xi32, #tpu.memory_space<vmem>>, vector<640x128xi32>
    %shift_left3A_28 = arith.constant 16 : i32
    %shift_left3A_29 = vector.broadcast %shift_left3A_28 : i32 to vector<640x128xi32>
    %shift_left3A_30 = arith.shli %get3A_27, %shift_left3A_29 : vector<640x128xi32>
    %bitcast_convert_type3A_31 = tpu.bitcast %shift_left3A_30 : vector<640x128xi32> -> vector<640x128xf32>
    %and3A_32 = arith.constant -65536 : i32
    %and3A_33 = vector.broadcast %and3A_32 : i32 to vector<640x128xi32>
    %and3A_34 = arith.andi %get3A_27, %and3A_33 : vector<640x128xi32>
    %bitcast_convert_type3A_35 = tpu.bitcast %and3A_34 : vector<640x128xi32> -> vector<640x128xf32>
    %concatenate3A_36 = tpu.concatenate %bitcast_convert_type3A_31, %bitcast_convert_type3A_35 in 1 : vector<640x128xf32>, vector<640x128xf32> -> vector<640x256xf32>
    %get3A_37 = arith.constant 0 : index
    %get3A_38 = arith.constant 128 : index
    %get3A_39 = vector.load %arg4[%get3A_37, %get3A_38] : memref<640x256xi32, #tpu.memory_space<vmem>>, vector<640x128xi32>
    %shift_left3A_40 = arith.constant 16 : i32
    %shift_left3A_41 = vector.broadcast %shift_left3A_40 : i32 to vector<640x128xi32>
    %shift_left3A_42 = arith.shli %get3A_39, %shift_left3A_41 : vector<640x128xi32>
    %bitcast_convert_type3A_43 = tpu.bitcast %shift_left3A_42 : vector<640x128xi32> -> vector<640x128xf32>
    %and3A_44 = arith.constant -65536 : i32
    %and3A_45 = vector.broadcast %and3A_44 : i32 to vector<640x128xi32>
    %and3A_46 = arith.andi %get3A_39, %and3A_45 : vector<640x128xi32>
    %bitcast_convert_type3A_47 = tpu.bitcast %and3A_46 : vector<640x128xi32> -> vector<640x128xf32>
    %concatenate3A_48 = tpu.concatenate %bitcast_convert_type3A_43, %bitcast_convert_type3A_47 in 1 : vector<640x128xf32>, vector<640x128xf32> -> vector<640x256xf32>
    %convert_element_type3A = arith.truncf %get3A_1 : vector<640x16xf32> to vector<640x16xbf16>
    %get3A_49 = arith.constant 0 : index
    %get3A_50 = arith.constant 0 : index
    %get3A_51 = vector.load %arg5[%get3A_49, %get3A_50] : memref<16x512xf32, #tpu.memory_space<vmem>>, vector<16x512xf32>
    %convert_element_type3A_52 = arith.truncf %get3A_51 : vector<16x512xf32> to vector<16x512xbf16>
    %dot_general3A = arith.constant dense<0.000000e+00> : vector<640x512xf32>
    %dot_general3A_53 = tpu.matmul %convert_element_type3A, %convert_element_type3A_52, %dot_general3A {dimension_numbers = #tpu.dot_dimension_numbers<[1], [0], [0], [1], [0, 0, 1, 1], [], []>, transpose_lhs_hint = false} : vector<640x16xbf16>, vector<16x512xbf16>, vector<640x512xf32> -> vector<640x512xf32>
    %convert_element_type3A_54 = arith.truncf %get3A_4 : vector<640x64xf32> to vector<640x64xbf16>
    %get3A_55 = arith.constant 0 : index
    %get3A_56 = arith.constant 0 : index
    %get3A_57 = vector.load %arg6[%get3A_55, %get3A_56] : memref<64x512xf32, #tpu.memory_space<vmem>>, vector<64x512xf32>
    %convert_element_type3A_58 = arith.truncf %get3A_57 : vector<64x512xf32> to vector<64x512xbf16>
    %dot_general3A_59 = arith.constant dense<0.000000e+00> : vector<640x512xf32>
    %dot_general3A_60 = tpu.matmul %convert_element_type3A_54, %convert_element_type3A_58, %dot_general3A_59 {dimension_numbers = #tpu.dot_dimension_numbers<[1], [0], [0], [1], [0, 0, 1, 1], [], []>, transpose_lhs_hint = false} : vector<640x64xbf16>, vector<64x512xbf16>, vector<640x512xf32> -> vector<640x512xf32>
    %add3A = arith.addf %dot_general3A_53, %dot_general3A_60 : vector<640x512xf32>
    %slice3A = vector.extract_strided_slice %add3A {offsets = [0, 0], sizes = [640, 256], strides = [1, 1]} : vector<640x512xf32> to vector<640x256xf32>
    %add3A_61 = arith.addf %slice3A, %concatenate3A : vector<640x256xf32>
    %add3A_62 = arith.addf %add3A_61, %concatenate3A_36 : vector<640x256xf32>
    %get3A_63 = arith.constant 0 : index
    %get3A_64 = arith.constant 0 : index
    %get3A_65 = vector.load %arg8[%get3A_63, %get3A_64] : memref<1x256xf32, #tpu.memory_space<vmem>>, vector<1x256xf32>
    %add3A_66 = vector.broadcast %get3A_65 : vector<1x256xf32> to vector<640x256xf32>
    %add3A_67 = arith.addf %add3A_62, %add3A_66 : vector<640x256xf32>
    %slice3A_68 = vector.extract_strided_slice %add3A {offsets = [0, 256], sizes = [640, 256], strides = [1, 1]} : vector<640x512xf32> to vector<640x256xf32>
    %add3A_69 = arith.addf %slice3A_68, %concatenate3A_24 : vector<640x256xf32>
    %add3A_70 = arith.addf %add3A_69, %concatenate3A_48 : vector<640x256xf32>
    %get3A_71 = arith.constant 0 : index
    %get3A_72 = arith.constant 0 : index
    %get3A_73 = vector.load %arg13[%get3A_71, %get3A_72] : memref<1x256xf32, #tpu.memory_space<vmem>>, vector<1x256xf32>
    %add3A_74 = vector.broadcast %get3A_73 : vector<1x256xf32> to vector<640x256xf32>
    %add3A_75 = arith.addf %add3A_70, %add3A_74 : vector<640x256xf32>
    %get3A_76 = arith.constant 0 : index
    %get3A_77 = arith.constant 0 : index
    %get3A_78 = vector.load %arg9[%get3A_76, %get3A_77] : memref<1x256xf32, #tpu.memory_space<vmem>>, vector<1x256xf32>
    %get3A_79 = arith.constant 0 : index
    %get3A_80 = arith.constant 0 : index
    %get3A_81 = vector.load %arg10[%get3A_79, %get3A_80] : memref<1x256xf32, #tpu.memory_space<vmem>>, vector<1x256xf32>
    %reduce_sum3A = arith.constant dense<0.000000e+00> : vector<640xf32>
    %reduce_sum3A_82 = vector.multi_reduction <add>, %add3A_67, %reduce_sum3A [1] : vector<640x256xf32> to vector<640xf32>
    %broadcast_in_dim3A = vector.shape_cast %reduce_sum3A_82 : vector<640xf32> to vector<640x1xf32>
    %div3A = arith.constant 2.560000e+02 : f32
    %div3A_83 = vector.broadcast %div3A : f32 to vector<640x1xf32>
    %div3A_84 = arith.divf %broadcast_in_dim3A, %div3A_83 : vector<640x1xf32>
    %sub3A = vector.broadcast %div3A_84 : vector<640x1xf32> to vector<640x256xf32>
    %sub3A_85 = arith.subf %add3A_67, %sub3A : vector<640x256xf32>
    %integer_pow3A = arith.mulf %sub3A_85, %sub3A_85 : vector<640x256xf32>
    %reduce_sum3A_86 = arith.constant dense<0.000000e+00> : vector<640xf32>
    %reduce_sum3A_87 = vector.multi_reduction <add>, %integer_pow3A, %reduce_sum3A_86 [1] : vector<640x256xf32> to vector<640xf32>
    %broadcast_in_dim3A_88 = vector.shape_cast %reduce_sum3A_87 : vector<640xf32> to vector<640x1xf32>
    %div3A_89 = arith.constant 2.560000e+02 : f32
    %div3A_90 = vector.broadcast %div3A_89 : f32 to vector<640x1xf32>
    %div3A_91 = arith.divf %broadcast_in_dim3A_88, %div3A_90 : vector<640x1xf32>
    %sub3A_92 = vector.broadcast %div3A_84 : vector<640x1xf32> to vector<640x256xf32>
    %sub3A_93 = arith.subf %add3A_67, %sub3A_92 : vector<640x256xf32>
    %add3A_94 = arith.constant 9.99999974E-6 : f32
    %add3A_95 = vector.broadcast %add3A_94 : f32 to vector<640x1xf32>
    %add3A_96 = arith.addf %div3A_91, %add3A_95 : vector<640x1xf32>
    %rsqrt3A = math.rsqrt %add3A_96 : vector<640x1xf32>
    %mul3A = vector.broadcast %rsqrt3A : vector<640x1xf32> to vector<640x256xf32>
    %mul3A_97 = arith.mulf %sub3A_93, %mul3A : vector<640x256xf32>
    %mul3A_98 = vector.broadcast %get3A_78 : vector<1x256xf32> to vector<640x256xf32>
    %mul3A_99 = arith.mulf %mul3A_97, %mul3A_98 : vector<640x256xf32>
    %add3A_100 = vector.broadcast %get3A_81 : vector<1x256xf32> to vector<640x256xf32>
    %add3A_101 = arith.addf %mul3A_99, %add3A_100 : vector<640x256xf32>
    %max3A = arith.constant 0.000000e+00 : f32
    %max3A_102 = vector.broadcast %max3A : f32 to vector<640x256xf32>
    %max3A_103 = arith.maximumf %add3A_101, %max3A_102 : vector<640x256xf32>
    %get3A_104 = arith.constant 0 : index
    %get3A_105 = arith.constant 0 : index
    %get3A_106 = vector.load %arg14[%get3A_104, %get3A_105] : memref<1x256xf32, #tpu.memory_space<vmem>>, vector<1x256xf32>
    %get3A_107 = arith.constant 0 : index
    %get3A_108 = arith.constant 0 : index
    %get3A_109 = vector.load %arg15[%get3A_107, %get3A_108] : memref<1x256xf32, #tpu.memory_space<vmem>>, vector<1x256xf32>
    %reduce_sum3A_110 = arith.constant dense<0.000000e+00> : vector<640xf32>
    %reduce_sum3A_111 = vector.multi_reduction <add>, %add3A_75, %reduce_sum3A_110 [1] : vector<640x256xf32> to vector<640xf32>
    %broadcast_in_dim3A_112 = vector.shape_cast %reduce_sum3A_111 : vector<640xf32> to vector<640x1xf32>
    %div3A_113 = arith.constant 2.560000e+02 : f32
    %div3A_114 = vector.broadcast %div3A_113 : f32 to vector<640x1xf32>
    %div3A_115 = arith.divf %broadcast_in_dim3A_112, %div3A_114 : vector<640x1xf32>
    %sub3A_116 = vector.broadcast %div3A_115 : vector<640x1xf32> to vector<640x256xf32>
    %sub3A_117 = arith.subf %add3A_75, %sub3A_116 : vector<640x256xf32>
    %integer_pow3A_118 = arith.mulf %sub3A_117, %sub3A_117 : vector<640x256xf32>
    %reduce_sum3A_119 = arith.constant dense<0.000000e+00> : vector<640xf32>
    %reduce_sum3A_120 = vector.multi_reduction <add>, %integer_pow3A_118, %reduce_sum3A_119 [1] : vector<640x256xf32> to vector<640xf32>
    %broadcast_in_dim3A_121 = vector.shape_cast %reduce_sum3A_120 : vector<640xf32> to vector<640x1xf32>
    %div3A_122 = arith.constant 2.560000e+02 : f32
    %div3A_123 = vector.broadcast %div3A_122 : f32 to vector<640x1xf32>
    %div3A_124 = arith.divf %broadcast_in_dim3A_121, %div3A_123 : vector<640x1xf32>
    %sub3A_125 = vector.broadcast %div3A_115 : vector<640x1xf32> to vector<640x256xf32>
    %sub3A_126 = arith.subf %add3A_75, %sub3A_125 : vector<640x256xf32>
    %add3A_127 = arith.constant 9.99999974E-6 : f32
    %add3A_128 = vector.broadcast %add3A_127 : f32 to vector<640x1xf32>
    %add3A_129 = arith.addf %div3A_124, %add3A_128 : vector<640x1xf32>
    %rsqrt3A_130 = math.rsqrt %add3A_129 : vector<640x1xf32>
    %mul3A_131 = vector.broadcast %rsqrt3A_130 : vector<640x1xf32> to vector<640x256xf32>
    %mul3A_132 = arith.mulf %sub3A_126, %mul3A_131 : vector<640x256xf32>
    %mul3A_133 = vector.broadcast %get3A_106 : vector<1x256xf32> to vector<640x256xf32>
    %mul3A_134 = arith.mulf %mul3A_132, %mul3A_133 : vector<640x256xf32>
    %add3A_135 = vector.broadcast %get3A_109 : vector<1x256xf32> to vector<640x256xf32>
    %add3A_136 = arith.addf %mul3A_134, %add3A_135 : vector<640x256xf32>
    %max3A_137 = arith.constant 0.000000e+00 : f32
    %max3A_138 = vector.broadcast %max3A_137 : f32 to vector<640x256xf32>
    %max3A_139 = arith.maximumf %add3A_136, %max3A_138 : vector<640x256xf32>
    %convert_element_type3A_140 = arith.truncf %max3A_103 : vector<640x256xf32> to vector<640x256xbf16>
    %get3A_141 = arith.constant 0 : index
    %get3A_142 = arith.constant 0 : index
    %get3A_143 = vector.load %arg11[%get3A_141, %get3A_142] : memref<256x256xf32, #tpu.memory_space<vmem>>, vector<256x256xf32>
    %convert_element_type3A_144 = arith.truncf %get3A_143 : vector<256x256xf32> to vector<256x256xbf16>
    %dot_general3A_145 = arith.constant dense<0.000000e+00> : vector<640x256xf32>
    %dot_general3A_146 = tpu.matmul %convert_element_type3A_140, %convert_element_type3A_144, %dot_general3A_145 {dimension_numbers = #tpu.dot_dimension_numbers<[1], [0], [0], [1], [0, 0, 1, 1], [], []>, transpose_lhs_hint = false} : vector<640x256xbf16>, vector<256x256xbf16>, vector<640x256xf32> -> vector<640x256xf32>
    %get3A_147 = arith.constant 0 : index
    %get3A_148 = arith.constant 0 : index
    %get3A_149 = vector.load %arg12[%get3A_147, %get3A_148] : memref<1x256xf32, #tpu.memory_space<vmem>>, vector<1x256xf32>
    %add3A_150 = vector.broadcast %get3A_149 : vector<1x256xf32> to vector<640x256xf32>
    %add3A_151 = arith.addf %dot_general3A_146, %add3A_150 : vector<640x256xf32>
    %convert_element_type3A_152 = arith.truncf %max3A_139 : vector<640x256xf32> to vector<640x256xbf16>
    %get3A_153 = arith.constant 0 : index
    %get3A_154 = arith.constant 0 : index
    %get3A_155 = vector.load %arg16[%get3A_153, %get3A_154] : memref<256x16xf32, #tpu.memory_space<vmem>>, vector<256x16xf32>
    %convert_element_type3A_156 = arith.truncf %get3A_155 : vector<256x16xf32> to vector<256x16xbf16>
    %dot_general3A_157 = arith.constant dense<0.000000e+00> : vector<640x16xf32>
    %dot_general3A_158 = tpu.matmul %convert_element_type3A_152, %convert_element_type3A_156, %dot_general3A_157 {dimension_numbers = #tpu.dot_dimension_numbers<[1], [0], [0], [1], [0, 0, 1, 1], [], []>, transpose_lhs_hint = false} : vector<640x256xbf16>, vector<256x16xbf16>, vector<640x16xf32> -> vector<640x16xf32>
    %get3A_159 = arith.constant 0 : index
    %get3A_160 = arith.constant 0 : index
    %get3A_161 = vector.load %arg17[%get3A_159, %get3A_160] : memref<1x16xf32, #tpu.memory_space<vmem>>, vector<1x16xf32>
    %add3A_162 = vector.broadcast %get3A_161 : vector<1x16xf32> to vector<640x16xf32>
    %add3A_163 = arith.addf %dot_general3A_158, %add3A_162 : vector<640x16xf32>
    %get3A_164 = arith.constant 0 : index
    %get3A_165 = arith.constant 0 : index
    %get3A_166 = vector.load %arg3[%get3A_164, %get3A_165] : memref<640x384xi32, #tpu.memory_space<vmem>>, vector<640x128xi32>
    %shift_left3A_167 = arith.constant 16 : i32
    %shift_left3A_168 = vector.broadcast %shift_left3A_167 : i32 to vector<640x128xi32>
    %shift_left3A_169 = arith.shli %get3A_166, %shift_left3A_168 : vector<640x128xi32>
    %bitcast_convert_type3A_170 = tpu.bitcast %shift_left3A_169 : vector<640x128xi32> -> vector<640x128xf32>
    %and3A_171 = arith.constant -65536 : i32
    %and3A_172 = vector.broadcast %and3A_171 : i32 to vector<640x128xi32>
    %and3A_173 = arith.andi %get3A_166, %and3A_172 : vector<640x128xi32>
    %bitcast_convert_type3A_174 = tpu.bitcast %and3A_173 : vector<640x128xi32> -> vector<640x128xf32>
    %concatenate3A_175 = tpu.concatenate %bitcast_convert_type3A_170, %bitcast_convert_type3A_174 in 1 : vector<640x128xf32>, vector<640x128xf32> -> vector<640x256xf32>
    %mul3A_176 = arith.mulf %concatenate3A_175, %add3A_151 : vector<640x256xf32>
    %convert_element_type3A_177 = arith.truncf %mul3A_176 : vector<640x256xf32> to vector<640x256xbf16>
    %get3A_178 = arith.constant 0 : index
    %get3A_179 = arith.constant 0 : index
    %get3A_180 = vector.load %arg18[%get3A_178, %get3A_179] : memref<256x16xf32, #tpu.memory_space<vmem>>, vector<256x16xf32>
    %convert_element_type3A_181 = arith.truncf %get3A_180 : vector<256x16xf32> to vector<256x16xbf16>
    %dot_general3A_182 = arith.constant dense<0.000000e+00> : vector<640x16xf32>
    %dot_general3A_183 = tpu.matmul %convert_element_type3A_177, %convert_element_type3A_181, %dot_general3A_182 {dimension_numbers = #tpu.dot_dimension_numbers<[1], [0], [0], [1], [0, 0, 1, 1], [], []>, transpose_lhs_hint = false} : vector<640x256xbf16>, vector<256x16xbf16>, vector<640x16xf32> -> vector<640x16xf32>
    %mul3A_184 = arith.constant 2.500000e-01 : f32
    %mul3A_185 = vector.broadcast %mul3A_184 : f32 to vector<640x16xf32>
    %mul3A_186 = arith.mulf %dot_general3A_183, %mul3A_185 : vector<640x16xf32>
    %get3A_187 = arith.constant 0 : index
    %get3A_188 = arith.constant 0 : index
    %get3A_189 = vector.load %arg7[%get3A_187, %get3A_188] : memref<64x8xf32, #tpu.memory_space<vmem>>, vector<64x8xf32>
    %dot_general3A_190 = arith.constant dense<0.000000e+00> : vector<640x8xf32>
    %dot_general3A_191 = tpu.matmul %get3A_4, %get3A_189, %dot_general3A_190 {dimension_numbers = #tpu.dot_dimension_numbers<[1], [0], [0], [1], [0, 0, 1, 1], [], []>, transpose_lhs_hint = false} : vector<640x64xf32>, vector<64x8xf32>, vector<640x8xf32> -> vector<640x8xf32>
    %slice3A_192 = vector.extract_strided_slice %dot_general3A_191 {offsets = [0, 0], sizes = [640, 1], strides = [1, 1]} : vector<640x8xf32> to vector<640x1xf32>
    %get3A_193 = arith.constant 0 : index
    %get3A_194 = arith.constant 0 : index
    %get3A_195 = vector.load %arg19[%get3A_193, %get3A_194] : memref<1x1xf32, #tpu.memory_space<vmem>>, vector<1x1xf32>
    %get3A_196 = vector.extract %get3A_195[0, 0] : f32 from vector<1x1xf32>
    %add3A_197 = vector.broadcast %get3A_196 : f32 to vector<640x1xf32>
    %add3A_198 = arith.addf %slice3A_192, %add3A_197 : vector<640x1xf32>
    %logistic3A = arith.negf %add3A_198 : vector<640x1xf32>
    %logistic3A_199 = math.exp %logistic3A : vector<640x1xf32>
    %logistic3A_200 = arith.constant 1.000000e+00 : f32
    %logistic3A_201 = vector.broadcast %logistic3A_200 : f32 to vector<640x1xf32>
    %logistic3A_202 = arith.addf %logistic3A_201, %logistic3A_199 : vector<640x1xf32>
    %logistic3A_203 = arith.divf %logistic3A_201, %logistic3A_202 : vector<640x1xf32>
    %jit3A = arith.constant -6.000000e+01 : f32
    %jit3A_204 = arith.constant 6.000000e+01 : f32
    %max3A_205 = vector.broadcast %jit3A : f32 to vector<640x16xf32>
    %max3A_206 = arith.maximumf %max3A_205, %mul3A_186 : vector<640x16xf32>
    %min3A = vector.broadcast %jit3A_204 : f32 to vector<640x16xf32>
    %min3A_207 = arith.minimumf %min3A, %max3A_206 : vector<640x16xf32>
    %exp3A = math.exp %min3A_207 : vector<640x16xf32>
    %mul3A_208 = vector.broadcast %logistic3A_203 : vector<640x1xf32> to vector<640x16xf32>
    %mul3A_209 = arith.mulf %add3A_163, %mul3A_208 : vector<640x16xf32>
    %mul3A_210 = arith.mulf %exp3A, %mul3A_209 : vector<640x16xf32>
    %get3A_211 = arith.constant 0 : index
    %get3A_212 = arith.constant 0 : index
    %get3A_213 = vector.load %arg20[%get3A_211, %get3A_212] : memref<640x3xf32, #tpu.memory_space<vmem>>, vector<640x3xf32>
    %swap3A = arith.constant 0 : index
    %swap3A_214 = arith.constant 0 : index
    %swap3A_215 = vector.load %arg21[%swap3A, %swap3A_214] : memref<640x128xf32, #tpu.memory_space<vmem>>, vector<640x16xf32>
    tpu.vector_store %arg21[%swap3A, %swap3A_214], %exp3A {strides = array<i32>} : memref<640x128xf32, #tpu.memory_space<vmem>>, vector<640x16xf32>,
    %slice3A_216 = vector.extract_strided_slice %get3A_213 {offsets = [0, 0], sizes = [640, 1], strides = [1, 1]} : vector<640x3xf32> to vector<640x1xf32>
    %mul3A_217 = vector.broadcast %slice3A_216 : vector<640x1xf32> to vector<640x16xf32>
    %mul3A_218 = arith.mulf %mul3A_210, %mul3A_217 : vector<640x16xf32>
    %swap3A_219 = arith.constant 0 : index
    %swap3A_220 = arith.constant 16 : index
    %swap3A_221 = vector.load %arg21[%swap3A_219, %swap3A_220] : memref<640x128xf32, #tpu.memory_space<vmem>>, vector<640x16xf32>
    tpu.vector_store %arg21[%swap3A_219, %swap3A_220], %mul3A_218 {strides = array<i32>} : memref<640x128xf32, #tpu.memory_space<vmem>>, vector<640x16xf32>,
    %slice3A_222 = vector.extract_strided_slice %get3A_213 {offsets = [0, 1], sizes = [640, 1], strides = [1, 1]} : vector<640x3xf32> to vector<640x1xf32>
    %mul3A_223 = vector.broadcast %slice3A_222 : vector<640x1xf32> to vector<640x16xf32>
    %mul3A_224 = arith.mulf %mul3A_210, %mul3A_223 : vector<640x16xf32>
    %swap3A_225 = arith.constant 0 : index
    %swap3A_226 = arith.constant 32 : index
    %swap3A_227 = vector.load %arg21[%swap3A_225, %swap3A_226] : memref<640x128xf32, #tpu.memory_space<vmem>>, vector<640x16xf32>
    tpu.vector_store %arg21[%swap3A_225, %swap3A_226], %mul3A_224 {strides = array<i32>} : memref<640x128xf32, #tpu.memory_space<vmem>>, vector<640x16xf32>,
    %slice3A_228 = vector.extract_strided_slice %get3A_213 {offsets = [0, 2], sizes = [640, 1], strides = [1, 1]} : vector<640x3xf32> to vector<640x1xf32>
    %mul3A_229 = vector.broadcast %slice3A_228 : vector<640x1xf32> to vector<640x16xf32>
    %mul3A_230 = arith.mulf %mul3A_210, %mul3A_229 : vector<640x16xf32>
    %swap3A_231 = arith.constant 0 : index
    %swap3A_232 = arith.constant 48 : index
    %swap3A_233 = vector.load %arg21[%swap3A_231, %swap3A_232] : memref<640x128xf32, #tpu.memory_space<vmem>>, vector<640x16xf32>
    tpu.vector_store %arg21[%swap3A_231, %swap3A_232], %mul3A_230 {strides = array<i32>} : memref<640x128xf32, #tpu.memory_space<vmem>>, vector<640x16xf32>,
    %broadcast_in_dim3A_234 = arith.constant 0.000000e+00 : f32
    %broadcast_in_dim3A_235 = vector.broadcast %broadcast_in_dim3A_234 : f32 to vector<640x64xf32>
    %swap3A_236 = arith.constant 0 : index
    %swap3A_237 = arith.constant 64 : index
    %swap3A_238 = vector.load %arg21[%swap3A_236, %swap3A_237] : memref<640x128xf32, #tpu.memory_space<vmem>>, vector<640x64xf32>
    tpu.vector_store %arg21[%swap3A_236, %swap3A_237], %broadcast_in_dim3A_235 {strides = array<i32>} : memref<640x128xf32, #tpu.memory_space<vmem>>, vector<640x64xf32>,
    return
  }
  func.func @transform_0(%arg0: i32) -> (i32, i32) {
    %c0_i32 = arith.constant 0 : i32
    %c0_i32_0 = arith.constant 0 : i32
    return %arg0, %c0_i32 : i32, i32
  }
  func.func @transform_1(%arg0: i32) -> (i32, i32) {
    %c0_i32 = arith.constant 0 : i32
    %c0_i32_0 = arith.constant 0 : i32
    return %arg0, %c0_i32 : i32, i32
  }
  func.func @transform_2(%arg0: i32) -> (i32, i32) {
    %c0_i32 = arith.constant 0 : i32
    %c0_i32_0 = arith.constant 0 : i32
    return %arg0, %c0_i32 : i32, i32
  }
  func.func @transform_3(%arg0: i32) -> (i32, i32) {
    %c0_i32 = arith.constant 0 : i32
    %c0_i32_0 = arith.constant 0 : i32
    return %arg0, %c0_i32 : i32, i32
  }
  func.func @transform_4(%arg0: i32) -> (i32, i32) {
    %c0_i32 = arith.constant 0 : i32
    %c0_i32_0 = arith.constant 0 : i32
    %c0_i32_1 = arith.constant 0 : i32
    return %c0_i32, %c0_i32_0 : i32, i32
  }
  func.func @transform_5(%arg0: i32) -> (i32, i32) {
    %c0_i32 = arith.constant 0 : i32
    %c0_i32_0 = arith.constant 0 : i32
    %c0_i32_1 = arith.constant 0 : i32
    return %c0_i32, %c0_i32_0 : i32, i32
  }
  func.func @transform_6(%arg0: i32) -> (i32, i32) {
    %c0_i32 = arith.constant 0 : i32
    %c0_i32_0 = arith.constant 0 : i32
    %c0_i32_1 = arith.constant 0 : i32
    return %c0_i32, %c0_i32_0 : i32, i32
  }
  func.func @transform_7(%arg0: i32) -> (i32, i32) {
    %c0_i32 = arith.constant 0 : i32
    %c0_i32_0 = arith.constant 0 : i32
    %c0_i32_1 = arith.constant 0 : i32
    return %c0_i32, %c0_i32_0 : i32, i32
  }
  func.func @transform_8(%arg0: i32) -> (i32, i32) {
    %c0_i32 = arith.constant 0 : i32
    %c0_i32_0 = arith.constant 0 : i32
    %c0_i32_1 = arith.constant 0 : i32
    return %c0_i32, %c0_i32_0 : i32, i32
  }
  func.func @transform_9(%arg0: i32) -> (i32, i32) {
    %c0_i32 = arith.constant 0 : i32
    %c0_i32_0 = arith.constant 0 : i32
    %c0_i32_1 = arith.constant 0 : i32
    return %c0_i32, %c0_i32_0 : i32, i32
  }
  func.func @transform_10(%arg0: i32) -> (i32, i32) {
    %c0_i32 = arith.constant 0 : i32
    %c0_i32_0 = arith.constant 0 : i32
    %c0_i32_1 = arith.constant 0 : i32
    return %c0_i32, %c0_i32_0 : i32, i32
  }
  func.func @transform_11(%arg0: i32) -> (i32, i32) {
    %c0_i32 = arith.constant 0 : i32
    %c0_i32_0 = arith.constant 0 : i32
    %c0_i32_1 = arith.constant 0 : i32
    return %c0_i32, %c0_i32_0 : i32, i32
  }
  func.func @transform_12(%arg0: i32) -> (i32, i32) {
    %c0_i32 = arith.constant 0 : i32
    %c0_i32_0 = arith.constant 0 : i32
    %c0_i32_1 = arith.constant 0 : i32
    return %c0_i32, %c0_i32_0 : i32, i32
  }
  func.func @transform_13(%arg0: i32) -> (i32, i32) {
    %c0_i32 = arith.constant 0 : i32
    %c0_i32_0 = arith.constant 0 : i32
    %c0_i32_1 = arith.constant 0 : i32
    return %c0_i32, %c0_i32_0 : i32, i32
  }
  func.func @transform_14(%arg0: i32) -> (i32, i32) {
    %c0_i32 = arith.constant 0 : i32
    %c0_i32_0 = arith.constant 0 : i32
    %c0_i32_1 = arith.constant 0 : i32
    return %c0_i32, %c0_i32_0 : i32, i32
  }
  func.func @transform_15(%arg0: i32) -> (i32, i32) {
    %c0_i32 = arith.constant 0 : i32
    %c0_i32_0 = arith.constant 0 : i32
    %c0_i32_1 = arith.constant 0 : i32
    return %c0_i32, %c0_i32_0 : i32, i32
  }
  func.func @transform_16(%arg0: i32) -> (i32, i32) {
    %c0_i32 = arith.constant 0 : i32
    %c0_i32_0 = arith.constant 0 : i32
    %c0_i32_1 = arith.constant 0 : i32
    return %c0_i32, %c0_i32_0 : i32, i32
  }
  func.func @transform_17(%arg0: i32) -> (i32, i32) {
    %c0_i32 = arith.constant 0 : i32
    %c0_i32_0 = arith.constant 0 : i32
    %c0_i32_1 = arith.constant 0 : i32
    return %c0_i32, %c0_i32_0 : i32, i32
  }
  func.func @transform_18(%arg0: i32) -> (i32, i32) {
    %c0_i32 = arith.constant 0 : i32
    %c0_i32_0 = arith.constant 0 : i32
    %c0_i32_1 = arith.constant 0 : i32
    return %c0_i32, %c0_i32_0 : i32, i32
  }
  func.func @transform_19(%arg0: i32) -> (i32, i32) {
    %c0_i32 = arith.constant 0 : i32
    %c0_i32_0 = arith.constant 0 : i32
    return %arg0, %c0_i32 : i32, i32
  }
  func.func @transform_20(%arg0: i32) -> (i32, i32) {
    %c0_i32 = arith.constant 0 : i32
    %c0_i32_0 = arith.constant 0 : i32
    return %arg0, %c0_i32 : i32, i32
  }
}

module attributes {stable_mosaic.version = 14 : i64} {
  func.func @_k6_body(%arg0: i32, %arg1: memref<2x2000x128xf32, #tpu.memory_space<vmem>>, %arg2: memref<2000x4xf32, #tpu.memory_space<vmem>>) attributes {dimension_semantics = [#tpu.dimension_semantics<arbitrary>], iteration_bounds = array<i64: 5>, scalar_prefetch = 0 : i64, scratch_operands = 0 : i64, tpu.core_type = #tpu.core_type<tc>, window_params = [{transform_indices = @transform_0, window_bounds = array<i64: 2, 2000, 128>}, {transform_indices = @transform_1, window_bounds = array<i64: 2000, 4>}]} {
    %get3A = arith.constant 0 : index
    %get3A_0 = arith.constant 0 : index
    %get3A_1 = arith.constant 0 : index
    %get3A_2 = vector.load %arg1[%get3A, %get3A_0, %get3A_1] : memref<2x2000x128xf32, #tpu.memory_space<vmem>>, vector<1x2000x16xf32>
    %get3A_3 = vector.shape_cast %get3A_2 : vector<1x2000x16xf32> to vector<2000x16xf32>
    %get3A_4 = arith.constant 1 : index
    %get3A_5 = arith.constant 0 : index
    %get3A_6 = arith.constant 0 : index
    %get3A_7 = vector.load %arg1[%get3A_4, %get3A_5, %get3A_6] : memref<2x2000x128xf32, #tpu.memory_space<vmem>>, vector<1x2000x16xf32>
    %get3A_8 = vector.shape_cast %get3A_7 : vector<1x2000x16xf32> to vector<2000x16xf32>
    %add3A = arith.addf %get3A_3, %get3A_8 : vector<2000x16xf32>
    %add3A_9 = arith.constant 1.000000e-16 : f32
    %add3A_10 = vector.broadcast %add3A_9 : f32 to vector<2000x16xf32>
    %add3A_11 = arith.addf %add3A, %add3A_10 : vector<2000x16xf32>
    %div3A = arith.constant 1.000000e+00 : f32
    %div3A_12 = vector.broadcast %div3A : f32 to vector<2000x16xf32>
    %div3A_13 = arith.divf %div3A_12, %add3A_11 : vector<2000x16xf32>
    %get3A_14 = arith.constant 0 : index
    %get3A_15 = arith.constant 0 : index
    %get3A_16 = arith.constant 16 : index
    %get3A_17 = vector.load %arg1[%get3A_14, %get3A_15, %get3A_16] : memref<2x2000x128xf32, #tpu.memory_space<vmem>>, vector<1x2000x16xf32>
    %get3A_18 = vector.shape_cast %get3A_17 : vector<1x2000x16xf32> to vector<2000x16xf32>
    %get3A_19 = arith.constant 1 : index
    %get3A_20 = arith.constant 0 : index
    %get3A_21 = arith.constant 16 : index
    %get3A_22 = vector.load %arg1[%get3A_19, %get3A_20, %get3A_21] : memref<2x2000x128xf32, #tpu.memory_space<vmem>>, vector<1x2000x16xf32>
    %get3A_23 = vector.shape_cast %get3A_22 : vector<1x2000x16xf32> to vector<2000x16xf32>
    %add3A_24 = arith.addf %get3A_18, %get3A_23 : vector<2000x16xf32>
    %mul3A = arith.mulf %add3A_24, %div3A_13 : vector<2000x16xf32>
    %reduce_sum3A = arith.constant dense<0.000000e+00> : vector<2000xf32>
    %reduce_sum3A_25 = vector.multi_reduction <add>, %mul3A, %reduce_sum3A [1] : vector<2000x16xf32> to vector<2000xf32>
    %broadcast_in_dim3A = vector.shape_cast %reduce_sum3A_25 : vector<2000xf32> to vector<2000x1xf32>
    %mul3A_26 = arith.constant 6.250000e-02 : f32
    %mul3A_27 = vector.broadcast %mul3A_26 : f32 to vector<2000x1xf32>
    %mul3A_28 = arith.mulf %broadcast_in_dim3A, %mul3A_27 : vector<2000x1xf32>
    %swap3A = arith.constant 0 : index
    %swap3A_29 = arith.constant 0 : index
    %swap3A_30 = vector.load %arg2[%swap3A, %swap3A_29] : memref<2000x4xf32, #tpu.memory_space<vmem>>, vector<2000x1xf32>
    tpu.vector_store %arg2[%swap3A, %swap3A_29], %mul3A_28 {strides = array<i32>} : memref<2000x4xf32, #tpu.memory_space<vmem>>, vector<2000x1xf32>,
    %get3A_31 = arith.constant 0 : index
    %get3A_32 = arith.constant 0 : index
    %get3A_33 = arith.constant 32 : index
    %get3A_34 = vector.load %arg1[%get3A_31, %get3A_32, %get3A_33] : memref<2x2000x128xf32, #tpu.memory_space<vmem>>, vector<1x2000x16xf32>
    %get3A_35 = vector.shape_cast %get3A_34 : vector<1x2000x16xf32> to vector<2000x16xf32>
    %get3A_36 = arith.constant 1 : index
    %get3A_37 = arith.constant 0 : index
    %get3A_38 = arith.constant 32 : index
    %get3A_39 = vector.load %arg1[%get3A_36, %get3A_37, %get3A_38] : memref<2x2000x128xf32, #tpu.memory_space<vmem>>, vector<1x2000x16xf32>
    %get3A_40 = vector.shape_cast %get3A_39 : vector<1x2000x16xf32> to vector<2000x16xf32>
    %add3A_41 = arith.addf %get3A_35, %get3A_40 : vector<2000x16xf32>
    %mul3A_42 = arith.mulf %add3A_41, %div3A_13 : vector<2000x16xf32>
    %reduce_sum3A_43 = arith.constant dense<0.000000e+00> : vector<2000xf32>
    %reduce_sum3A_44 = vector.multi_reduction <add>, %mul3A_42, %reduce_sum3A_43 [1] : vector<2000x16xf32> to vector<2000xf32>
    %broadcast_in_dim3A_45 = vector.shape_cast %reduce_sum3A_44 : vector<2000xf32> to vector<2000x1xf32>
    %mul3A_46 = arith.constant 6.250000e-02 : f32
    %mul3A_47 = vector.broadcast %mul3A_46 : f32 to vector<2000x1xf32>
    %mul3A_48 = arith.mulf %broadcast_in_dim3A_45, %mul3A_47 : vector<2000x1xf32>
    %swap3A_49 = arith.constant 0 : index
    %swap3A_50 = arith.constant 1 : index
    %swap3A_51 = vector.load %arg2[%swap3A_49, %swap3A_50] : memref<2000x4xf32, #tpu.memory_space<vmem>>, vector<2000x1xf32>
    tpu.vector_store %arg2[%swap3A_49, %swap3A_50], %mul3A_48 {strides = array<i32>} : memref<2000x4xf32, #tpu.memory_space<vmem>>, vector<2000x1xf32>,
    %get3A_52 = arith.constant 0 : index
    %get3A_53 = arith.constant 0 : index
    %get3A_54 = arith.constant 48 : index
    %get3A_55 = vector.load %arg1[%get3A_52, %get3A_53, %get3A_54] : memref<2x2000x128xf32, #tpu.memory_space<vmem>>, vector<1x2000x16xf32>
    %get3A_56 = vector.shape_cast %get3A_55 : vector<1x2000x16xf32> to vector<2000x16xf32>
    %get3A_57 = arith.constant 1 : index
    %get3A_58 = arith.constant 0 : index
    %get3A_59 = arith.constant 48 : index
    %get3A_60 = vector.load %arg1[%get3A_57, %get3A_58, %get3A_59] : memref<2x2000x128xf32, #tpu.memory_space<vmem>>, vector<1x2000x16xf32>
    %get3A_61 = vector.shape_cast %get3A_60 : vector<1x2000x16xf32> to vector<2000x16xf32>
    %add3A_62 = arith.addf %get3A_56, %get3A_61 : vector<2000x16xf32>
    %mul3A_63 = arith.mulf %add3A_62, %div3A_13 : vector<2000x16xf32>
    %reduce_sum3A_64 = arith.constant dense<0.000000e+00> : vector<2000xf32>
    %reduce_sum3A_65 = vector.multi_reduction <add>, %mul3A_63, %reduce_sum3A_64 [1] : vector<2000x16xf32> to vector<2000xf32>
    %broadcast_in_dim3A_66 = vector.shape_cast %reduce_sum3A_65 : vector<2000xf32> to vector<2000x1xf32>
    %mul3A_67 = arith.constant 6.250000e-02 : f32
    %mul3A_68 = vector.broadcast %mul3A_67 : f32 to vector<2000x1xf32>
    %mul3A_69 = arith.mulf %broadcast_in_dim3A_66, %mul3A_68 : vector<2000x1xf32>
    %swap3A_70 = arith.constant 0 : index
    %swap3A_71 = arith.constant 2 : index
    %swap3A_72 = vector.load %arg2[%swap3A_70, %swap3A_71] : memref<2000x4xf32, #tpu.memory_space<vmem>>, vector<2000x1xf32>
    tpu.vector_store %arg2[%swap3A_70, %swap3A_71], %mul3A_69 {strides = array<i32>} : memref<2000x4xf32, #tpu.memory_space<vmem>>, vector<2000x1xf32>,
    %broadcast_in_dim3A_73 = arith.constant 0.000000e+00 : f32
    %broadcast_in_dim3A_74 = vector.broadcast %broadcast_in_dim3A_73 : f32 to vector<2000x1xf32>
    %swap3A_75 = arith.constant 0 : index
    %swap3A_76 = arith.constant 3 : index
    %swap3A_77 = vector.load %arg2[%swap3A_75, %swap3A_76] : memref<2000x4xf32, #tpu.memory_space<vmem>>, vector<2000x1xf32>
    tpu.vector_store %arg2[%swap3A_75, %swap3A_76], %broadcast_in_dim3A_74 {strides = array<i32>} : memref<2000x4xf32, #tpu.memory_space<vmem>>, vector<2000x1xf32>,
    return
  }
  func.func @transform_0(%arg0: i32) -> (i32, i32, i32) {
    %c0_i32 = arith.constant 0 : i32
    %c0_i32_0 = arith.constant 0 : i32
    %c0_i32_1 = arith.constant 0 : i32
    return %c0_i32, %arg0, %c0_i32_0 : i32, i32, i32
  }
  func.func @transform_1(%arg0: i32) -> (i32, i32) {
    %c0_i32 = arith.constant 0 : i32
    %c0_i32_0 = arith.constant 0 : i32
    return %arg0, %c0_i32 : i32, i32
  }
}

</mosaic_0001>

<sc_bundles>
// kernel: kernel.10.cloned.1.call-start
scs
__scs_entry_jumppad:
0x0: {  	(pc) =	sbr.rel $0x88, $3  }
0x1: {  	(tag) =	ssettag $0x0;
	lr =	simm.s32 $0x1  }
0x2: {  	[smem:$0x3F88] =	sst lr;
	_ =	strace $0xD0000000  }
0x3: {  	_ = 	snop  }
0x4: {  	_ = 	snop  }
0x5: {  	_ = 	snop  }
0x6: {  	_ = 	snop  }
0x7: {  	_ = 	snop  }
__scs_overlays_trampoline_lowered:
0x8: {  	[smem:$0x3F97] =	sst s0  }
0x9: {  	[smem:$0x3F98] =	sst s1  }
0xa: {  	[smem:$0x3F99] =	sst s2  }
0xb: {  	[smem:$0x3F9A] =	sst s3  }
0xc: {  	[smem:$0x3F9B] =	sst s4  }
0xd: {  	[smem:$0x3F9C] =	sst s5  }
0xe: {  	[smem:$0x3F9D] =	sst s6  }
0xf: {  	[smem:$0x3F9E] =	sst s7  }
0x10: {  	[smem:$0x3F9F] =	sst s8  }
0x11: {  	[smem:$0x3FA0] =	sst s9;
	s0 =	simm.s32 @!p0 $0x0  }
0x12: {  	s1 =	sld [smem:$0x3F86];
	s0 =	simm.s32 @p0 $0x1  }
0x13: {  	[smem:$0x3FA1] =	sst s0;
	s0 =	simm.s32 @!p1 $0x0  }
0x14: {  	s2 =	sld [smem:$0x3F85];
	s0 =	simm.s32 @p1 $0x1  }
0x15: {  	[smem:$0x3FA2] =	sst s0;
	s0 =	simm.s32 @!p2 $0x0  }
0x16: {  	s3 =	sld [smem:$0x3FDB];
	s0 =	simm.s32 @p2 $0x1  }
0x17: {  	s4 =	simm.s32 $0x1BF5;
	[smem:$0x3FA4] =	sst s0  }
0x18: {  	s0 =	sld [smem:$0x3F87];
	_ =	swait.ge [sflag:s4], $0x0  }
0x19: {  	s7 =	sld [smem:$0x3F88]  }
0x1a: {  	s8 =	sadd.s32 $0xFFFFE003, lr  }
0x1b: {  	s9 =	sadd.s32 $0xFFFFFEF7, lr;
	s5 =	simm.s32 $0xFFFFFFFF;
	p2 =	slt.u32 s8, $0xFFFFF086  }
0x1c: {  	p1 =	slt.u32 s9, $0xF7A;
	s5 =	simm.s32 @!p2 $0x0  }
0x1d: {  	s5 =	simm.s32 @p1 $0x1;
	p0 =	seq.s32 s7, s2  }
0x1e: {  	s7 =	smul.u32 @!p0 $0xF7A, s2;
	p2 =	seq.s32 @!p0 s5, $0x0  }
0x1f: {  	s9 =	smul.u32 $0xF7A, s1;
	s8 =	simm.s32 @!p0 $0x1BF5;
	p2 =	por !p2, p0  }
0x20: {  	[sflag:s8] =	ssyncset.s32 @!p0 $0xFFFFF086;
	s6 =	sadd.s32 @!p0 s3, s7;
	s7 =	simm.s32 @!p0 $0x108  }
0x21: {  	s3 =	sadd.s32 s3, s9;
	s6 =	sadd.s32 @!p0 $0x88, s6;
	s7 =	simm.s32 @p2 $0x1082  }
0x22: {  	[simem:s7], [sflag:s8] =	dma.local @!p0 [hbm:s6], $0xF7A  }
0x23: {  	s9 =	sor.u32 $0xD0000000, s2;
	s6 =	simm.s32 $0x108;
	_ =	swait.ge @!p0 [sflag:s8], $0x0  }
0x24: {  	s3 =	sadd.s32 $0x88, s3;
	s6 =	simm.s32 @!p1 $0x1082;
	[sflag:s4] =	ssyncset.s32 $0xFFFFF086  }
0x25: {  	[simem:s6], [sflag:s4] =	dma.local [hbm:s3], $0xF7A  }
0x26: {  	[smem:$0x3F88] =	sst s1;
	(tag) =	ssettag s2;
	_ =	strace s9  }
0x27: {  	s1 =	sld [smem:$0x3F98]  }
0x28: {  	s2 =	sld [smem:$0x3F99]  }
0x29: {  	s4 =	sld [smem:$0x3F9B]  }
0x2a: {  	p0 =	seq.s32 s5, $0x0;
	s5 =	sld [smem:$0x3F9C]  }
0x2b: {  	s6 =	sld [smem:$0x3F9D]  }
0x2c: {  	s7 =	sld [smem:$0x3F9E]  }
0x2d: {  	s3 =	simm.s32 $0x108;
	s8 =	sld [smem:$0x3F9F]  }
0x2e: {  	s3 =	simm.s32 @!p0 $0x1082;
	s9 =	sld [smem:$0x3FA0]  }
0x2f: {  	lr =	sadd.s32 s0, s3;
	s0 =	sld [smem:$0x3F97]  }
0x30: {  	s3 =	sld [smem:$0x3F9A]  }
0x31: {  	[smem:$0x3FA3] =	sst s10  }
0x32: {  	s10 =	sld [smem:$0x3FA1];
	_ =	sdelay $0x3  }
0x33: {  	p0 =	seq.s32 s10, $0x1;
	s10 =	sld [smem:$0x3FA3];
	_ =	sdelay $0x3  }
0x34: {  	[smem:$0x3FA3] =	sst s10  }
0x35: {  	s10 =	sld [smem:$0x3FA2];
	_ =	sdelay $0x3  }
0x36: {  	p1 =	seq.s32 s10, $0x1;
	s10 =	sld [smem:$0x3FA3];
	_ =	sdelay $0x3  }
0x37: {  	[smem:$0x3FA3] =	sst s10  }
0x38: {  	s10 =	sld [smem:$0x3FA4]  }
0x39: {  	_ = 	snop;
	(pc) =	sbr.ind lr, $3  }
0x3a: {  	_ = 	snop  }
0x3b: {  	_ = 	snop  }
0x3c: {  	p2 =	seq.s32 s10, $0x1;
	s10 =	sld [smem:$0x3FA3]  }
0x3d: {  	_ =	shalt  }
0x3e: {  	_ =	shalt  }
0x3f: {  	_ =	shalt  }
0x40: {  	_ =	shalt  }
0x41: {  	_ =	shalt  }
0x42: {  	_ =	shalt  }
0x43: {  	_ =	shalt  }
0x44: {  	_ =	shalt  }
0x45: {  	_ =	shalt  }
0x46: {  	_ =	shalt  }
0x47: {  	_ =	shalt  }
0x48: {  	_ =	shalt  }
0x49: {  	_ =	shalt  }
0x4a: {  	_ =	shalt  }
0x4b: {  	_ =	shalt  }
0x4c: {  	_ =	shalt  }
0x4d: {  	_ =	shalt  }
0x4e: {  	_ =	shalt  }
0x4f: {  	_ =	shalt  }
0x50: {  	_ =	shalt  }
0x51: {  	_ =	shalt  }
0x52: {  	_ =	shalt  }
0x53: {  	_ =	shalt  }
0x54: {  	_ =	shalt  }
0x55: {  	_ =	shalt  }
0x56: {  	_ =	shalt  }
0x57: {  	_ =	shalt  }
0x58: {  	_ =	shalt  }
0x59: {  	_ =	shalt  }
0x5a: {  	_ =	shalt  }
0x5b: {  	_ =	shalt  }
0x5c: {  	_ =	shalt  }
0x5d: {  	_ =	shalt  }
0x5e: {  	_ =	shalt  }
0x5f: {  	_ =	shalt  }
0x60: {  	_ =	shalt  }
0x61: {  	_ =	shalt  }
0x62: {  	_ =	shalt  }
0x63: {  	_ =	shalt  }
0x64: {  	_ =	shalt  }
0x65: {  	_ =	shalt  }
0x66: {  	_ =	shalt  }
0x67: {  	_ =	shalt  }
0x68: {  	_ =	shalt  }
0x69: {  	_ =	shalt  }
0x6a: {  	_ =	shalt  }
0x6b: {  	_ =	shalt  }
0x6c: {  	_ =	shalt  }
0x6d: {  	_ =	shalt  }
0x6e: {  	_ =	shalt  }
0x6f: {  	_ =	shalt  }
0x70: {  	_ =	shalt  }
0x71: {  	_ =	shalt  }
0x72: {  	_ =	shalt  }
0x73: {  	_ =	shalt  }
0x74: {  	_ =	shalt  }
0x75: {  	_ =	shalt  }
0x76: {  	_ =	shalt  }
0x77: {  	_ =	shalt  }
0x78: {  	_ =	shalt  }
0x79: {  	_ =	shalt  }
0x7a: {  	_ =	shalt  }
0x7b: {  	_ =	shalt  }
0x7c: {  	_ =	shalt  }
0x7d: {  	_ =	shalt  }
0x7e: {  	_ =	shalt  }
0x7f: {  	_ =	shalt  }
0x80: {  	_ =	shalt  }
0x81: {  	_ =	shalt  }
0x82: {  	_ =	shalt  }
0x83: {  	_ =	shalt  }
0x84: {  	_ =	shalt  }
0x85: {  	_ =	shalt  }
0x86: {  	_ =	shalt  }
0x87: {  	_ =	shalt  }
.Lfunc_end0:
.L_simem_size_0:
called_computation.1_lowered:
.L_overlay_start_0:
0x88: {  	s2 =	sld [smem:$0x3FD9]  }
0x89: {  	s3 =	sld [smem:$0x3FFE];
	_ =	sdelay $0x1  }
0x8a: {  	s1 =	srdreg.scid  }
0x8b: {  	s0 =	sand.u32 $0x1, s1  }
0x8c: {  	s16 =	sshll.u32 s0, $0xA;
	s2 =	sadd.s32 s3, s2  }
0x8d: {  	s2 =	sadd.s32 s2, s16  }
0x8e: {  	[smem:$0x3FAF] =	sst s2  }
0x8f: {  	_ = 	snop  }
0x90: {  	(tm) =	ssettm $0x1  }
0x91: {  	s17 =	sld [smem:$0x3FFB];
	_ =	sdelay $0x3  }
0x92: {  	_ =	strace s17  }
0x93: {  	s2 =	sld [smem:$0x3FFC];
	_ =	sdelay $0x3  }
0x94: {  	_ =	strace s2  }
0x95: {  	s2 =	sld [smem:$0x3FFD];
	_ =	sdelay $0x3  }
0x96: {  	_ =	strace s2  }
0x97: {  	_ =	strace $0x8FFFFFFF  }
0x98: {  	s18 =	sld [smem:$0x3FDB];
	_ =	sdelay $0x1  }
0x99: {  	s19 =	simm.s32 $_scs_section_size  }
0x9a: {  	s4 =	simm.s32 $_size__tile_overlayer_lowered;
	s5 =	simm.s32 $_tile_overlayer_lowered  }
0x9b: {  	s22 =	simm.s32 $0x1BFF;
	s21 =	sshll.u32 s5, $0x1;
	s2 =	sadd.s32 s19, s18  }
0x9c: {  	s6 =	simm.s32 $0x0;
	s20 =	sshll.u32 s4, $0x1;
	s4 =	sadd.s32 s21, s2  }
0x9d: {  	[timem:s6], [sflag:s22] =	dma.local [hbm:s4], s20  }
0x9e: {  	_ =	swait.ge [sflag:s22], s20  }
0x9f: {  	s3 =	ssub.s32 $0x0, s20;
	[sflag:s22] =	ssyncset.done $0x0  }
0xa0: {  	[sflag:s22] =	ssyncadd.s32 s3;
	_ =	sdelay $0x1  }
0xa1: {  	s23 =	simm.s32 $0x1B8B  }
0xa2: {  	_ =	swait.ge [sflag:s23], $0x1  }
0xa3: {  	[sflag:s23] =	ssyncset.done $0x0  }
0xa4: {  	s25 =	simm.s32 $0x1B8E;
	s24 =	sld [smem:$0x3FFE];
	[sflag:s23] =	ssyncadd.s32 $0xFFFFFFFF  }
0xa5: {  	s26 =	simm.s32 $execute0_lowered;
	[smem:$0x3FD2] =	sst s25  }
0xa6: {  	s4 =	sshll.u32 s26, $0x1;
	_ =	strace $0x80000049;
	[dreg:$0x1] =	wrdreg $0xFFFFFFFF  }
0xa7: {  	s28 =	simm.s32 $_size_execute0_lowered;
	s2 =	sadd.s32 s2, s4;
	[dreg:$0x0] =	wrdreg $0x0  }
0xa8: {  	s4 =	sshll.u32 s28, $0x1;
	[dreg:$0x2] =	wrdreg s2  }
0xa9: {  	[dreg:$0x3] =	wrdreg s4  }
0xaa: {  	[dreg:$0x4] =	wrdreg $0xC0  }
0xab: {  	_ =	task [dreg:s6], $0x5FFFF  }
0xac: {  	[dreg:$0x1] =	wrdreg $0xFFFFFFFF  }
0xad: {  	[dreg:$0x0] =	wrdreg $0x60  }
0xae: {  	[dreg:$0x2] =	wrdreg s24  }
0xaf: {  	[dreg:$0x3] =	wrdreg $0x68000  }
0xb0: {  	[dreg:$0x4] =	wrdreg $0x9  }
0xb1: {  	_ =	task.clear_ibuf [dreg:s6], $0x5FFFF;
	_ =	strace $0x90000049  }
0xb2: {  	s29 =	simm.s32 $0x9;
	_ =	strace $0x8000004B  }
0xb3: {  	_ =	swait.ge [sflag:s29], $0x1  }
0xb4: {  	[sflag:s29] =	ssyncadd.s32 $0xFFFFFFFF  }
0xb5: {  	_ =	strace $0x9000004B  }
0xb6: {  	_ =	sfence  }
0xb7: {  	s30 =	sld [smem:$0x0];
	_ =	sdelay $0x2  }
0xb8: {  	s31 =	sshll.u32 s1, $0xD;
	s1 =	sshrl.u32 s1, $0x2  }
0xb9: {  	s3 =	sand.u32 $0x4000, s31;
	s1 =	sadd.s32 s1, s30  }
0xba: {  	s0 =	sor.u32 s3, s0;
	s1 =	sshll.u32 s1, $0x11  }
0xbb: {  	s0 =	sor.u32 s1, s0  }
0xbc: {  	s0 =	sadd.s32 $0x8F2B, s0  }
0xbd: {  	[sflag:s0] =	ssyncadd.remote.s32 $0x1  }
0xbe: {  	_ =	sfence.sel $0xFFFF  }
0xbf: {  	[dreg:$0x0] =	wrdreg $0xFFFFFFFF;
	(pc) =	sbr.abs _section_cstart, $3  }
0xc0: {  	[dreg:$0x1] =	wrdreg $0xFFFFFFFF  }
0xc1: {  	_ =	task.clear_ibuf [dreg:s6], $0x2FFFF;
	_ =	strace $0x9FFFFFFF  }
0xc2: {  	(tm) =	ssettm $0x7FFFFFFF  }
0xc3: {  	_ =	shalt  }
tec
execute0_lowered:
.L_overlay_start_1:
0x0: {  	(tag) =	ssettag $0x1  }
0x1: {  	s4 =	rddreg [dreg:$0x0]  }
0x2: {  	s1 =	rddreg [dreg:$0x1]  }
0x3: {  	s3 =	srdreg.scid;
	s0 =	rddreg [dreg:$0x2];
	s2 =	simm.s32 $0x0  }
0x4: {  	s10 =	stileid.u32;
	s14 =	simm.s32 $0x5400;
	s15 =	simm.s32 $0x1  }
0x5: {  	s16 =	simm.s32 $0x28;
	s17 =	simm.s32 $0x2;
	s18 =	simm.s32 $0x3D00  }
0x6: {  	s19 =	simm.s32 $0x3D80;
	s20 =	simm.s32 $0x3E00;
	s21 =	simm.s32 $0x0  }
0x7: {  	s5 =	sand.u32 $0x1, s3;
	[smem:$0x7FF] =	sst s2;
	s9 =	sadd.s32 $0x14AB200, s4  }
0x8: {  	s13 =	smul.u32 $0x13880, s10;
	p0 =	sne.s32 s10, $0x0;
	s3 =	sshll.u32 s5, $0x4  }
0x9: {  	_ =	strace $0x8000004A;
	s7 =	smul.u32 $0x27100, s5;
	s11 =	ssub.s32 $0x2, s5  }
0xa: {  	s30 =	smul.u32 $0x138800, s5;
	s6 =	sor.u32 s10, s3;
	s28 =	sshrl.u32 s11, $0x1  }
0xb: {  	s3 =	sshll.u32 s6, $0xB;
	s12 =	smul.u32 $0x9C400, s6;
	s7 =	sadd.s32 s7, s4  }
0xc: {  	s11 =	ssub.s32 s11, s28;
	s6 =	smul.u32 $0x13880, s6;
	s31 =	sadd.s32 s30, s9  }
0xd: {  	s8 =	sadd.s32 s3, s4;
	s3 =	sadd.s32 $0x17800, s4;
	s7 =	sadd.s32 $0x3EA00, s7  }
0xe: {  	s12 =	sshrl.u32 s12, $0x3;
	s4 =	sadd.s32 $0x7800, s8;
	s5 =	sadd.s32 s9, s6  }
0xf: {  	s8 =	smax.u32 s11, $0x1;
	s11 =	sadd.s32 s13, s31;
	s13 =	simm.s32 $0x4000  }
0x10: {  	s29 =	sadd.s32 s9, s12;
	s9 =	sadd.s32 $0x13600, s5;
	s10 =	sadd.s32 $0x780, s11  }
0x11: {  	s11 =	sshrl.u32 @!p0 s1, $0x3;
	s12 =	simm.s32 $0x3;
	s6 =	sadd.s32 $0x280, s29  }
.LBB2_1:
0x12: {  	s22 =	simm.s32 @!p0 $0x1C03  }
0x13: {  	[spmem:s11], [sflag:s22] =	dma.local @!p0 [hbm:s3], $0x27100  }
0x14: {  	s22 =	simm.s32 @!p0 $0x3  }
0x15: {  	_ =	swait.ge @!p0 [sflag:s22], $0x27100  }
0x16: {  	[sflag:s22] =	ssyncset.done @!p0 $0x0  }
0x17: {  	[sflag:s22] =	ssyncadd.s32 @!p0 $0xFFFD8F00  }
0x18: {  	[tilespmem:s2], [sflag:$0x3] =	stream.linear.gather [hbm4b:s4+s2], $0x3E80, $0x38;
	[tilespmem:$0x1A080] =	vst v63  }
0x19: {  	_ =	swait.ge [sflag:s12], $0x3E80  }
0x1a: {  	[sflag:s12] =	ssyncset.done $0x0  }
0x1b: {  	[sflag:s12] =	ssyncadd.s32 $0xFFFFC180  }
0x1c: {  	[bflag:$0x0] =	sbarrier.arrive $0xFFFF  }
0x1d: {  	[tilespmem:s13], [sflag:$0x1] =	stream.linear.gather [hbm4b:s5+s2], $0x1400, $0x38;
	[tilespmem:$0x1A080] =	vst v63  }
0x1e: {  	_ = 	snop  }
0x1f: {  	[tilespmem:s14], [sflag:$0x2] =	stream.linear.gather [hbm4b:s6+s2], $0x1400, $0x38;
	[tilespmem:$0x1A080] =	vst v63  }
0x20: {  	_ =	swait.ge [sflag:s15], $0x1400  }
0x21: {  	[sflag:s15] =	ssyncset.done $0x0  }
0x22: {  	s29 =	simm.s32 $0x0;
	[sflag:s15] =	ssyncadd.s32 $0xFFFFEC00  }
0x23: {  	[spmem:s1] =	stream.indirect.scatter.add.f32 [tilespmem:s13], [sflag:$0x3], $0x80, s29, s16, $0xb8;
	[tilespmem:$0x1A080] =	vst v63  }
0x24: {  	_ =	swait.ge [sflag:s12], $0x1400  }
0x25: {  	[sflag:s12] =	ssyncset.done $0x0  }
0x26: {  	s30 =	sadd.s32 $0xFFFFFD80, s10;
	[sflag:s12] =	ssyncadd.s32 $0xFFFFEC00  }
0x27: {  	[tilespmem:s13], [sflag:$0x1] =	stream.linear.gather [hbm4b:s30+s2], $0x1400, $0x38;
	[tilespmem:$0x1A080] =	vst v63  }
0x28: {  	_ =	swait.ge [sflag:s17], $0x1400  }
0x29: {  	[sflag:s17] =	ssyncset.done $0x0  }
0x2a: {  	s31 =	simm.s32 $0x80;
	[sflag:s17] =	ssyncadd.s32 $0xFFFFEC00  }
0x2b: {  	[spmem:s1] =	stream.indirect.scatter.add.f32 [tilespmem:s14], [sflag:$0x3], $0x80, s31, s16, $0xb8;
	[tilespmem:$0x1A080] =	vst v63  }
0x2c: {  	_ =	swait.ge [sflag:s12], $0x1400  }
0x2d: {  	s23 =	sadd.s32 $0x500, s10;
	[sflag:s12] =	ssyncset.done $0x0  }
0x2e: {  	s24 =	smov.u32 s10;
	s22 =	simm.s32 $0x400;
	[sflag:s12] =	ssyncadd.s32 $0xFFFFEC00  }
.LBB2_2:
0x2f: {  	[tilespmem:s14], [sflag:$0x2] =	stream.linear.gather [hbm4b:s24+s2], $0x1400, $0x38;
	[tilespmem:$0x1A080] =	vst v63  }
0x30: {  	s25 =	smov.u32 s22;
	s24 =	smov.u32 s23  }
0x31: {  	p1 =	sne.s32 s22, $0xF000;
	s22 =	sadd.s32 $0x400, s22;
	_ =	swait.ge [sflag:s15], $0x1400  }
0x32: {  	[sflag:s15] =	ssyncset.done $0x0  }
0x33: {  	s25 =	sshra.s32 s25, $0x2;
	[sflag:s15] =	ssyncadd.s32 $0xFFFFEC00  }
0x34: {  	[spmem:s1] =	stream.indirect.scatter.add.f32 [tilespmem:s13], [sflag:$0x3], $0x80, s25, s16, $0xb8;
	[tilespmem:$0x1A080] =	vst v63  }
0x35: {  	_ =	swait.ge [sflag:s12], $0x1400  }
0x36: {  	[sflag:s12] =	ssyncset.done $0x0  }
0x37: {  	s26 =	sadd.s32 $0xFFFFFD80, s23;
	[sflag:s12] =	ssyncadd.s32 $0xFFFFEC00  }
0x38: {  	[tilespmem:s13], [sflag:$0x1] =	stream.linear.gather [hbm4b:s26+s2], $0x1400, $0x38;
	[tilespmem:$0x1A080] =	vst v63  }
0x39: {  	_ =	swait.ge [sflag:s17], $0x1400  }
0x3a: {  	[sflag:s17] =	ssyncset.done $0x0  }
.Ltmp0:
0x3b: {  	s25 =	sadd.s32 $0x80, s25;
	[sflag:s17] =	ssyncadd.s32 $0xFFFFEC00;
	(pc) =	sbr.rel @p1 .LBB2_2-.Ltmp0, $4  }
0x3c: {  	[spmem:s1] =	stream.indirect.scatter.add.f32 [tilespmem:s14], [sflag:$0x3], $0x80, s25, s16, $0xb8;
	[tilespmem:$0x1A080] =	vst v63  }
0x3d: {  	_ =	swait.ge [sflag:s12], $0x1400  }
0x3e: {  	[sflag:s12] =	ssyncset.done $0x0  }
0x3f: {  	s23 =	sadd.s32 $0x500, s23;
	[sflag:s12] =	ssyncadd.s32 $0xFFFFEC00  }
0x40: {  	[tilespmem:s14], [sflag:$0x2] =	stream.linear.gather [hbm4b:s24+s2], $0x1400, $0x38;
	[tilespmem:$0x1A080] =	vst v63  }
0x41: {  	_ =	swait.ge [sflag:s15], $0x1400  }
0x42: {  	[sflag:s15] =	ssyncset.done $0x0  }
0x43: {  	[sflag:s15] =	ssyncadd.s32 $0xFFFFEC00  }
0x44: {  	[spmem:s1] =	stream.indirect.scatter.add.f32 [tilespmem:s13], [sflag:$0x3], $0x80, s18, s16, $0xb8;
	[tilespmem:$0x1A080] =	vst v63  }
0x45: {  	_ =	swait.ge [sflag:s12], $0x1400  }
0x46: {  	[sflag:s12] =	ssyncset.done $0x0  }
0x47: {  	[sflag:s12] =	ssyncadd.s32 $0xFFFFEC00  }
0x48: {  	[tilespmem:s13], [sflag:$0x1] =	stream.linear.gather [hbm4b:s9+s2], $0x1400, $0x38;
	[tilespmem:$0x1A080] =	vst v63  }
0x49: {  	_ =	swait.ge [sflag:s17], $0x1400  }
0x4a: {  	[sflag:s17] =	ssyncset.done $0x0  }
0x4b: {  	[sflag:s17] =	ssyncadd.s32 $0xFFFFEC00  }
0x4c: {  	[spmem:s1] =	stream.indirect.scatter.add.f32 [tilespmem:s14], [sflag:$0x3], $0x80, s19, s16, $0xb8;
	[tilespmem:$0x1A080] =	vst v63  }
0x4d: {  	_ =	swait.ge [sflag:s12], $0x1400  }
0x4e: {  	[sflag:s12] =	ssyncset.done $0x0  }
0x4f: {  	[sflag:s12] =	ssyncadd.s32 $0xFFFFEC00  }
0x50: {  	_ =	swait.ge [sflag:s15], $0x1400  }
0x51: {  	[sflag:s15] =	ssyncset.done $0x0  }
0x52: {  	[sflag:s15] =	ssyncadd.s32 $0xFFFFEC00  }
0x53: {  	[spmem:s1] =	stream.indirect.scatter.add.f32 [tilespmem:s13], [sflag:$0x3], $0x80, s20, s16, $0xb8;
	[tilespmem:$0x1A080] =	vst v63  }
0x54: {  	_ =	swait.ge [sflag:s12], $0x1400  }
0x55: {  	[sflag:s12] =	ssyncset.done $0x0  }
0x56: {  	s21 =	sadd.s32 $0x1, s21;
	[sflag:s12] =	ssyncadd.s32 $0xFFFFEC00  }
0x57: {  	s22 =	simm.s32 @!p0 $0x1C03;
	p1 =	sne.s32 s21, s8;
	[bflag:$0x0] =	sbarrier.arrive $0xFFFF  }
0x58: {  	[hbm:s7], [sflag:s22] =	dma.local @!p0 [spmem:s11], $0x27100  }
.Ltmp1:
0x59: {  	_ = 	snop;
	(pc) =	sbr.rel @p1 .LBB2_1-.Ltmp1, $4  }
0x5a: {  	s22 =	simm.s32 @!p0 $0x3  }
0x5b: {  	_ =	swait.ge @!p0 [sflag:s22], $0x27100  }
0x5c: {  	[sflag:s22] =	ssyncset.done @!p0 $0x0  }
0x5d: {  	[sflag:s22] =	ssyncadd.s32 @!p0 $0xFFFD8F00  }
0x5e: {  	_ =	sfence.sel $0x180000  }
0x5f: {  	[bflag:$0x0] =	sbarrier.arrive $0xFFFF  }
0x60: {  	_ =	strace $0x9000004A  }
0x61: {  	s0 =	sadd.s32 @!p0 $0x100000, s0;
	[bflag:$0x2] =	sbarrier.arrive $0xFFFF  }
0x62: {  	[sflag:s0] =	ssyncadd.tile.s32 @!p0 $0x1;
	_ =	shalt  }
.Lfunc_end2:
_tile_overlayer_lowered:
.L_overlay_start_2:
0x63: {  	(tag) =	ssettag $0x2  }
0x64: {  	s0 =	rddreg [dreg:$0x0];
	s2 =	stileid.u32  }
0x65: {  	s1 =	rddreg [dreg:$0x1];
	p0 =	sne.s32 s2, $0x0  }
0x66: {  	s3 =	rddreg [dreg:$0x2];
	[bflag:$0x3] =	sbarrier.arrive $0xFFFF;
	s2 =	simm.s32 @!p0 $0x1C03  }
0x67: {  	[timem:s3], [sflag:s2] =	dma.local @!p0 [hbm:s0], s1  }
0x68: {  	s0 =	simm.s32 @!p0 $0x3  }
0x69: {  	_ =	swait.ge @!p0 [sflag:s0], s1  }
0x6a: {  	s1 =	ssub.s32 @!p0 $0x0, s1;
	[sflag:s0] =	ssyncset.done @!p0 $0x0  }
0x6b: {  	[sflag:s0] =	ssyncadd.s32 @!p0 s1  }
0x6c: {  	[bflag:$0x3] =	sbarrier.arrive $0xFFFF  }
0x6d: {  	_ =	shalt  }

// kernel: kernel.7.cloned.1.call-start
scs
__scs_entry_jumppad:
0x0: {  	(pc) =	sbr.rel $0x88, $3  }
0x1: {  	(tag) =	ssettag $0x0;
	lr =	simm.s32 $0x1  }
0x2: {  	[smem:$0x3F88] =	sst lr;
	_ =	strace $0xD0000000  }
0x3: {  	_ = 	snop  }
0x4: {  	_ = 	snop  }
0x5: {  	_ = 	snop  }
0x6: {  	_ = 	snop  }
0x7: {  	_ = 	snop  }
__scs_overlays_trampoline_lowered:
0x8: {  	[smem:$0x3F97] =	sst s0  }
0x9: {  	[smem:$0x3F98] =	sst s1  }
0xa: {  	[smem:$0x3F99] =	sst s2  }
0xb: {  	[smem:$0x3F9A] =	sst s3  }
0xc: {  	[smem:$0x3F9B] =	sst s4  }
0xd: {  	[smem:$0x3F9C] =	sst s5  }
0xe: {  	[smem:$0x3F9D] =	sst s6  }
0xf: {  	[smem:$0x3F9E] =	sst s7  }
0x10: {  	[smem:$0x3F9F] =	sst s8  }
0x11: {  	[smem:$0x3FA0] =	sst s9;
	s0 =	simm.s32 @!p0 $0x0  }
0x12: {  	s1 =	sld [smem:$0x3F86];
	s0 =	simm.s32 @p0 $0x1  }
0x13: {  	[smem:$0x3FA1] =	sst s0;
	s0 =	simm.s32 @!p1 $0x0  }
0x14: {  	s2 =	sld [smem:$0x3F85];
	s0 =	simm.s32 @p1 $0x1  }
0x15: {  	[smem:$0x3FA2] =	sst s0;
	s0 =	simm.s32 @!p2 $0x0  }
0x16: {  	s3 =	sld [smem:$0x3FDB];
	s0 =	simm.s32 @p2 $0x1  }
0x17: {  	s4 =	simm.s32 $0x1BF5;
	[smem:$0x3FA4] =	sst s0  }
0x18: {  	s0 =	sld [smem:$0x3F87];
	_ =	swait.ge [sflag:s4], $0x0  }
0x19: {  	s7 =	sld [smem:$0x3F88]  }
0x1a: {  	s8 =	sadd.s32 $0xFFFFE003, lr  }
0x1b: {  	s9 =	sadd.s32 $0xFFFFFEF7, lr;
	s5 =	simm.s32 $0xFFFFFFFF;
	p2 =	slt.u32 s8, $0xFFFFF086  }
0x1c: {  	p1 =	slt.u32 s9, $0xF7A;
	s5 =	simm.s32 @!p2 $0x0  }
0x1d: {  	s5 =	simm.s32 @p1 $0x1;
	p0 =	seq.s32 s7, s2  }
0x1e: {  	s7 =	smul.u32 @!p0 $0xF7A, s2;
	p2 =	seq.s32 @!p0 s5, $0x0  }
0x1f: {  	s9 =	smul.u32 $0xF7A, s1;
	s8 =	simm.s32 @!p0 $0x1BF5;
	p2 =	por !p2, p0  }
0x20: {  	[sflag:s8] =	ssyncset.s32 @!p0 $0xFFFFF086;
	s6 =	sadd.s32 @!p0 s3, s7;
	s7 =	simm.s32 @!p0 $0x108  }
0x21: {  	s3 =	sadd.s32 s3, s9;
	s6 =	sadd.s32 @!p0 $0x88, s6;
	s7 =	simm.s32 @p2 $0x1082  }
0x22: {  	[simem:s7], [sflag:s8] =	dma.local @!p0 [hbm:s6], $0xF7A  }
0x23: {  	s9 =	sor.u32 $0xD0000000, s2;
	s6 =	simm.s32 $0x108;
	_ =	swait.ge @!p0 [sflag:s8], $0x0  }
0x24: {  	s3 =	sadd.s32 $0x88, s3;
	s6 =	simm.s32 @!p1 $0x1082;
	[sflag:s4] =	ssyncset.s32 $0xFFFFF086  }
0x25: {  	[simem:s6], [sflag:s4] =	dma.local [hbm:s3], $0xF7A  }
0x26: {  	[smem:$0x3F88] =	sst s1;
	(tag) =	ssettag s2;
	_ =	strace s9  }
0x27: {  	s1 =	sld [smem:$0x3F98]  }
0x28: {  	s2 =	sld [smem:$0x3F99]  }
0x29: {  	s4 =	sld [smem:$0x3F9B]  }
0x2a: {  	p0 =	seq.s32 s5, $0x0;
	s5 =	sld [smem:$0x3F9C]  }
0x2b: {  	s6 =	sld [smem:$0x3F9D]  }
0x2c: {  	s7 =	sld [smem:$0x3F9E]  }
0x2d: {  	s3 =	simm.s32 $0x108;
	s8 =	sld [smem:$0x3F9F]  }
0x2e: {  	s3 =	simm.s32 @!p0 $0x1082;
	s9 =	sld [smem:$0x3FA0]  }
0x2f: {  	lr =	sadd.s32 s0, s3;
	s0 =	sld [smem:$0x3F97]  }
0x30: {  	s3 =	sld [smem:$0x3F9A]  }
0x31: {  	[smem:$0x3FA3] =	sst s10  }
0x32: {  	s10 =	sld [smem:$0x3FA1];
	_ =	sdelay $0x3  }
0x33: {  	p0 =	seq.s32 s10, $0x1;
	s10 =	sld [smem:$0x3FA3];
	_ =	sdelay $0x3  }
0x34: {  	[smem:$0x3FA3] =	sst s10  }
0x35: {  	s10 =	sld [smem:$0x3FA2];
	_ =	sdelay $0x3  }
0x36: {  	p1 =	seq.s32 s10, $0x1;
	s10 =	sld [smem:$0x3FA3];
	_ =	sdelay $0x3  }
0x37: {  	[smem:$0x3FA3] =	sst s10  }
0x38: {  	s10 =	sld [smem:$0x3FA4]  }
0x39: {  	_ = 	snop;
	(pc) =	sbr.ind lr, $3  }
0x3a: {  	_ = 	snop  }
0x3b: {  	_ = 	snop  }
0x3c: {  	p2 =	seq.s32 s10, $0x1;
	s10 =	sld [smem:$0x3FA3]  }
0x3d: {  	_ =	shalt  }
0x3e: {  	_ =	shalt  }
0x3f: {  	_ =	shalt  }
0x40: {  	_ =	shalt  }
0x41: {  	_ =	shalt  }
0x42: {  	_ =	shalt  }
0x43: {  	_ =	shalt  }
0x44: {  	_ =	shalt  }
0x45: {  	_ =	shalt  }
0x46: {  	_ =	shalt  }
0x47: {  	_ =	shalt  }
0x48: {  	_ =	shalt  }
0x49: {  	_ =	shalt  }
0x4a: {  	_ =	shalt  }
0x4b: {  	_ =	shalt  }
0x4c: {  	_ =	shalt  }
0x4d: {  	_ =	shalt  }
0x4e: {  	_ =	shalt  }
0x4f: {  	_ =	shalt  }
0x50: {  	_ =	shalt  }
0x51: {  	_ =	shalt  }
0x52: {  	_ =	shalt  }
0x53: {  	_ =	shalt  }
0x54: {  	_ =	shalt  }
0x55: {  	_ =	shalt  }
0x56: {  	_ =	shalt  }
0x57: {  	_ =	shalt  }
0x58: {  	_ =	shalt  }
0x59: {  	_ =	shalt  }
0x5a: {  	_ =	shalt  }
0x5b: {  	_ =	shalt  }
0x5c: {  	_ =	shalt  }
0x5d: {  	_ =	shalt  }
0x5e: {  	_ =	shalt  }
0x5f: {  	_ =	shalt  }
0x60: {  	_ =	shalt  }
0x61: {  	_ =	shalt  }
0x62: {  	_ =	shalt  }
0x63: {  	_ =	shalt  }
0x64: {  	_ =	shalt  }
0x65: {  	_ =	shalt  }
0x66: {  	_ =	shalt  }
0x67: {  	_ =	shalt  }
0x68: {  	_ =	shalt  }
0x69: {  	_ =	shalt  }
0x6a: {  	_ =	shalt  }
0x6b: {  	_ =	shalt  }
0x6c: {  	_ =	shalt  }
0x6d: {  	_ =	shalt  }
0x6e: {  	_ =	shalt  }
0x6f: {  	_ =	shalt  }
0x70: {  	_ =	shalt  }
0x71: {  	_ =	shalt  }
0x72: {  	_ =	shalt  }
0x73: {  	_ =	shalt  }
0x74: {  	_ =	shalt  }
0x75: {  	_ =	shalt  }
0x76: {  	_ =	shalt  }
0x77: {  	_ =	shalt  }
0x78: {  	_ =	shalt  }
0x79: {  	_ =	shalt  }
0x7a: {  	_ =	shalt  }
0x7b: {  	_ =	shalt  }
0x7c: {  	_ =	shalt  }
0x7d: {  	_ =	shalt  }
0x7e: {  	_ =	shalt  }
0x7f: {  	_ =	shalt  }
0x80: {  	_ =	shalt  }
0x81: {  	_ =	shalt  }
0x82: {  	_ =	shalt  }
0x83: {  	_ =	shalt  }
0x84: {  	_ =	shalt  }
0x85: {  	_ =	shalt  }
0x86: {  	_ =	shalt  }
0x87: {  	_ =	shalt  }
.Lfunc_end0:
.L_simem_size_0:
called_computation_lowered:
.L_overlay_start_0:
0x88: {  	s2 =	sld [smem:$0x3FD9]  }
0x89: {  	s3 =	sld [smem:$0x3FFE];
	_ =	sdelay $0x1  }
0x8a: {  	s1 =	srdreg.scid  }
0x8b: {  	s0 =	sand.u32 $0x1, s1  }
0x8c: {  	s16 =	sshll.u32 s0, $0xA;
	s2 =	sadd.s32 s3, s2  }
0x8d: {  	s2 =	sadd.s32 s2, s16  }
0x8e: {  	[smem:$0x3FAF] =	sst s2  }
0x8f: {  	_ = 	snop  }
0x90: {  	(tm) =	ssettm $0x1  }
0x91: {  	s17 =	sld [smem:$0x3FFB];
	_ =	sdelay $0x3  }
0x92: {  	_ =	strace s17  }
0x93: {  	s2 =	sld [smem:$0x3FFC];
	_ =	sdelay $0x3  }
0x94: {  	_ =	strace s2  }
0x95: {  	s2 =	sld [smem:$0x3FFD];
	_ =	sdelay $0x3  }
0x96: {  	_ =	strace s2  }
0x97: {  	_ =	strace $0x8FFFFFFF  }
0x98: {  	s18 =	sld [smem:$0x3FDB];
	_ =	sdelay $0x1  }
0x99: {  	s19 =	simm.s32 $_scs_section_size  }
0x9a: {  	s4 =	simm.s32 $_size__tile_overlayer_lowered;
	s5 =	simm.s32 $_tile_overlayer_lowered  }
0x9b: {  	s22 =	simm.s32 $0x1BFF;
	s21 =	sshll.u32 s5, $0x1;
	s2 =	sadd.s32 s19, s18  }
0x9c: {  	s6 =	simm.s32 $0x0;
	s20 =	sshll.u32 s4, $0x1;
	s4 =	sadd.s32 s21, s2  }
0x9d: {  	[timem:s6], [sflag:s22] =	dma.local [hbm:s4], s20  }
0x9e: {  	_ =	swait.ge [sflag:s22], s20  }
0x9f: {  	s3 =	ssub.s32 $0x0, s20;
	[sflag:s22] =	ssyncset.done $0x0  }
0xa0: {  	[sflag:s22] =	ssyncadd.s32 s3;
	_ =	sdelay $0x1  }
0xa1: {  	s23 =	simm.s32 $0x1B8B  }
0xa2: {  	_ =	swait.ge [sflag:s23], $0x1  }
0xa3: {  	[sflag:s23] =	ssyncset.done $0x0  }
0xa4: {  	s25 =	simm.s32 $0x1B8E;
	s24 =	sld [smem:$0x3FFE];
	[sflag:s23] =	ssyncadd.s32 $0xFFFFFFFF  }
0xa5: {  	s26 =	simm.s32 $execute0_lowered;
	[smem:$0x3FD2] =	sst s25  }
0xa6: {  	s4 =	sshll.u32 s26, $0x1;
	_ =	strace $0x80000046;
	[dreg:$0x1] =	wrdreg $0xFFFFFFFF  }
0xa7: {  	s28 =	simm.s32 $_size_execute0_lowered;
	s2 =	sadd.s32 s2, s4;
	[dreg:$0x0] =	wrdreg $0x0  }
0xa8: {  	s4 =	sshll.u32 s28, $0x1;
	[dreg:$0x2] =	wrdreg s2  }
0xa9: {  	[dreg:$0x3] =	wrdreg s4  }
0xaa: {  	[dreg:$0x4] =	wrdreg $0xC0  }
0xab: {  	_ =	task [dreg:s6], $0x5FFFF  }
0xac: {  	[dreg:$0x1] =	wrdreg $0xFFFFFFFF  }
0xad: {  	[dreg:$0x0] =	wrdreg $0x60  }
0xae: {  	[dreg:$0x2] =	wrdreg s24  }
0xaf: {  	[dreg:$0x3] =	wrdreg $0x9  }
0xb0: {  	_ =	task.clear_ibuf [dreg:s6], $0x4FFFF;
	_ =	strace $0x90000046  }
0xb1: {  	s29 =	simm.s32 $0x9;
	_ =	strace $0x80000048  }
0xb2: {  	_ =	swait.ge [sflag:s29], $0x1  }
0xb3: {  	[sflag:s29] =	ssyncadd.s32 $0xFFFFFFFF  }
0xb4: {  	_ =	strace $0x90000048  }
0xb5: {  	_ =	sfence  }
0xb6: {  	s30 =	sld [smem:$0x0];
	_ =	sdelay $0x2  }
0xb7: {  	s31 =	sshll.u32 s1, $0xD;
	s1 =	sshrl.u32 s1, $0x2  }
0xb8: {  	s3 =	sand.u32 $0x4000, s31;
	s1 =	sadd.s32 s1, s30  }
0xb9: {  	s0 =	sor.u32 s3, s0;
	s1 =	sshll.u32 s1, $0x11  }
0xba: {  	s0 =	sor.u32 s1, s0  }
0xbb: {  	s0 =	sadd.s32 $0x8F2B, s0  }
0xbc: {  	[sflag:s0] =	ssyncadd.remote.s32 $0x1  }
0xbd: {  	_ =	sfence.sel $0xFFFF  }
0xbe: {  	[dreg:$0x0] =	wrdreg $0xFFFFFFFF;
	(pc) =	sbr.abs _section_cstart, $3  }
0xbf: {  	[dreg:$0x1] =	wrdreg $0xFFFFFFFF  }
0xc0: {  	_ =	task.clear_ibuf [dreg:s6], $0x2FFFF;
	_ =	strace $0x9FFFFFFF  }
0xc1: {  	(tm) =	ssettm $0x7FFFFFFF  }
tec
execute0_lowered:
.L_overlay_start_1:
0x0: {  	(tag) =	ssettag $0x1  }
0x1: {  	s0 =	rddreg [dreg:$0x0];
	s2 =	simm.s32 $0x0  }
0x2: {  	s1 =	srdreg.scid;
	s13 =	stileid.u32;
	s31 =	simm.s32 $0x12200  }
0x3: {  	s29 =	simm.s32 $0x18200;
	[smem:$0x7FF] =	sst s2;
	s1 =	sand.u32 $0x1, s1  }
0x4: {  	s4 =	sshll.u32 s13, $0x1;
	s3 =	sadd.s32 $0xADE00, s0;
	s14 =	sadd.s32 $0x5AC00, s0  }
0x5: {  	s15 =	sadd.s32 $0x55C00, s0;
	s6 =	sadd.s32 $0x123200, s0;
	s17 =	smul.u32 $0x2710, s13  }
0x6: {  	s8 =	sadd.s32 $0x876200, s0;
	s22 =	smul.u32 $0x4E200, s13;
	s13 =	simm.s32 $0x1CA00  }
0x7: {  	_ =	strace $0x80000047;
	s5 =	sor.u32 s1, s4;
	s18 =	smul.u32 $0x1388, s1  }
0x8: {  	s4 =	sadd.s32 $0x5FC00, s0;
	s7 =	ssub.s32 $0x2, s1;
	s1 =	smul.u32 $0x27100, s1  }
0x9: {  	[dreg:$0x3] =	wrdreg s15;
	s5 =	smul.u32 $0x1388, s5;
	s9 =	sshrl.u32 s7, $0x1  }
0xa: {  	[dreg:$0x2] =	wrdreg s14;
	s7 =	ssub.s32 s7, s9;
	s9 =	sadd.s32 $0xADF00, s0  }
0xb: {  	s10 =	sadd.s32 $0x1380, s5;
	s5 =	sshrl.u32 s5, $0x3;
	s21 =	smax.u32 s7, $0x1  }
0xc: {  	s11 =	sshrl.u32 s10, $0x3;
	s28 =	sadd.s32 s14, s5;
	[dreg:$0xc] =	wrdreg s21  }
0xd: {  	s30 =	sadd.s32 s15, s5;
	s5 =	sadd.s32 $0xC, s5;
	[dreg:$0x4] =	wrdreg s28  }
0xe: {  	s10 =	sshll.u32 s10, $0x5;
	[dreg:$0x5] =	wrdreg s30;
	s16 =	sadd.s32 s14, s5  }
0xf: {  	s21 =	simm.s32 $0x9200;
	s0 =	sadd.s32 s15, s5;
	[dreg:$0x6] =	wrdreg s16  }
0x10: {  	s12 =	smul.u32 $0x180, s11;
	s19 =	sadd.s32 s14, s11;
	[dreg:$0x7] =	wrdreg s0  }
0x11: {  	s11 =	sadd.s32 s15, s11;
	s10 =	sadd.s32 s8, s10;
	[dreg:$0x8] =	wrdreg s19  }
0x12: {  	s5 =	sadd.s32 s22, s8;
	s8 =	simm.s32 $0x1AA00;
	[dreg:$0x9] =	wrdreg s11  }
0x13: {  	[dreg:$0xb] =	wrdreg s10;
	s0 =	sadd.s32 s18, s17;
	s1 =	sadd.s32 s1, s5  }
0x14: {  	s19 =	simm.s32 $0xA00;
	s11 =	simm.s32 $0x1BA00;
	s16 =	simm.s32 $0x1  }
0x15: {  	s5 =	simm.s32 $0x4;
	s20 =	sadd.s32 s6, s12;
	s23 =	sadd.s32 $0x60, s0  }
0x16: {  	s24 =	sadd.s32 $0x120, s0;
	s25 =	sshrl.u32 s0, $0x3;
	s1 =	sadd.s32 $0xC00, s1  }
0x17: {  	s0 =	sadd.s32 $0xC0, s0;
	s12 =	simm.s32 $0x1C200;
	[dreg:$0xa] =	wrdreg s20  }
0x18: {  	s7 =	sshrl.u32 s23, $0x3;
	s10 =	sshrl.u32 s24, $0x3;
	[dreg:$0xd] =	wrdreg s1  }
0x19: {  	s26 =	smul.u32 $0x180, s25;
	[dreg:$0xf] =	wrdreg s0;
	s23 =	simm.s32 $0x5  }
0x1a: {  	s25 =	simm.s32 $0x200;
	s1 =	simm.s32 $0x19A00;
	s7 =	smul.u32 $0x180, s7  }
.Ltmp0:
0x1b: {  	s24 =	simm.s32 $0x3;
	s20 =	simm.s32 $0x0;
	(pc) =	sbr.rel .LBB2_1-.Ltmp0, $4  }
0x1c: {  	s17 =	sadd.s32 s10, s15;
	s18 =	sadd.s32 s10, s14;
	s10 =	simm.s32 $0x1B200  }
0x1d: {  	v2 =	vlaneseq.u32;
	s14 =	simm.s32 $0x1D200;
	s15 =	simm.s32 $0x1DA00;
	s30 =	sadd.s32 s26, s6  }
0x1e: {  	vm0 =	vmmov $0xffff;
	vm1 =	vmmov $0xff;
	v1 =	vshrl.u32 v2, $0x3;
	s26 =	simm.s32 $0x2;
	s28 =	sadd.s32 s7, s6;
	[dreg:$0x10] =	wrdreg s30  }
0x1f: {  	v0 =	vand.u32 $0x7, v2;
	v2 =	vor.u32 $0x8, v2;
	v1 =	vmul.u32 $0x8, v1;
	s6 =	simm.s32 $0x100;
	s7 =	simm.s32 $0x1A200;
	[dreg:$0xe] =	wrdreg s28  }
.LBB2_6:
0x20: {  	s0 =	rddreg [dreg:$0x8]  }
0x21: {  	[tilespmem:s2], [sflag:$0x5] =	stream.linear.gather [hbm4b:s0+s2], $0x8, $0x38;
	[tilespmem:$0x1E200] =	vst v63  }
0x22: {  	_ =	swait.ge [sflag:s23], $0x8  }
0x23: {  	[sflag:s23] =	ssyncset.done $0x0  }
0x24: {  	s6 =	simm.s32 $0x100;
	s20 =	rddreg [dreg:$0x9];
	[sflag:s23] =	ssyncadd.s32 $0xFFFFFFF8  }
0x25: {  	[tilespmem:s6], [sflag:$0x5] =	stream.linear.gather [hbm4b:s20+s2], $0x8, $0x38;
	[tilespmem:$0x1E200] =	vst v63  }
0x26: {  	_ =	swait.ge [sflag:s23], $0x8  }
0x27: {  	[sflag:s23] =	ssyncset.done $0x0  }
0x28: {  	[sflag:s23] =	ssyncadd.s32 $0xFFFFFFF8  }
0x29: {  	v3 =	vld.msk [tilespmem:$0x0], $0xff;
	_ =	sdelay $0x4  }
0x2a: {  	v4 =	vshrl.u32 v3, $0x3  }
0x2b: {  	v4 =	vmul.u32 $0x18, v4  }
0x2c: {  	v3 =	vand.u32 $0x7, v3  }
0x2d: {  	v3 =	vor.u32 v3, v4  }
0x2e: {  	v3 =	vperm.xlane v3, v0;
	_ =	sdelay $0x1  }
0x2f: {  	v3 =	vadd.s32 v1, v3;
	_ =	sdelay $0x4  }
0x30: {  	[tilespmem:s25], [sflag:$0x1] =	stream.indirect_vreg.gather [hbm4b:s3+s2], $0x80, v3, vm0, $0xb8;
	[tilespmem:$0x1E200] =	vst v63  }
0x31: {  	s19 =	simm.s32 $0xA00  }
0x32: {  	[tilespmem:s19], [sflag:$0x1] =	stream.indirect_vreg.gather [hbm4b:s9+s2], $0x80, v3, vm1, $0xb8;
	[tilespmem:$0x1E200] =	vst v63  }
0x33: {  	_ =	swait.ge [sflag:s16], $0xC00  }
0x34: {  	[sflag:s16] =	ssyncset.done $0x0  }
0x35: {  	[sflag:s16] =	ssyncadd.s32 $0xFFFFF400  }
0x36: {  	v3 =	vld.msk [tilespmem:$0x100], $0xff;
	_ =	sdelay $0x4  }
0x37: {  	v63 =	vshll.u32 v3, $0x1  }
0x38: {  	v3 =	vand.u32 $0x7, v3;
	v4 =	vand.u32 $0xFFFFFFF0, v63  }
0x39: {  	v3 =	vor.u32 v3, v4  }
0x3a: {  	v3 =	vperm.xlane v3, v0;
	_ =	sdelay $0x1  }
0x3b: {  	v3 =	vadd.s32 v1, v3;
	_ =	sdelay $0x4  }
0x3c: {  	[tilespmem:s31], [sflag:$0x3] =	stream.indirect_vreg.gather [hbm4b:s4+s2], $0x80, v3, vm0, $0xb8;
	[tilespmem:$0x1E200] =	vst v63  }
0x3d: {  	_ =	swait.ge [sflag:s24], $0x800  }
0x3e: {  	[sflag:s24] =	ssyncset.done $0x0  }
0x3f: {  	s22 =	rddreg [dreg:$0xa];
	[sflag:s24] =	ssyncadd.s32 $0xFFFFF800  }
0x40: {  	[hbm4b:s22+s2] =	stream.linear.scatter [tilespmem:s25], [sflag:$0x5], $0xC00, $0x38;
	[tilespmem:$0x1E200] =	vst v63  }
0x41: {  	_ =	swait.ge [sflag:s23], $0xC00  }
0x42: {  	[sflag:s23] =	ssyncset.done $0x0  }
0x43: {  	s28 =	rddreg [dreg:$0xb];
	[sflag:s23] =	ssyncadd.s32 $0xFFFFF400  }
0x44: {  	[hbm4b:s28+s2] =	stream.linear.scatter [tilespmem:s31], [sflag:$0x5], $0x800, $0x38;
	[tilespmem:$0x1E200] =	vst v63  }
0x45: {  	_ =	swait.ge [sflag:s23], $0x800  }
0x46: {  	s20 =	rddreg [dreg:$0x11]  }
0x47: {  	s30 =	rddreg [dreg:$0xc];
	s20 =	sadd.s32 $0x1, s20  }
0x48: {  	p0 =	sne.s32 s20, s30  }
.Ltmp1:
0x49: {  	_ = 	snop;
	(pc) =	sbr.rel @!p0 .LBB2_7-.Ltmp1, $3  }
0x4a: {  	_ =	sdelay $0x1  }
0x4b: {  	[sflag:s23] =	ssyncset.done $0x0  }
0x4c: {  	[sflag:s23] =	ssyncadd.s32 $0xFFFFF800  }
.LBB2_1:
0x4d: {  	[dreg:$0x11] =	wrdreg s20  }
0x4e: {  	s0 =	rddreg [dreg:$0x4]  }
0x4f: {  	[tilespmem:s2], [sflag:$0x5] =	stream.linear.gather [hbm4b:s0+s2], $0x60, $0x38;
	[tilespmem:$0x1E200] =	vst v63  }
0x50: {  	_ =	swait.ge [sflag:s23], $0x60  }
0x51: {  	[sflag:s23] =	ssyncset.done $0x0  }
0x52: {  	s20 =	rddreg [dreg:$0x5];
	[sflag:s23] =	ssyncadd.s32 $0xFFFFFFA0  }
0x53: {  	[tilespmem:s6], [sflag:$0x5] =	stream.linear.gather [hbm4b:s20+s2], $0x60, $0x38;
	[tilespmem:$0x1E200] =	vst v63  }
0x54: {  	_ =	swait.ge [sflag:s23], $0x60  }
0x55: {  	[sflag:s23] =	ssyncset.done $0x0  }
0x56: {  	[sflag:s23] =	ssyncadd.s32 $0xFFFFFFA0  }
0x57: {  	v3 =	vld [tilespmem:$0x0];
	_ =	sdelay $0x4  }
0x58: {  	v4 =	vshrl.u32 v3, $0x3  }
0x59: {  	v4 =	vmul.u32 $0x18, v4  }
0x5a: {  	v3 =	vand.u32 $0x7, v3  }
0x5b: {  	v3 =	vor.u32 v3, v4  }
0x5c: {  	v4 =	vperm.xlane v3, v0;
	_ =	sdelay $0x1  }
0x5d: {  	v4 =	vadd.s32 v1, v4;
	_ =	sdelay $0x1  }
0x5e: {  	v3 =	vperm.xlane v3, v2;
	_ =	sdelay $0x1  }
0x5f: {  	v3 =	vadd.s32 v1, v3  }
0x60: {  	[tilespmem:s25], [sflag:$0x1] =	stream.indirect_vreg.gather [hbm4b:s3+s2], $0x80, v4, vm0, $0xb8;
	[tilespmem:$0x1E200] =	vst v63  }
0x61: {  	_ = 	snop  }
0x62: {  	[tilespmem:s19], [sflag:$0x1] =	stream.indirect_vreg.gather [hbm4b:s9+s2], $0x80, v4, vm1, $0xb8;
	[tilespmem:$0x1E200] =	vst v63  }
0x63: {  	s22 =	simm.s32 $0xE00  }
0x64: {  	[tilespmem:s22], [sflag:$0x1] =	stream.indirect_vreg.gather [hbm4b:s3+s2], $0x80, v3, vm0, $0xb8;
	[tilespmem:$0x1E200] =	vst v63  }
0x65: {  	s30 =	simm.s32 $0x1600  }
0x66: {  	[tilespmem:s30], [sflag:$0x1] =	stream.indirect_vreg.gather [hbm4b:s9+s2], $0x80, v3, vm1, $0xb8;
	[tilespmem:$0x1E200] =	vst v63  }
0x67: {  	v3 =	vld [tilespmem:$0x10];
	_ =	sdelay $0x4  }
0x68: {  	v41 =	vshrl.u32 v3, $0x3  }
0x69: {  	v4 =	vmul.u32 $0x18, v41  }
0x6a: {  	v3 =	vand.u32 $0x7, v3  }
0x6b: {  	v3 =	vor.u32 v3, v4  }
0x6c: {  	v4 =	vperm.xlane v3, v0;
	_ =	sdelay $0x1  }
0x6d: {  	v4 =	vadd.s32 v1, v4;
	_ =	sdelay $0x1  }
0x6e: {  	v3 =	vperm.xlane v3, v2;
	_ =	sdelay $0x1  }
0x6f: {  	s6 =	simm.s32 $0x1A00;
	v3 =	vadd.s32 v1, v3  }
0x70: {  	[tilespmem:s6], [sflag:$0x1] =	stream.indirect_vreg.gather [hbm4b:s3+s2], $0x80, v4, vm0, $0xb8;
	[tilespmem:$0x1E200] =	vst v63  }
0x71: {  	s19 =	simm.s32 $0x2200  }
0x72: {  	[tilespmem:s19], [sflag:$0x1] =	stream.indirect_vreg.gather [hbm4b:s9+s2], $0x80, v4, vm1, $0xb8;
	[tilespmem:$0x1E200] =	vst v63  }
0x73: {  	s20 =	simm.s32 $0x2600  }
0x74: {  	[tilespmem:s20], [sflag:$0x1] =	stream.indirect_vreg.gather [hbm4b:s3+s2], $0x80, v3, vm0, $0xb8;
	[tilespmem:$0x1E200] =	vst v63  }
0x75: {  	s22 =	simm.s32 $0x2E00  }
0x76: {  	[tilespmem:s22], [sflag:$0x1] =	stream.indirect_vreg.gather [hbm4b:s9+s2], $0x80, v3, vm1, $0xb8;
	[tilespmem:$0x1E200] =	vst v63  }
0x77: {  	v3 =	vld [tilespmem:$0x20];
	_ =	sdelay $0x4  }
0x78: {  	v42 =	vshrl.u32 v3, $0x3  }
0x79: {  	v4 =	vmul.u32 $0x18, v42  }
0x7a: {  	v3 =	vand.u32 $0x7, v3  }
0x7b: {  	v3 =	vor.u32 v3, v4  }
0x7c: {  	v4 =	vperm.xlane v3, v0;
	_ =	sdelay $0x1  }
0x7d: {  	v4 =	vadd.s32 v1, v4;
	_ =	sdelay $0x1  }
0x7e: {  	v3 =	vperm.xlane v3, v2;
	_ =	sdelay $0x1  }
0x7f: {  	s30 =	simm.s32 $0x3200;
	v3 =	vadd.s32 v1, v3  }
0x80: {  	[tilespmem:s30], [sflag:$0x1] =	stream.indirect_vreg.gather [hbm4b:s3+s2], $0x80, v4, vm0, $0xb8;
	[tilespmem:$0x1E200] =	vst v63  }
0x81: {  	s6 =	simm.s32 $0x3A00  }
0x82: {  	[tilespmem:s6], [sflag:$0x1] =	stream.indirect_vreg.gather [hbm4b:s9+s2], $0x80, v4, vm1, $0xb8;
	[tilespmem:$0x1E200] =	vst v63  }
0x83: {  	s19 =	simm.s32 $0x3E00  }
0x84: {  	[tilespmem:s19], [sflag:$0x1] =	stream.indirect_vreg.gather [hbm4b:s3+s2], $0x80, v3, vm0, $0xb8;
	[tilespmem:$0x1E200] =	vst v63  }
0x85: {  	s20 =	simm.s32 $0x4600  }
0x86: {  	[tilespmem:s20], [sflag:$0x1] =	stream.indirect_vreg.gather [hbm4b:s9+s2], $0x80, v3, vm1, $0xb8;
	[tilespmem:$0x1E200] =	vst v63  }
0x87: {  	v3 =	vld [tilespmem:$0x30];
	_ =	sdelay $0x4  }
0x88: {  	v43 =	vshrl.u32 v3, $0x3  }
0x89: {  	v4 =	vmul.u32 $0x18, v43  }
0x8a: {  	v3 =	vand.u32 $0x7, v3  }
0x8b: {  	v3 =	vor.u32 v3, v4  }
0x8c: {  	v4 =	vperm.xlane v3, v0;
	_ =	sdelay $0x1  }
0x8d: {  	v4 =	vadd.s32 v1, v4;
	_ =	sdelay $0x1  }
0x8e: {  	v3 =	vperm.xlane v3, v2;
	_ =	sdelay $0x1  }
0x8f: {  	s22 =	simm.s32 $0x4A00;
	v3 =	vadd.s32 v1, v3  }
0x90: {  	[tilespmem:s22], [sflag:$0x1] =	stream.indirect_vreg.gather [hbm4b:s3+s2], $0x80, v4, vm0, $0xb8;
	[tilespmem:$0x1E200] =	vst v63  }
0x91: {  	s30 =	simm.s32 $0x5200  }
0x92: {  	[tilespmem:s30], [sflag:$0x1] =	stream.indirect_vreg.gather [hbm4b:s9+s2], $0x80, v4, vm1, $0xb8;
	[tilespmem:$0x1E200] =	vst v63  }
0x93: {  	s6 =	simm.s32 $0x5600  }
0x94: {  	[tilespmem:s6], [sflag:$0x1] =	stream.indirect_vreg.gather [hbm4b:s3+s2], $0x80, v3, vm0, $0xb8;
	[tilespmem:$0x1E200] =	vst v63  }
0x95: {  	s19 =	simm.s32 $0x5E00  }
0x96: {  	[tilespmem:s19], [sflag:$0x1] =	stream.indirect_vreg.gather [hbm4b:s9+s2], $0x80, v3, vm1, $0xb8;
	[tilespmem:$0x1E200] =	vst v63  }
0x97: {  	v3 =	vld [tilespmem:$0x40];
	_ =	sdelay $0x4  }
0x98: {  	v44 =	vshrl.u32 v3, $0x3  }
0x99: {  	v4 =	vmul.u32 $0x18, v44  }
0x9a: {  	v3 =	vand.u32 $0x7, v3  }
0x9b: {  	v3 =	vor.u32 v3, v4  }
0x9c: {  	v4 =	vperm.xlane v3, v0;
	_ =	sdelay $0x1  }
0x9d: {  	v4 =	vadd.s32 v1, v4;
	_ =	sdelay $0x1  }
0x9e: {  	v3 =	vperm.xlane v3, v2;
	_ =	sdelay $0x1  }
0x9f: {  	s20 =	simm.s32 $0x6200;
	v3 =	vadd.s32 v1, v3  }
0xa0: {  	[tilespmem:s20], [sflag:$0x1] =	stream.indirect_vreg.gather [hbm4b:s3+s2], $0x80, v4, vm0, $0xb8;
	[tilespmem:$0x1E200] =	vst v63  }
0xa1: {  	s22 =	simm.s32 $0x6A00  }
0xa2: {  	[tilespmem:s22], [sflag:$0x1] =	stream.indirect_vreg.gather [hbm4b:s9+s2], $0x80, v4, vm1, $0xb8;
	[tilespmem:$0x1E200] =	vst v63  }
0xa3: {  	s30 =	simm.s32 $0x6E00  }
0xa4: {  	[tilespmem:s30], [sflag:$0x1] =	stream.indirect_vreg.gather [hbm4b:s3+s2], $0x80, v3, vm0, $0xb8;
	[tilespmem:$0x1E200] =	vst v63  }
0xa5: {  	s6 =	simm.s32 $0x7600  }
0xa6: {  	[tilespmem:s6], [sflag:$0x1] =	stream.indirect_vreg.gather [hbm4b:s9+s2], $0x80, v3, vm1, $0xb8;
	[tilespmem:$0x1E200] =	vst v63  }
0xa7: {  	v3 =	vld [tilespmem:$0x50];
	_ =	sdelay $0x4  }
0xa8: {  	v45 =	vshrl.u32 v3, $0x3  }
0xa9: {  	v4 =	vmul.u32 $0x18, v45  }
0xaa: {  	v3 =	vand.u32 $0x7, v3  }
0xab: {  	v3 =	vor.u32 v3, v4  }
0xac: {  	v4 =	vperm.xlane v3, v0;
	_ =	sdelay $0x1  }
0xad: {  	v4 =	vadd.s32 v1, v4;
	_ =	sdelay $0x1  }
0xae: {  	v3 =	vperm.xlane v3, v2;
	_ =	sdelay $0x1  }
0xaf: {  	s19 =	simm.s32 $0x7A00;
	v3 =	vadd.s32 v1, v3  }
0xb0: {  	[tilespmem:s19], [sflag:$0x1] =	stream.indirect_vreg.gather [hbm4b:s3+s2], $0x80, v4, vm0, $0xb8;
	[tilespmem:$0x1E200] =	vst v63  }
0xb1: {  	s20 =	simm.s32 $0x8200  }
0xb2: {  	[tilespmem:s20], [sflag:$0x1] =	stream.indirect_vreg.gather [hbm4b:s9+s2], $0x80, v4, vm1, $0xb8;
	[tilespmem:$0x1E200] =	vst v63  }
0xb3: {  	s22 =	simm.s32 $0x8600  }
0xb4: {  	[tilespmem:s22], [sflag:$0x1] =	stream.indirect_vreg.gather [hbm4b:s3+s2], $0x80, v3, vm0, $0xb8;
	[tilespmem:$0x1E200] =	vst v63  }
0xb5: {  	s30 =	simm.s32 $0x8E00  }
0xb6: {  	[tilespmem:s30], [sflag:$0x1] =	stream.indirect_vreg.gather [hbm4b:s9+s2], $0x80, v3, vm1, $0xb8;
	[tilespmem:$0x1E200] =	vst v63  }
0xb7: {  	v3 =	vld [tilespmem:$0x100];
	_ =	sdelay $0x4  }
0xb8: {  	v46 =	vshll.u32 v3, $0x1  }
0xb9: {  	v3 =	vand.u32 $0x7, v3;
	v4 =	vand.u32 $0xFFFFFFF0, v46  }
0xba: {  	v3 =	vor.u32 v3, v4  }
0xbb: {  	v4 =	vperm.xlane v3, v0;
	_ =	sdelay $0x1  }
0xbc: {  	v3 =	vperm.xlane v3, v2;
	v4 =	vadd.s32 v1, v4;
	_ =	sdelay $0x1  }
0xbd: {  	v3 =	vadd.s32 v1, v3;
	_ =	sdelay $0x2  }
0xbe: {  	[tilespmem:s31], [sflag:$0x3] =	stream.indirect_vreg.gather [hbm4b:s4+s2], $0x80, v4, vm0, $0xb8;
	[tilespmem:$0x1E200] =	vst v63  }
0xbf: {  	s6 =	simm.s32 $0x12A00  }
0xc0: {  	[tilespmem:s6], [sflag:$0x3] =	stream.indirect_vreg.gather [hbm4b:s4+s2], $0x80, v3, vm0, $0xb8;
	[tilespmem:$0x1E200] =	vst v63  }
0xc1: {  	v3 =	vld [tilespmem:$0x110];
	_ =	sdelay $0x4  }
0xc2: {  	v47 =	vshll.u32 v3, $0x1  }
0xc3: {  	v3 =	vand.u32 $0x7, v3;
	v4 =	vand.u32 $0xFFFFFFF0, v47  }
0xc4: {  	v3 =	vor.u32 v3, v4  }
0xc5: {  	v4 =	vperm.xlane v3, v0;
	_ =	sdelay $0x1  }
0xc6: {  	v3 =	vperm.xlane v3, v2;
	v4 =	vadd.s32 v1, v4;
	_ =	sdelay $0x1  }
0xc7: {  	v3 =	vadd.s32 v1, v3;
	_ =	sdelay $0x1  }
0xc8: {  	s19 =	simm.s32 $0x13200  }
0xc9: {  	[tilespmem:s19], [sflag:$0x3] =	stream.indirect_vreg.gather [hbm4b:s4+s2], $0x80, v4, vm0, $0xb8;
	[tilespmem:$0x1E200] =	vst v63  }
0xca: {  	s20 =	simm.s32 $0x13A00  }
0xcb: {  	[tilespmem:s20], [sflag:$0x3] =	stream.indirect_vreg.gather [hbm4b:s4+s2], $0x80, v3, vm0, $0xb8;
	[tilespmem:$0x1E200] =	vst v63  }
0xcc: {  	v3 =	vld [tilespmem:$0x120];
	_ =	sdelay $0x4  }
0xcd: {  	v48 =	vshll.u32 v3, $0x1  }
0xce: {  	v3 =	vand.u32 $0x7, v3;
	v4 =	vand.u32 $0xFFFFFFF0, v48  }
0xcf: {  	v3 =	vor.u32 v3, v4  }
0xd0: {  	v4 =	vperm.xlane v3, v0;
	_ =	sdelay $0x1  }
0xd1: {  	v3 =	vperm.xlane v3, v2;
	v4 =	vadd.s32 v1, v4;
	_ =	sdelay $0x1  }
0xd2: {  	v3 =	vadd.s32 v1, v3;
	_ =	sdelay $0x1  }
0xd3: {  	s22 =	simm.s32 $0x14200  }
0xd4: {  	[tilespmem:s22], [sflag:$0x3] =	stream.indirect_vreg.gather [hbm4b:s4+s2], $0x80, v4, vm0, $0xb8;
	[tilespmem:$0x1E200] =	vst v63  }
0xd5: {  	s30 =	simm.s32 $0x14A00  }
0xd6: {  	[tilespmem:s30], [sflag:$0x3] =	stream.indirect_vreg.gather [hbm4b:s4+s2], $0x80, v3, vm0, $0xb8;
	[tilespmem:$0x1E200] =	vst v63  }
0xd7: {  	v3 =	vld [tilespmem:$0x130];
	_ =	sdelay $0x4  }
0xd8: {  	v49 =	vshll.u32 v3, $0x1  }
0xd9: {  	v3 =	vand.u32 $0x7, v3;
	v4 =	vand.u32 $0xFFFFFFF0, v49  }
0xda: {  	v3 =	vor.u32 v3, v4  }
0xdb: {  	v4 =	vperm.xlane v3, v0;
	_ =	sdelay $0x1  }
0xdc: {  	v3 =	vperm.xlane v3, v2;
	v4 =	vadd.s32 v1, v4;
	_ =	sdelay $0x1  }
0xdd: {  	v3 =	vadd.s32 v1, v3;
	_ =	sdelay $0x1  }
0xde: {  	s6 =	simm.s32 $0x15200  }
0xdf: {  	[tilespmem:s6], [sflag:$0x3] =	stream.indirect_vreg.gather [hbm4b:s4+s2], $0x80, v4, vm0, $0xb8;
	[tilespmem:$0x1E200] =	vst v63  }
0xe0: {  	s19 =	simm.s32 $0x15A00  }
0xe1: {  	[tilespmem:s19], [sflag:$0x3] =	stream.indirect_vreg.gather [hbm4b:s4+s2], $0x80, v3, vm0, $0xb8;
	[tilespmem:$0x1E200] =	vst v63  }
0xe2: {  	v3 =	vld [tilespmem:$0x140];
	_ =	sdelay $0x4  }
0xe3: {  	v50 =	vshll.u32 v3, $0x1  }
0xe4: {  	v3 =	vand.u32 $0x7, v3;
	v4 =	vand.u32 $0xFFFFFFF0, v50  }
0xe5: {  	v3 =	vor.u32 v3, v4  }
0xe6: {  	v4 =	vperm.xlane v3, v0;
	_ =	sdelay $0x1  }
0xe7: {  	v3 =	vperm.xlane v3, v2;
	v4 =	vadd.s32 v1, v4;
	_ =	sdelay $0x1  }
0xe8: {  	v3 =	vadd.s32 v1, v3;
	_ =	sdelay $0x1  }
0xe9: {  	s20 =	simm.s32 $0x16200  }
0xea: {  	[tilespmem:s20], [sflag:$0x3] =	stream.indirect_vreg.gather [hbm4b:s4+s2], $0x80, v4, vm0, $0xb8;
	[tilespmem:$0x1E200] =	vst v63  }
0xeb: {  	s22 =	simm.s32 $0x16A00  }
0xec: {  	[tilespmem:s22], [sflag:$0x3] =	stream.indirect_vreg.gather [hbm4b:s4+s2], $0x80, v3, vm0, $0xb8;
	[tilespmem:$0x1E200] =	vst v63  }
0xed: {  	v3 =	vld [tilespmem:$0x150];
	_ =	sdelay $0x4  }
0xee: {  	v51 =	vshll.u32 v3, $0x1  }
0xef: {  	v3 =	vand.u32 $0x7, v3;
	v4 =	vand.u32 $0xFFFFFFF0, v51  }
0xf0: {  	v3 =	vor.u32 v3, v4  }
0xf1: {  	v4 =	vperm.xlane v3, v0;
	_ =	sdelay $0x1  }
0xf2: {  	v3 =	vperm.xlane v3, v2;
	v4 =	vadd.s32 v1, v4;
	_ =	sdelay $0x1  }
0xf3: {  	v3 =	vadd.s32 v1, v3;
	_ =	sdelay $0x1  }
0xf4: {  	s30 =	simm.s32 $0x17200  }
0xf5: {  	[tilespmem:s30], [sflag:$0x3] =	stream.indirect_vreg.gather [hbm4b:s4+s2], $0x80, v4, vm0, $0xb8;
	[tilespmem:$0x1E200] =	vst v63  }
0xf6: {  	s6 =	simm.s32 $0x17A00  }
0xf7: {  	[tilespmem:s6], [sflag:$0x3] =	stream.indirect_vreg.gather [hbm4b:s4+s2], $0x80, v3, vm0, $0xb8;
	[tilespmem:$0x1E200] =	vst v63  }
0xf8: {  	s19 =	rddreg [dreg:$0x6];
	s20 =	simm.s32 $0x80  }
0xf9: {  	[tilespmem:s20], [sflag:$0x5] =	stream.linear.gather [hbm4b:s19+s2], $0x60, $0x38;
	[tilespmem:$0x1E200] =	vst v63  }
0xfa: {  	_ =	swait.ge [sflag:s23], $0x60  }
0xfb: {  	[sflag:s23] =	ssyncset.done $0x0  }
0xfc: {  	s30 =	simm.s32 $0x180;
	s22 =	rddreg [dreg:$0x7];
	[sflag:s23] =	ssyncadd.s32 $0xFFFFFFA0  }
0xfd: {  	[tilespmem:s30], [sflag:$0x5] =	stream.linear.gather [hbm4b:s22+s2], $0x60, $0x38;
	[tilespmem:$0x1E200] =	vst v63  }
0xfe: {  	_ =	swait.ge [sflag:s23], $0x60  }
0xff: {  	[sflag:s23] =	ssyncset.done $0x0  }
0x100: {  	[sflag:s23] =	ssyncadd.s32 $0xFFFFFFA0  }
0x101: {  	v3 =	vld [tilespmem:$0x80];
	_ =	sdelay $0x4  }
0x102: {  	v52 =	vshrl.u32 v3, $0x3  }
0x103: {  	v4 =	vmul.u32 $0x18, v52  }
0x104: {  	v3 =	vand.u32 $0x7, v3  }
0x105: {  	v3 =	vor.u32 v3, v4  }
0x106: {  	v4 =	vperm.xlane v3, v0;
	_ =	sdelay $0x1  }
0x107: {  	v4 =	vadd.s32 v1, v4;
	_ =	sdelay $0x1  }
0x108: {  	v3 =	vperm.xlane v3, v2;
	_ =	sdelay $0x1  }
0x109: {  	v3 =	vadd.s32 v1, v3  }
0x10a: {  	[tilespmem:s21], [sflag:$0x2] =	stream.indirect_vreg.gather [hbm4b:s3+s2], $0x80, v4, vm0, $0xb8;
	[tilespmem:$0x1E200] =	vst v63  }
0x10b: {  	s6 =	simm.s32 $0x9A00  }
0x10c: {  	[tilespmem:s6], [sflag:$0x2] =	stream.indirect_vreg.gather [hbm4b:s9+s2], $0x80, v4, vm1, $0xb8;
	[tilespmem:$0x1E200] =	vst v63  }
0x10d: {  	s19 =	simm.s32 $0x9E00  }
0x10e: {  	[tilespmem:s19], [sflag:$0x2] =	stream.indirect_vreg.gather [hbm4b:s3+s2], $0x80, v3, vm0, $0xb8;
	[tilespmem:$0x1E200] =	vst v63  }
0x10f: {  	s20 =	simm.s32 $0xA600  }
0x110: {  	[tilespmem:s20], [sflag:$0x2] =	stream.indirect_vreg.gather [hbm4b:s9+s2], $0x80, v3, vm1, $0xb8;
	[tilespmem:$0x1E200] =	vst v63  }
0x111: {  	v3 =	vld [tilespmem:$0x90];
	_ =	sdelay $0x4  }
0x112: {  	v53 =	vshrl.u32 v3, $0x3  }
0x113: {  	v4 =	vmul.u32 $0x18, v53  }
0x114: {  	v3 =	vand.u32 $0x7, v3  }
0x115: {  	v3 =	vor.u32 v3, v4  }
0x116: {  	v4 =	vperm.xlane v3, v0;
	_ =	sdelay $0x1  }
0x117: {  	v4 =	vadd.s32 v1, v4;
	_ =	sdelay $0x1  }
0x118: {  	v3 =	vperm.xlane v3, v2;
	_ =	sdelay $0x1  }
0x119: {  	s22 =	simm.s32 $0xAA00;
	v3 =	vadd.s32 v1, v3  }
0x11a: {  	[tilespmem:s22], [sflag:$0x2] =	stream.indirect_vreg.gather [hbm4b:s3+s2], $0x80, v4, vm0, $0xb8;
	[tilespmem:$0x1E200] =	vst v63  }
0x11b: {  	s30 =	simm.s32 $0xB200  }
0x11c: {  	[tilespmem:s30], [sflag:$0x2] =	stream.indirect_vreg.gather [hbm4b:s9+s2], $0x80, v4, vm1, $0xb8;
	[tilespmem:$0x1E200] =	vst v63  }
0x11d: {  	s6 =	simm.s32 $0xB600  }
0x11e: {  	[tilespmem:s6], [sflag:$0x2] =	stream.indirect_vreg.gather [hbm4b:s3+s2], $0x80, v3, vm0, $0xb8;
	[tilespmem:$0x1E200] =	vst v63  }
0x11f: {  	s19 =	simm.s32 $0xBE00  }
0x120: {  	[tilespmem:s19], [sflag:$0x2] =	stream.indirect_vreg.gather [hbm4b:s9+s2], $0x80, v3, vm1, $0xb8;
	[tilespmem:$0x1E200] =	vst v63  }
0x121: {  	v3 =	vld [tilespmem:$0xA0];
	_ =	sdelay $0x4  }
0x122: {  	v54 =	vshrl.u32 v3, $0x3  }
0x123: {  	v4 =	vmul.u32 $0x18, v54  }
0x124: {  	v3 =	vand.u32 $0x7, v3  }
0x125: {  	v3 =	vor.u32 v3, v4  }
0x126: {  	v4 =	vperm.xlane v3, v0;
	_ =	sdelay $0x1  }
0x127: {  	v4 =	vadd.s32 v1, v4;
	_ =	sdelay $0x1  }
0x128: {  	v3 =	vperm.xlane v3, v2;
	_ =	sdelay $0x1  }
0x129: {  	s20 =	simm.s32 $0xC200;
	v3 =	vadd.s32 v1, v3  }
0x12a: {  	[tilespmem:s20], [sflag:$0x2] =	stream.indirect_vreg.gather [hbm4b:s3+s2], $0x80, v4, vm0, $0xb8;
	[tilespmem:$0x1E200] =	vst v63  }
0x12b: {  	s22 =	simm.s32 $0xCA00  }
0x12c: {  	[tilespmem:s22], [sflag:$0x2] =	stream.indirect_vreg.gather [hbm4b:s9+s2], $0x80, v4, vm1, $0xb8;
	[tilespmem:$0x1E200] =	vst v63  }
0x12d: {  	s30 =	simm.s32 $0xCE00  }
0x12e: {  	[tilespmem:s30], [sflag:$0x2] =	stream.indirect_vreg.gather [hbm4b:s3+s2], $0x80, v3, vm0, $0xb8;
	[tilespmem:$0x1E200] =	vst v63  }
0x12f: {  	s6 =	simm.s32 $0xD600  }
0x130: {  	[tilespmem:s6], [sflag:$0x2] =	stream.indirect_vreg.gather [hbm4b:s9+s2], $0x80, v3, vm1, $0xb8;
	[tilespmem:$0x1E200] =	vst v63  }
0x131: {  	v3 =	vld [tilespmem:$0xB0];
	_ =	sdelay $0x4  }
0x132: {  	v55 =	vshrl.u32 v3, $0x3  }
0x133: {  	v4 =	vmul.u32 $0x18, v55  }
0x134: {  	v3 =	vand.u32 $0x7, v3  }
0x135: {  	v3 =	vor.u32 v3, v4  }
0x136: {  	v4 =	vperm.xlane v3, v0;
	_ =	sdelay $0x1  }
0x137: {  	v4 =	vadd.s32 v1, v4;
	_ =	sdelay $0x1  }
0x138: {  	v3 =	vperm.xlane v3, v2;
	_ =	sdelay $0x1  }
0x139: {  	s19 =	simm.s32 $0xDA00;
	v3 =	vadd.s32 v1, v3  }
0x13a: {  	[tilespmem:s19], [sflag:$0x2] =	stream.indirect_vreg.gather [hbm4b:s3+s2], $0x80, v4, vm0, $0xb8;
	[tilespmem:$0x1E200] =	vst v63  }
0x13b: {  	s20 =	simm.s32 $0xE200  }
0x13c: {  	[tilespmem:s20], [sflag:$0x2] =	stream.indirect_vreg.gather [hbm4b:s9+s2], $0x80, v4, vm1, $0xb8;
	[tilespmem:$0x1E200] =	vst v63  }
0x13d: {  	s22 =	simm.s32 $0xE600  }
0x13e: {  	[tilespmem:s22], [sflag:$0x2] =	stream.indirect_vreg.gather [hbm4b:s3+s2], $0x80, v3, vm0, $0xb8;
	[tilespmem:$0x1E200] =	vst v63  }
0x13f: {  	s30 =	simm.s32 $0xEE00  }
0x140: {  	[tilespmem:s30], [sflag:$0x2] =	stream.indirect_vreg.gather [hbm4b:s9+s2], $0x80, v3, vm1, $0xb8;
	[tilespmem:$0x1E200] =	vst v63  }
0x141: {  	v3 =	vld [tilespmem:$0xC0];
	_ =	sdelay $0x4  }
0x142: {  	v56 =	vshrl.u32 v3, $0x3  }
0x143: {  	v4 =	vmul.u32 $0x18, v56  }
0x144: {  	v3 =	vand.u32 $0x7, v3  }
0x145: {  	v3 =	vor.u32 v3, v4  }
0x146: {  	v4 =	vperm.xlane v3, v0;
	_ =	sdelay $0x1  }
0x147: {  	v4 =	vadd.s32 v1, v4;
	_ =	sdelay $0x1  }
0x148: {  	v3 =	vperm.xlane v3, v2;
	_ =	sdelay $0x1  }
0x149: {  	s6 =	simm.s32 $0xF200;
	v3 =	vadd.s32 v1, v3  }
0x14a: {  	[tilespmem:s6], [sflag:$0x2] =	stream.indirect_vreg.gather [hbm4b:s3+s2], $0x80, v4, vm0, $0xb8;
	[tilespmem:$0x1E200] =	vst v63  }
0x14b: {  	s19 =	simm.s32 $0xFA00  }
0x14c: {  	[tilespmem:s19], [sflag:$0x2] =	stream.indirect_vreg.gather [hbm4b:s9+s2], $0x80, v4, vm1, $0xb8;
	[tilespmem:$0x1E200] =	vst v63  }
0x14d: {  	s20 =	simm.s32 $0xFE00  }
0x14e: {  	[tilespmem:s20], [sflag:$0x2] =	stream.indirect_vreg.gather [hbm4b:s3+s2], $0x80, v3, vm0, $0xb8;
	[tilespmem:$0x1E200] =	vst v63  }
0x14f: {  	s22 =	simm.s32 $0x10600  }
0x150: {  	[tilespmem:s22], [sflag:$0x2] =	stream.indirect_vreg.gather [hbm4b:s9+s2], $0x80, v3, vm1, $0xb8;
	[tilespmem:$0x1E200] =	vst v63  }
0x151: {  	v3 =	vld [tilespmem:$0xD0];
	_ =	sdelay $0x4  }
0x152: {  	v57 =	vshrl.u32 v3, $0x3  }
0x153: {  	v4 =	vmul.u32 $0x18, v57  }
0x154: {  	v3 =	vand.u32 $0x7, v3  }
0x155: {  	v3 =	vor.u32 v3, v4  }
0x156: {  	v4 =	vperm.xlane v3, v0;
	_ =	sdelay $0x1  }
0x157: {  	v4 =	vadd.s32 v1, v4;
	_ =	sdelay $0x1  }
0x158: {  	v3 =	vperm.xlane v3, v2;
	_ =	sdelay $0x1  }
0x159: {  	s30 =	simm.s32 $0x10A00;
	v3 =	vadd.s32 v1, v3  }
0x15a: {  	[tilespmem:s30], [sflag:$0x2] =	stream.indirect_vreg.gather [hbm4b:s3+s2], $0x80, v4, vm0, $0xb8;
	[tilespmem:$0x1E200] =	vst v63  }
0x15b: {  	s6 =	simm.s32 $0x11200  }
0x15c: {  	[tilespmem:s6], [sflag:$0x2] =	stream.indirect_vreg.gather [hbm4b:s9+s2], $0x80, v4, vm1, $0xb8;
	[tilespmem:$0x1E200] =	vst v63  }
0x15d: {  	s19 =	simm.s32 $0x11600  }
0x15e: {  	[tilespmem:s19], [sflag:$0x2] =	stream.indirect_vreg.gather [hbm4b:s3+s2], $0x80, v3, vm0, $0xb8;
	[tilespmem:$0x1E200] =	vst v63  }
0x15f: {  	s20 =	simm.s32 $0x11E00  }
0x160: {  	[tilespmem:s20], [sflag:$0x2] =	stream.indirect_vreg.gather [hbm4b:s9+s2], $0x80, v3, vm1, $0xb8;
	[tilespmem:$0x1E200] =	vst v63  }
0x161: {  	v3 =	vld [tilespmem:$0x180];
	_ =	sdelay $0x4  }
0x162: {  	v58 =	vshll.u32 v3, $0x1  }
0x163: {  	v3 =	vand.u32 $0x7, v3;
	v4 =	vand.u32 $0xFFFFFFF0, v58  }
0x164: {  	v3 =	vor.u32 v3, v4  }
0x165: {  	v4 =	vperm.xlane v3, v0;
	_ =	sdelay $0x1  }
0x166: {  	v3 =	vperm.xlane v3, v2;
	v4 =	vadd.s32 v1, v4;
	_ =	sdelay $0x1  }
0x167: {  	v3 =	vadd.s32 v1, v3;
	_ =	sdelay $0x2  }
0x168: {  	[tilespmem:s29], [sflag:$0x4] =	stream.indirect_vreg.gather [hbm4b:s4+s2], $0x80, v4, vm0, $0xb8;
	[tilespmem:$0x1E200] =	vst v63  }
0x169: {  	s22 =	simm.s32 $0x18A00  }
0x16a: {  	[tilespmem:s22], [sflag:$0x4] =	stream.indirect_vreg.gather [hbm4b:s4+s2], $0x80, v3, vm0, $0xb8;
	[tilespmem:$0x1E200] =	vst v63  }
0x16b: {  	v3 =	vld [tilespmem:$0x190];
	_ =	sdelay $0x4  }
0x16c: {  	v59 =	vshll.u32 v3, $0x1  }
0x16d: {  	v3 =	vand.u32 $0x7, v3;
	v4 =	vand.u32 $0xFFFFFFF0, v59  }
0x16e: {  	v3 =	vor.u32 v3, v4  }
0x16f: {  	v4 =	vperm.xlane v3, v0;
	_ =	sdelay $0x1  }
0x170: {  	v3 =	vperm.xlane v3, v2;
	v4 =	vadd.s32 v1, v4;
	_ =	sdelay $0x1  }
0x171: {  	v3 =	vadd.s32 v1, v3;
	_ =	sdelay $0x1  }
0x172: {  	s30 =	simm.s32 $0x19200  }
0x173: {  	[tilespmem:s30], [sflag:$0x4] =	stream.indirect_vreg.gather [hbm4b:s4+s2], $0x80, v4, vm0, $0xb8;
	[tilespmem:$0x1E200] =	vst v63  }
0x174: {  	_ = 	snop  }
0x175: {  	[tilespmem:s1], [sflag:$0x4] =	stream.indirect_vreg.gather [hbm4b:s4+s2], $0x80, v3, vm0, $0xb8;
	[tilespmem:$0x1E200] =	vst v63  }
0x176: {  	v3 =	vld [tilespmem:$0x1A0];
	_ =	sdelay $0x4  }
0x177: {  	v60 =	vshll.u32 v3, $0x1  }
0x178: {  	v3 =	vand.u32 $0x7, v3;
	v4 =	vand.u32 $0xFFFFFFF0, v60  }
0x179: {  	v3 =	vor.u32 v3, v4  }
0x17a: {  	v4 =	vperm.xlane v3, v0;
	_ =	sdelay $0x1  }
0x17b: {  	v3 =	vperm.xlane v3, v2;
	v4 =	vadd.s32 v1, v4;
	_ =	sdelay $0x1  }
0x17c: {  	v3 =	vadd.s32 v1, v3;
	_ =	sdelay $0x2  }
0x17d: {  	[tilespmem:s7], [sflag:$0x4] =	stream.indirect_vreg.gather [hbm4b:s4+s2], $0x80, v4, vm0, $0xb8;
	[tilespmem:$0x1E200] =	vst v63  }
0x17e: {  	_ = 	snop  }
0x17f: {  	[tilespmem:s8], [sflag:$0x4] =	stream.indirect_vreg.gather [hbm4b:s4+s2], $0x80, v3, vm0, $0xb8;
	[tilespmem:$0x1E200] =	vst v63  }
0x180: {  	v3 =	vld [tilespmem:$0x1B0];
	_ =	sdelay $0x4  }
0x181: {  	v61 =	vshll.u32 v3, $0x1  }
0x182: {  	v3 =	vand.u32 $0x7, v3;
	v4 =	vand.u32 $0xFFFFFFF0, v61  }
0x183: {  	v3 =	vor.u32 v3, v4  }
0x184: {  	v4 =	vperm.xlane v3, v0;
	_ =	sdelay $0x1  }
0x185: {  	v3 =	vperm.xlane v3, v2;
	v4 =	vadd.s32 v1, v4;
	_ =	sdelay $0x1  }
0x186: {  	v3 =	vadd.s32 v1, v3;
	_ =	sdelay $0x2  }
0x187: {  	[tilespmem:s10], [sflag:$0x4] =	stream.indirect_vreg.gather [hbm4b:s4+s2], $0x80, v4, vm0, $0xb8;
	[tilespmem:$0x1E200] =	vst v63  }
0x188: {  	_ = 	snop  }
0x189: {  	[tilespmem:s11], [sflag:$0x4] =	stream.indirect_vreg.gather [hbm4b:s4+s2], $0x80, v3, vm0, $0xb8;
	[tilespmem:$0x1E200] =	vst v63  }
0x18a: {  	v3 =	vld [tilespmem:$0x1C0];
	_ =	sdelay $0x4  }
0x18b: {  	v62 =	vshll.u32 v3, $0x1  }
0x18c: {  	v3 =	vand.u32 $0x7, v3;
	v4 =	vand.u32 $0xFFFFFFF0, v62  }
0x18d: {  	v3 =	vor.u32 v3, v4  }
0x18e: {  	v4 =	vperm.xlane v3, v0;
	_ =	sdelay $0x1  }
0x18f: {  	v3 =	vperm.xlane v3, v2;
	v4 =	vadd.s32 v1, v4;
	_ =	sdelay $0x1  }
0x190: {  	v3 =	vadd.s32 v1, v3;
	_ =	sdelay $0x2  }
0x191: {  	[tilespmem:s12], [sflag:$0x4] =	stream.indirect_vreg.gather [hbm4b:s4+s2], $0x80, v4, vm0, $0xb8;
	[tilespmem:$0x1E200] =	vst v63  }
0x192: {  	_ = 	snop  }
0x193: {  	[tilespmem:s13], [sflag:$0x4] =	stream.indirect_vreg.gather [hbm4b:s4+s2], $0x80, v3, vm0, $0xb8;
	[tilespmem:$0x1E200] =	vst v63  }
0x194: {  	v3 =	vld [tilespmem:$0x1D0];
	_ =	sdelay $0x4  }
0x195: {  	v63 =	vshll.u32 v3, $0x1  }
0x196: {  	v3 =	vand.u32 $0x7, v3;
	v4 =	vand.u32 $0xFFFFFFF0, v63  }
0x197: {  	v3 =	vor.u32 v3, v4  }
0x198: {  	v4 =	vperm.xlane v3, v0;
	_ =	sdelay $0x1  }
0x199: {  	v3 =	vperm.xlane v3, v2;
	v4 =	vadd.s32 v1, v4;
	_ =	sdelay $0x1  }
0x19a: {  	s6 =	rddreg [dreg:$0x10];
	v3 =	vadd.s32 v1, v3  }
0x19b: {  	s19 =	rddreg [dreg:$0xf]  }
0x19c: {  	s20 =	rddreg [dreg:$0xe]  }
0x19d: {  	[tilespmem:s14], [sflag:$0x4] =	stream.indirect_vreg.gather [hbm4b:s4+s2], $0x80, v4, vm0, $0xb8;
	[tilespmem:$0x1E200] =	vst v63  }
0x19e: {  	s28 =	simm.s32 $0x0;
	s22 =	rddreg [dreg:$0xd]  }
0x19f: {  	[tilespmem:s15], [sflag:$0x4] =	stream.indirect_vreg.gather [hbm4b:s4+s2], $0x80, v3, vm0, $0xb8;
	[tilespmem:$0x1E200] =	vst v63  }
.LBB2_2:
0x1a0: {  	_ =	swait.ge [sflag:s16], $0x9000  }
0x1a1: {  	[sflag:s16] =	ssyncset.done $0x0  }
0x1a2: {  	[sflag:s16] =	ssyncadd.s32 $0xFFFF7000  }
0x1a3: {  	_ =	swait.ge [sflag:s24], $0x6000  }
0x1a4: {  	[sflag:s24] =	ssyncset.done $0x0  }
0x1a5: {  	[sflag:s24] =	ssyncadd.s32 $0xFFFFA000  }
0x1a6: {  	[hbm4b:s6+s2] =	stream.linear.scatter [tilespmem:s25], [sflag:$0x5], $0x9000, $0x38;
	[tilespmem:$0x1E200] =	vst v63  }
0x1a7: {  	_ =	swait.ge [sflag:s23], $0x9000  }
0x1a8: {  	p0 =	seq.s32 s28, $0x258;
	[sflag:s23] =	ssyncset.done $0x0  }
.Ltmp2:
0x1a9: {  	s30 =	sadd.s32 $0xFFFFF400, s22;
	[sflag:s23] =	ssyncadd.s32 $0xFFFF7000;
	(pc) =	sbr.rel @p0 .LBB2_4-.Ltmp2, $4  }
0x1aa: {  	[hbm4b:s30+s2] =	stream.linear.scatter [tilespmem:s31], [sflag:$0x5], $0x6000, $0x38;
	[tilespmem:$0x1E200] =	vst v63  }
0x1ab: {  	_ =	swait.ge [sflag:s23], $0x6000  }
0x1ac: {  	[sflag:s23] =	ssyncset.done $0x0  }
0x1ad: {  	[sflag:s23] =	ssyncadd.s32 $0xFFFFA000  }
0x1ae: {  	s30 =	sshrl.u32 s19, $0x3;
	s0 =	rddreg [dreg:$0x2]  }
0x1af: {  	s0 =	sadd.s32 s0, s30  }
0x1b0: {  	[tilespmem:s2], [sflag:$0x5] =	stream.linear.gather [hbm4b:s0+s2], $0x60, $0x38;
	[tilespmem:$0x1E200] =	vst v63  }
0x1b1: {  	_ =	swait.ge [sflag:s23], $0x60  }
0x1b2: {  	[sflag:s23] =	ssyncset.done $0x0;
	s0 =	rddreg [dreg:$0x3]  }
0x1b3: {  	[sflag:s23] =	ssyncadd.s32 $0xFFFFFFA0;
	s0 =	sadd.s32 s0, s30;
	s30 =	simm.s32 $0x100  }
0x1b4: {  	[tilespmem:s30], [sflag:$0x5] =	stream.linear.gather [hbm4b:s0+s2], $0x60, $0x38;
	[tilespmem:$0x1E200] =	vst v63  }
0x1b5: {  	_ =	swait.ge [sflag:s23], $0x60  }
0x1b6: {  	[sflag:s23] =	ssyncset.done $0x0  }
0x1b7: {  	[sflag:s23] =	ssyncadd.s32 $0xFFFFFFA0  }
0x1b8: {  	v3 =	vld [tilespmem:$0x0];
	_ =	sdelay $0x4  }
0x1b9: {  	v4 =	vshrl.u32 v3, $0x3  }
0x1ba: {  	v4 =	vmul.u32 $0x18, v4  }
0x1bb: {  	v3 =	vand.u32 $0x7, v3  }
0x1bc: {  	v3 =	vor.u32 v3, v4  }
0x1bd: {  	v4 =	vperm.xlane v3, v0;
	_ =	sdelay $0x1  }
0x1be: {  	v4 =	vadd.s32 v1, v4;
	_ =	sdelay $0x1  }
0x1bf: {  	v3 =	vperm.xlane v3, v2;
	_ =	sdelay $0x1  }
0x1c0: {  	v3 =	vadd.s32 v1, v3  }
0x1c1: {  	[tilespmem:s25], [sflag:$0x1] =	stream.indirect_vreg.gather [hbm4b:s3+s2], $0x80, v4, vm0, $0xb8;
	[tilespmem:$0x1E200] =	vst v63  }
0x1c2: {  	s30 =	simm.s32 $0xA00  }
0x1c3: {  	[tilespmem:s30], [sflag:$0x1] =	stream.indirect_vreg.gather [hbm4b:s9+s2], $0x80, v4, vm1, $0xb8;
	[tilespmem:$0x1E200] =	vst v63  }
0x1c4: {  	s30 =	simm.s32 $0xE00  }
0x1c5: {  	[tilespmem:s30], [sflag:$0x1] =	stream.indirect_vreg.gather [hbm4b:s3+s2], $0x80, v3, vm0, $0xb8;
	[tilespmem:$0x1E200] =	vst v63  }
0x1c6: {  	s30 =	simm.s32 $0x1600  }
0x1c7: {  	[tilespmem:s30], [sflag:$0x1] =	stream.indirect_vreg.gather [hbm4b:s9+s2], $0x80, v3, vm1, $0xb8;
	[tilespmem:$0x1E200] =	vst v63  }
0x1c8: {  	v3 =	vld [tilespmem:$0x10];
	_ =	sdelay $0x4  }
0x1c9: {  	v53 =	vshrl.u32 v3, $0x3  }
0x1ca: {  	v4 =	vmul.u32 $0x18, v53  }
0x1cb: {  	v3 =	vand.u32 $0x7, v3  }
0x1cc: {  	v3 =	vor.u32 v3, v4  }
0x1cd: {  	v4 =	vperm.xlane v3, v0;
	_ =	sdelay $0x1  }
0x1ce: {  	v4 =	vadd.s32 v1, v4;
	_ =	sdelay $0x1  }
0x1cf: {  	v3 =	vperm.xlane v3, v2;
	_ =	sdelay $0x1  }
0x1d0: {  	s30 =	simm.s32 $0x1A00;
	v3 =	vadd.s32 v1, v3  }
0x1d1: {  	[tilespmem:s30], [sflag:$0x1] =	stream.indirect_vreg.gather [hbm4b:s3+s2], $0x80, v4, vm0, $0xb8;
	[tilespmem:$0x1E200] =	vst v63  }
0x1d2: {  	s30 =	simm.s32 $0x2200  }
0x1d3: {  	[tilespmem:s30], [sflag:$0x1] =	stream.indirect_vreg.gather [hbm4b:s9+s2], $0x80, v4, vm1, $0xb8;
	[tilespmem:$0x1E200] =	vst v63  }
0x1d4: {  	s30 =	simm.s32 $0x2600  }
0x1d5: {  	[tilespmem:s30], [sflag:$0x1] =	stream.indirect_vreg.gather [hbm4b:s3+s2], $0x80, v3, vm0, $0xb8;
	[tilespmem:$0x1E200] =	vst v63  }
0x1d6: {  	s30 =	simm.s32 $0x2E00  }
0x1d7: {  	[tilespmem:s30], [sflag:$0x1] =	stream.indirect_vreg.gather [hbm4b:s9+s2], $0x80, v3, vm1, $0xb8;
	[tilespmem:$0x1E200] =	vst v63  }
0x1d8: {  	v3 =	vld [tilespmem:$0x20];
	_ =	sdelay $0x4  }
0x1d9: {  	v54 =	vshrl.u32 v3, $0x3  }
0x1da: {  	v4 =	vmul.u32 $0x18, v54  }
0x1db: {  	v3 =	vand.u32 $0x7, v3  }
0x1dc: {  	v3 =	vor.u32 v3, v4  }
0x1dd: {  	v4 =	vperm.xlane v3, v0;
	_ =	sdelay $0x1  }
0x1de: {  	v4 =	vadd.s32 v1, v4;
	_ =	sdelay $0x1  }
0x1df: {  	v3 =	vperm.xlane v3, v2;
	_ =	sdelay $0x1  }
0x1e0: {  	s30 =	simm.s32 $0x3200;
	v3 =	vadd.s32 v1, v3  }
0x1e1: {  	[tilespmem:s30], [sflag:$0x1] =	stream.indirect_vreg.gather [hbm4b:s3+s2], $0x80, v4, vm0, $0xb8;
	[tilespmem:$0x1E200] =	vst v63  }
0x1e2: {  	s30 =	simm.s32 $0x3A00  }
0x1e3: {  	[tilespmem:s30], [sflag:$0x1] =	stream.indirect_vreg.gather [hbm4b:s9+s2], $0x80, v4, vm1, $0xb8;
	[tilespmem:$0x1E200] =	vst v63  }
0x1e4: {  	s30 =	simm.s32 $0x3E00  }
0x1e5: {  	[tilespmem:s30], [sflag:$0x1] =	stream.indirect_vreg.gather [hbm4b:s3+s2], $0x80, v3, vm0, $0xb8;
	[tilespmem:$0x1E200] =	vst v63  }
0x1e6: {  	s30 =	simm.s32 $0x4600  }
0x1e7: {  	[tilespmem:s30], [sflag:$0x1] =	stream.indirect_vreg.gather [hbm4b:s9+s2], $0x80, v3, vm1, $0xb8;
	[tilespmem:$0x1E200] =	vst v63  }
0x1e8: {  	v3 =	vld [tilespmem:$0x30];
	_ =	sdelay $0x4  }
0x1e9: {  	v55 =	vshrl.u32 v3, $0x3  }
0x1ea: {  	v4 =	vmul.u32 $0x18, v55  }
0x1eb: {  	v3 =	vand.u32 $0x7, v3  }
0x1ec: {  	v3 =	vor.u32 v3, v4  }
0x1ed: {  	v4 =	vperm.xlane v3, v0;
	_ =	sdelay $0x1  }
0x1ee: {  	v4 =	vadd.s32 v1, v4;
	_ =	sdelay $0x1  }
0x1ef: {  	v3 =	vperm.xlane v3, v2;
	_ =	sdelay $0x1  }
0x1f0: {  	s30 =	simm.s32 $0x4A00;
	v3 =	vadd.s32 v1, v3  }
0x1f1: {  	[tilespmem:s30], [sflag:$0x1] =	stream.indirect_vreg.gather [hbm4b:s3+s2], $0x80, v4, vm0, $0xb8;
	[tilespmem:$0x1E200] =	vst v63  }
0x1f2: {  	s30 =	simm.s32 $0x5200  }
0x1f3: {  	[tilespmem:s30], [sflag:$0x1] =	stream.indirect_vreg.gather [hbm4b:s9+s2], $0x80, v4, vm1, $0xb8;
	[tilespmem:$0x1E200] =	vst v63  }
0x1f4: {  	s30 =	simm.s32 $0x5600  }
0x1f5: {  	[tilespmem:s30], [sflag:$0x1] =	stream.indirect_vreg.gather [hbm4b:s3+s2], $0x80, v3, vm0, $0xb8;
	[tilespmem:$0x1E200] =	vst v63  }
0x1f6: {  	s30 =	simm.s32 $0x5E00  }
0x1f7: {  	[tilespmem:s30], [sflag:$0x1] =	stream.indirect_vreg.gather [hbm4b:s9+s2], $0x80, v3, vm1, $0xb8;
	[tilespmem:$0x1E200] =	vst v63  }
0x1f8: {  	v3 =	vld [tilespmem:$0x40];
	_ =	sdelay $0x4  }
0x1f9: {  	v56 =	vshrl.u32 v3, $0x3  }
0x1fa: {  	v4 =	vmul.u32 $0x18, v56  }
0x1fb: {  	v3 =	vand.u32 $0x7, v3  }
0x1fc: {  	v3 =	vor.u32 v3, v4  }
0x1fd: {  	v4 =	vperm.xlane v3, v0;
	_ =	sdelay $0x1  }
0x1fe: {  	v4 =	vadd.s32 v1, v4;
	_ =	sdelay $0x1  }
0x1ff: {  	v3 =	vperm.xlane v3, v2;
	_ =	sdelay $0x1  }
0x200: {  	s30 =	simm.s32 $0x6200;
	v3 =	vadd.s32 v1, v3  }
0x201: {  	[tilespmem:s30], [sflag:$0x1] =	stream.indirect_vreg.gather [hbm4b:s3+s2], $0x80, v4, vm0, $0xb8;
	[tilespmem:$0x1E200] =	vst v63  }
0x202: {  	s30 =	simm.s32 $0x6A00  }
0x203: {  	[tilespmem:s30], [sflag:$0x1] =	stream.indirect_vreg.gather [hbm4b:s9+s2], $0x80, v4, vm1, $0xb8;
	[tilespmem:$0x1E200] =	vst v63  }
0x204: {  	s30 =	simm.s32 $0x6E00  }
0x205: {  	[tilespmem:s30], [sflag:$0x1] =	stream.indirect_vreg.gather [hbm4b:s3+s2], $0x80, v3, vm0, $0xb8;
	[tilespmem:$0x1E200] =	vst v63  }
0x206: {  	s30 =	simm.s32 $0x7600  }
0x207: {  	[tilespmem:s30], [sflag:$0x1] =	stream.indirect_vreg.gather [hbm4b:s9+s2], $0x80, v3, vm1, $0xb8;
	[tilespmem:$0x1E200] =	vst v63  }
0x208: {  	v3 =	vld [tilespmem:$0x50];
	_ =	sdelay $0x4  }
0x209: {  	v57 =	vshrl.u32 v3, $0x3  }
0x20a: {  	v4 =	vmul.u32 $0x18, v57  }
0x20b: {  	v3 =	vand.u32 $0x7, v3  }
0x20c: {  	v3 =	vor.u32 v3, v4  }
0x20d: {  	v4 =	vperm.xlane v3, v0;
	_ =	sdelay $0x1  }
0x20e: {  	v4 =	vadd.s32 v1, v4;
	_ =	sdelay $0x1  }
0x20f: {  	v3 =	vperm.xlane v3, v2;
	_ =	sdelay $0x1  }
0x210: {  	s30 =	simm.s32 $0x7A00;
	v3 =	vadd.s32 v1, v3  }
0x211: {  	[tilespmem:s30], [sflag:$0x1] =	stream.indirect_vreg.gather [hbm4b:s3+s2], $0x80, v4, vm0, $0xb8;
	[tilespmem:$0x1E200] =	vst v63  }
0x212: {  	s30 =	simm.s32 $0x8200  }
0x213: {  	[tilespmem:s30], [sflag:$0x1] =	stream.indirect_vreg.gather [hbm4b:s9+s2], $0x80, v4, vm1, $0xb8;
	[tilespmem:$0x1E200] =	vst v63  }
0x214: {  	s30 =	simm.s32 $0x8600  }
0x215: {  	[tilespmem:s30], [sflag:$0x1] =	stream.indirect_vreg.gather [hbm4b:s3+s2], $0x80, v3, vm0, $0xb8;
	[tilespmem:$0x1E200] =	vst v63  }
0x216: {  	s30 =	simm.s32 $0x8E00  }
0x217: {  	[tilespmem:s30], [sflag:$0x1] =	stream.indirect_vreg.gather [hbm4b:s9+s2], $0x80, v3, vm1, $0xb8;
	[tilespmem:$0x1E200] =	vst v63  }
0x218: {  	v3 =	vld [tilespmem:$0x100];
	_ =	sdelay $0x4  }
0x219: {  	v58 =	vshll.u32 v3, $0x1  }
0x21a: {  	v3 =	vand.u32 $0x7, v3;
	v4 =	vand.u32 $0xFFFFFFF0, v58  }
0x21b: {  	v3 =	vor.u32 v3, v4  }
0x21c: {  	v4 =	vperm.xlane v3, v0;
	_ =	sdelay $0x1  }
0x21d: {  	v3 =	vperm.xlane v3, v2;
	v4 =	vadd.s32 v1, v4;
	_ =	sdelay $0x1  }
0x21e: {  	v3 =	vadd.s32 v1, v3;
	_ =	sdelay $0x2  }
0x21f: {  	[tilespmem:s31], [sflag:$0x3] =	stream.indirect_vreg.gather [hbm4b:s4+s2], $0x80, v4, vm0, $0xb8;
	[tilespmem:$0x1E200] =	vst v63  }
0x220: {  	s30 =	simm.s32 $0x12A00  }
0x221: {  	[tilespmem:s30], [sflag:$0x3] =	stream.indirect_vreg.gather [hbm4b:s4+s2], $0x80, v3, vm0, $0xb8;
	[tilespmem:$0x1E200] =	vst v63  }
0x222: {  	v3 =	vld [tilespmem:$0x110];
	_ =	sdelay $0x4  }
0x223: {  	v59 =	vshll.u32 v3, $0x1  }
0x224: {  	v3 =	vand.u32 $0x7, v3;
	v4 =	vand.u32 $0xFFFFFFF0, v59  }
0x225: {  	v3 =	vor.u32 v3, v4  }
0x226: {  	v4 =	vperm.xlane v3, v0;
	_ =	sdelay $0x1  }
0x227: {  	v3 =	vperm.xlane v3, v2;
	v4 =	vadd.s32 v1, v4;
	_ =	sdelay $0x1  }
0x228: {  	v3 =	vadd.s32 v1, v3;
	_ =	sdelay $0x1  }
0x229: {  	s30 =	simm.s32 $0x13200  }
0x22a: {  	[tilespmem:s30], [sflag:$0x3] =	stream.indirect_vreg.gather [hbm4b:s4+s2], $0x80, v4, vm0, $0xb8;
	[tilespmem:$0x1E200] =	vst v63  }
0x22b: {  	s30 =	simm.s32 $0x13A00  }
0x22c: {  	[tilespmem:s30], [sflag:$0x3] =	stream.indirect_vreg.gather [hbm4b:s4+s2], $0x80, v3, vm0, $0xb8;
	[tilespmem:$0x1E200] =	vst v63  }
0x22d: {  	v3 =	vld [tilespmem:$0x120];
	_ =	sdelay $0x4  }
0x22e: {  	v60 =	vshll.u32 v3, $0x1  }
0x22f: {  	v3 =	vand.u32 $0x7, v3;
	v4 =	vand.u32 $0xFFFFFFF0, v60  }
0x230: {  	v3 =	vor.u32 v3, v4  }
0x231: {  	v4 =	vperm.xlane v3, v0;
	_ =	sdelay $0x1  }
0x232: {  	v3 =	vperm.xlane v3, v2;
	v4 =	vadd.s32 v1, v4;
	_ =	sdelay $0x1  }
0x233: {  	v3 =	vadd.s32 v1, v3;
	_ =	sdelay $0x1  }
0x234: {  	s30 =	simm.s32 $0x14200  }
0x235: {  	[tilespmem:s30], [sflag:$0x3] =	stream.indirect_vreg.gather [hbm4b:s4+s2], $0x80, v4, vm0, $0xb8;
	[tilespmem:$0x1E200] =	vst v63  }
0x236: {  	s30 =	simm.s32 $0x14A00  }
0x237: {  	[tilespmem:s30], [sflag:$0x3] =	stream.indirect_vreg.gather [hbm4b:s4+s2], $0x80, v3, vm0, $0xb8;
	[tilespmem:$0x1E200] =	vst v63  }
0x238: {  	v3 =	vld [tilespmem:$0x130];
	_ =	sdelay $0x4  }
0x239: {  	v61 =	vshll.u32 v3, $0x1  }
0x23a: {  	v3 =	vand.u32 $0x7, v3;
	v4 =	vand.u32 $0xFFFFFFF0, v61  }
0x23b: {  	v3 =	vor.u32 v3, v4  }
0x23c: {  	v4 =	vperm.xlane v3, v0;
	_ =	sdelay $0x1  }
0x23d: {  	v3 =	vperm.xlane v3, v2;
	v4 =	vadd.s32 v1, v4;
	_ =	sdelay $0x1  }
0x23e: {  	v3 =	vadd.s32 v1, v3;
	_ =	sdelay $0x1  }
0x23f: {  	s30 =	simm.s32 $0x15200  }
0x240: {  	[tilespmem:s30], [sflag:$0x3] =	stream.indirect_vreg.gather [hbm4b:s4+s2], $0x80, v4, vm0, $0xb8;
	[tilespmem:$0x1E200] =	vst v63  }
0x241: {  	s30 =	simm.s32 $0x15A00  }
0x242: {  	[tilespmem:s30], [sflag:$0x3] =	stream.indirect_vreg.gather [hbm4b:s4+s2], $0x80, v3, vm0, $0xb8;
	[tilespmem:$0x1E200] =	vst v63  }
0x243: {  	v3 =	vld [tilespmem:$0x140];
	_ =	sdelay $0x4  }
0x244: {  	v62 =	vshll.u32 v3, $0x1  }
0x245: {  	v3 =	vand.u32 $0x7, v3;
	v4 =	vand.u32 $0xFFFFFFF0, v62  }
0x246: {  	v3 =	vor.u32 v3, v4  }
0x247: {  	v4 =	vperm.xlane v3, v0;
	_ =	sdelay $0x1  }
0x248: {  	v3 =	vperm.xlane v3, v2;
	v4 =	vadd.s32 v1, v4;
	_ =	sdelay $0x1  }
0x249: {  	v3 =	vadd.s32 v1, v3;
	_ =	sdelay $0x1  }
0x24a: {  	s30 =	simm.s32 $0x16200  }
0x24b: {  	[tilespmem:s30], [sflag:$0x3] =	stream.indirect_vreg.gather [hbm4b:s4+s2], $0x80, v4, vm0, $0xb8;
	[tilespmem:$0x1E200] =	vst v63  }
0x24c: {  	s30 =	simm.s32 $0x16A00  }
0x24d: {  	[tilespmem:s30], [sflag:$0x3] =	stream.indirect_vreg.gather [hbm4b:s4+s2], $0x80, v3, vm0, $0xb8;
	[tilespmem:$0x1E200] =	vst v63  }
0x24e: {  	v3 =	vld [tilespmem:$0x150];
	_ =	sdelay $0x4  }
0x24f: {  	v63 =	vshll.u32 v3, $0x1  }
0x250: {  	v3 =	vand.u32 $0x7, v3;
	v4 =	vand.u32 $0xFFFFFFF0, v63  }
0x251: {  	v3 =	vor.u32 v3, v4  }
0x252: {  	v4 =	vperm.xlane v3, v0;
	_ =	sdelay $0x1  }
0x253: {  	v3 =	vperm.xlane v3, v2;
	v4 =	vadd.s32 v1, v4;
	_ =	sdelay $0x1  }
0x254: {  	v3 =	vadd.s32 v1, v3;
	_ =	sdelay $0x1  }
0x255: {  	s30 =	simm.s32 $0x17200  }
0x256: {  	[tilespmem:s30], [sflag:$0x3] =	stream.indirect_vreg.gather [hbm4b:s4+s2], $0x80, v4, vm0, $0xb8;
	[tilespmem:$0x1E200] =	vst v63  }
0x257: {  	s30 =	simm.s32 $0x17A00  }
0x258: {  	[tilespmem:s30], [sflag:$0x3] =	stream.indirect_vreg.gather [hbm4b:s4+s2], $0x80, v3, vm0, $0xb8;
	[tilespmem:$0x1E200] =	vst v63  }
.LBB2_4:
0x259: {  	_ =	swait.ge [sflag:s26], $0x9000  }
0x25a: {  	[sflag:s26] =	ssyncset.done $0x0  }
0x25b: {  	[sflag:s26] =	ssyncadd.s32 $0xFFFF7000  }
0x25c: {  	_ =	swait.ge [sflag:s5], $0x6000  }
0x25d: {  	[sflag:s5] =	ssyncset.done $0x0  }
0x25e: {  	[sflag:s5] =	ssyncadd.s32 $0xFFFFA000  }
0x25f: {  	[hbm4b:s20+s2] =	stream.linear.scatter [tilespmem:s21], [sflag:$0x5], $0x9000, $0x38;
	[tilespmem:$0x1E200] =	vst v63  }
0x260: {  	_ =	swait.ge [sflag:s23], $0x9000  }
0x261: {  	[sflag:s23] =	ssyncset.done $0x0  }
.Ltmp3:
0x262: {  	[sflag:s23] =	ssyncadd.s32 $0xFFFF7000;
	(pc) =	sbr.rel @p0 .LBB2_6-.Ltmp3, $4  }
0x263: {  	[hbm4b:s22+s2] =	stream.linear.scatter [tilespmem:s29], [sflag:$0x5], $0x6000, $0x38;
	[tilespmem:$0x1E200] =	vst v63  }
0x264: {  	_ =	swait.ge [sflag:s23], $0x6000  }
0x265: {  	[sflag:s23] =	ssyncset.done $0x0  }
0x266: {  	[sflag:s23] =	ssyncadd.s32 $0xFFFFA000  }
0x267: {  	s0 =	sadd.s32 s28, s18;
	s30 =	simm.s32 $0x80  }
0x268: {  	[tilespmem:s30], [sflag:$0x5] =	stream.linear.gather [hbm4b:s0+s2], $0x60, $0x38;
	[tilespmem:$0x1E200] =	vst v63  }
0x269: {  	_ =	swait.ge [sflag:s23], $0x60  }
0x26a: {  	[sflag:s23] =	ssyncset.done $0x0  }
0x26b: {  	s0 =	sadd.s32 s28, s17;
	s30 =	simm.s32 $0x180;
	[sflag:s23] =	ssyncadd.s32 $0xFFFFFFA0  }
0x26c: {  	[tilespmem:s30], [sflag:$0x5] =	stream.linear.gather [hbm4b:s0+s2], $0x60, $0x38;
	[tilespmem:$0x1E200] =	vst v63  }
0x26d: {  	_ =	swait.ge [sflag:s23], $0x60  }
0x26e: {  	[sflag:s23] =	ssyncset.done $0x0  }
0x26f: {  	[sflag:s23] =	ssyncadd.s32 $0xFFFFFFA0  }
0x270: {  	v3 =	vld [tilespmem:$0x80];
	_ =	sdelay $0x4  }
0x271: {  	v4 =	vshrl.u32 v3, $0x3  }
0x272: {  	v4 =	vmul.u32 $0x18, v4  }
0x273: {  	v3 =	vand.u32 $0x7, v3  }
0x274: {  	v3 =	vor.u32 v3, v4  }
0x275: {  	v4 =	vperm.xlane v3, v0;
	_ =	sdelay $0x1  }
0x276: {  	v4 =	vadd.s32 v1, v4;
	_ =	sdelay $0x1  }
0x277: {  	v3 =	vperm.xlane v3, v2;
	_ =	sdelay $0x1  }
0x278: {  	v3 =	vadd.s32 v1, v3  }
0x279: {  	[tilespmem:s21], [sflag:$0x2] =	stream.indirect_vreg.gather [hbm4b:s3+s2], $0x80, v4, vm0, $0xb8;
	[tilespmem:$0x1E200] =	vst v63  }
0x27a: {  	s30 =	simm.s32 $0x9A00  }
0x27b: {  	[tilespmem:s30], [sflag:$0x2] =	stream.indirect_vreg.gather [hbm4b:s9+s2], $0x80, v4, vm1, $0xb8;
	[tilespmem:$0x1E200] =	vst v63  }
0x27c: {  	s30 =	simm.s32 $0x9E00  }
0x27d: {  	[tilespmem:s30], [sflag:$0x2] =	stream.indirect_vreg.gather [hbm4b:s3+s2], $0x80, v3, vm0, $0xb8;
	[tilespmem:$0x1E200] =	vst v63  }
0x27e: {  	s30 =	simm.s32 $0xA600  }
0x27f: {  	[tilespmem:s30], [sflag:$0x2] =	stream.indirect_vreg.gather [hbm4b:s9+s2], $0x80, v3, vm1, $0xb8;
	[tilespmem:$0x1E200] =	vst v63  }
0x280: {  	v3 =	vld [tilespmem:$0x90];
	_ =	sdelay $0x4  }
0x281: {  	v53 =	vshrl.u32 v3, $0x3  }
0x282: {  	v4 =	vmul.u32 $0x18, v53  }
0x283: {  	v3 =	vand.u32 $0x7, v3  }
0x284: {  	v3 =	vor.u32 v3, v4  }
0x285: {  	v4 =	vperm.xlane v3, v0;
	_ =	sdelay $0x1  }
0x286: {  	v4 =	vadd.s32 v1, v4;
	_ =	sdelay $0x1  }
0x287: {  	v3 =	vperm.xlane v3, v2;
	_ =	sdelay $0x1  }
0x288: {  	s30 =	simm.s32 $0xAA00;
	v3 =	vadd.s32 v1, v3  }
0x289: {  	[tilespmem:s30], [sflag:$0x2] =	stream.indirect_vreg.gather [hbm4b:s3+s2], $0x80, v4, vm0, $0xb8;
	[tilespmem:$0x1E200] =	vst v63  }
0x28a: {  	s30 =	simm.s32 $0xB200  }
0x28b: {  	[tilespmem:s30], [sflag:$0x2] =	stream.indirect_vreg.gather [hbm4b:s9+s2], $0x80, v4, vm1, $0xb8;
	[tilespmem:$0x1E200] =	vst v63  }
0x28c: {  	s30 =	simm.s32 $0xB600  }
0x28d: {  	[tilespmem:s30], [sflag:$0x2] =	stream.indirect_vreg.gather [hbm4b:s3+s2], $0x80, v3, vm0, $0xb8;
	[tilespmem:$0x1E200] =	vst v63  }
0x28e: {  	s30 =	simm.s32 $0xBE00  }
0x28f: {  	[tilespmem:s30], [sflag:$0x2] =	stream.indirect_vreg.gather [hbm4b:s9+s2], $0x80, v3, vm1, $0xb8;
	[tilespmem:$0x1E200] =	vst v63  }
0x290: {  	v3 =	vld [tilespmem:$0xA0];
	_ =	sdelay $0x4  }
0x291: {  	v54 =	vshrl.u32 v3, $0x3  }
0x292: {  	v4 =	vmul.u32 $0x18, v54  }
0x293: {  	v3 =	vand.u32 $0x7, v3  }
0x294: {  	v3 =	vor.u32 v3, v4  }
0x295: {  	v4 =	vperm.xlane v3, v0;
	_ =	sdelay $0x1  }
0x296: {  	v4 =	vadd.s32 v1, v4;
	_ =	sdelay $0x1  }
0x297: {  	v3 =	vperm.xlane v3, v2;
	_ =	sdelay $0x1  }
0x298: {  	s30 =	simm.s32 $0xC200;
	v3 =	vadd.s32 v1, v3  }
0x299: {  	[tilespmem:s30], [sflag:$0x2] =	stream.indirect_vreg.gather [hbm4b:s3+s2], $0x80, v4, vm0, $0xb8;
	[tilespmem:$0x1E200] =	vst v63  }
0x29a: {  	s30 =	simm.s32 $0xCA00  }
0x29b: {  	[tilespmem:s30], [sflag:$0x2] =	stream.indirect_vreg.gather [hbm4b:s9+s2], $0x80, v4, vm1, $0xb8;
	[tilespmem:$0x1E200] =	vst v63  }
0x29c: {  	s30 =	simm.s32 $0xCE00  }
0x29d: {  	[tilespmem:s30], [sflag:$0x2] =	stream.indirect_vreg.gather [hbm4b:s3+s2], $0x80, v3, vm0, $0xb8;
	[tilespmem:$0x1E200] =	vst v63  }
0x29e: {  	s30 =	simm.s32 $0xD600  }
0x29f: {  	[tilespmem:s30], [sflag:$0x2] =	stream.indirect_vreg.gather [hbm4b:s9+s2], $0x80, v3, vm1, $0xb8;
	[tilespmem:$0x1E200] =	vst v63  }
0x2a0: {  	v3 =	vld [tilespmem:$0xB0];
	_ =	sdelay $0x4  }
0x2a1: {  	v55 =	vshrl.u32 v3, $0x3  }
0x2a2: {  	v4 =	vmul.u32 $0x18, v55  }
0x2a3: {  	v3 =	vand.u32 $0x7, v3  }
0x2a4: {  	v3 =	vor.u32 v3, v4  }
0x2a5: {  	v4 =	vperm.xlane v3, v0;
	_ =	sdelay $0x1  }
0x2a6: {  	v4 =	vadd.s32 v1, v4;
	_ =	sdelay $0x1  }
0x2a7: {  	v3 =	vperm.xlane v3, v2;
	_ =	sdelay $0x1  }
0x2a8: {  	s30 =	simm.s32 $0xDA00;
	v3 =	vadd.s32 v1, v3  }
0x2a9: {  	[tilespmem:s30], [sflag:$0x2] =	stream.indirect_vreg.gather [hbm4b:s3+s2], $0x80, v4, vm0, $0xb8;
	[tilespmem:$0x1E200] =	vst v63  }
0x2aa: {  	s30 =	simm.s32 $0xE200  }
0x2ab: {  	[tilespmem:s30], [sflag:$0x2] =	stream.indirect_vreg.gather [hbm4b:s9+s2], $0x80, v4, vm1, $0xb8;
	[tilespmem:$0x1E200] =	vst v63  }
0x2ac: {  	s30 =	simm.s32 $0xE600  }
0x2ad: {  	[tilespmem:s30], [sflag:$0x2] =	stream.indirect_vreg.gather [hbm4b:s3+s2], $0x80, v3, vm0, $0xb8;
	[tilespmem:$0x1E200] =	vst v63  }
0x2ae: {  	s30 =	simm.s32 $0xEE00  }
0x2af: {  	[tilespmem:s30], [sflag:$0x2] =	stream.indirect_vreg.gather [hbm4b:s9+s2], $0x80, v3, vm1, $0xb8;
	[tilespmem:$0x1E200] =	vst v63  }
0x2b0: {  	v3 =	vld [tilespmem:$0xC0];
	_ =	sdelay $0x4  }
0x2b1: {  	v56 =	vshrl.u32 v3, $0x3  }
0x2b2: {  	v4 =	vmul.u32 $0x18, v56  }
0x2b3: {  	v3 =	vand.u32 $0x7, v3  }
0x2b4: {  	v3 =	vor.u32 v3, v4  }
0x2b5: {  	v4 =	vperm.xlane v3, v0;
	_ =	sdelay $0x1  }
0x2b6: {  	v4 =	vadd.s32 v1, v4;
	_ =	sdelay $0x1  }
0x2b7: {  	v3 =	vperm.xlane v3, v2;
	_ =	sdelay $0x1  }
0x2b8: {  	s30 =	simm.s32 $0xF200;
	v3 =	vadd.s32 v1, v3  }
0x2b9: {  	[tilespmem:s30], [sflag:$0x2] =	stream.indirect_vreg.gather [hbm4b:s3+s2], $0x80, v4, vm0, $0xb8;
	[tilespmem:$0x1E200] =	vst v63  }
0x2ba: {  	s30 =	simm.s32 $0xFA00  }
0x2bb: {  	[tilespmem:s30], [sflag:$0x2] =	stream.indirect_vreg.gather [hbm4b:s9+s2], $0x80, v4, vm1, $0xb8;
	[tilespmem:$0x1E200] =	vst v63  }
0x2bc: {  	s30 =	simm.s32 $0xFE00  }
0x2bd: {  	[tilespmem:s30], [sflag:$0x2] =	stream.indirect_vreg.gather [hbm4b:s3+s2], $0x80, v3, vm0, $0xb8;
	[tilespmem:$0x1E200] =	vst v63  }
0x2be: {  	s30 =	simm.s32 $0x10600  }
0x2bf: {  	[tilespmem:s30], [sflag:$0x2] =	stream.indirect_vreg.gather [hbm4b:s9+s2], $0x80, v3, vm1, $0xb8;
	[tilespmem:$0x1E200] =	vst v63  }
0x2c0: {  	v3 =	vld [tilespmem:$0xD0];
	_ =	sdelay $0x4  }
0x2c1: {  	v57 =	vshrl.u32 v3, $0x3  }
0x2c2: {  	v4 =	vmul.u32 $0x18, v57  }
0x2c3: {  	v3 =	vand.u32 $0x7, v3  }
0x2c4: {  	v3 =	vor.u32 v3, v4  }
0x2c5: {  	v4 =	vperm.xlane v3, v0;
	_ =	sdelay $0x1  }
0x2c6: {  	v4 =	vadd.s32 v1, v4;
	_ =	sdelay $0x1  }
0x2c7: {  	v3 =	vperm.xlane v3, v2;
	_ =	sdelay $0x1  }
0x2c8: {  	s30 =	simm.s32 $0x10A00;
	v3 =	vadd.s32 v1, v3  }
0x2c9: {  	[tilespmem:s30], [sflag:$0x2] =	stream.indirect_vreg.gather [hbm4b:s3+s2], $0x80, v4, vm0, $0xb8;
	[tilespmem:$0x1E200] =	vst v63  }
0x2ca: {  	s30 =	simm.s32 $0x11200  }
0x2cb: {  	[tilespmem:s30], [sflag:$0x2] =	stream.indirect_vreg.gather [hbm4b:s9+s2], $0x80, v4, vm1, $0xb8;
	[tilespmem:$0x1E200] =	vst v63  }
0x2cc: {  	s30 =	simm.s32 $0x11600  }
0x2cd: {  	[tilespmem:s30], [sflag:$0x2] =	stream.indirect_vreg.gather [hbm4b:s3+s2], $0x80, v3, vm0, $0xb8;
	[tilespmem:$0x1E200] =	vst v63  }
0x2ce: {  	s30 =	simm.s32 $0x11E00  }
0x2cf: {  	[tilespmem:s30], [sflag:$0x2] =	stream.indirect_vreg.gather [hbm4b:s9+s2], $0x80, v3, vm1, $0xb8;
	[tilespmem:$0x1E200] =	vst v63  }
0x2d0: {  	v3 =	vld [tilespmem:$0x180];
	_ =	sdelay $0x4  }
0x2d1: {  	v58 =	vshll.u32 v3, $0x1  }
0x2d2: {  	v3 =	vand.u32 $0x7, v3;
	v4 =	vand.u32 $0xFFFFFFF0, v58  }
0x2d3: {  	v3 =	vor.u32 v3, v4  }
0x2d4: {  	v4 =	vperm.xlane v3, v0;
	_ =	sdelay $0x1  }
0x2d5: {  	v3 =	vperm.xlane v3, v2;
	v4 =	vadd.s32 v1, v4;
	_ =	sdelay $0x1  }
0x2d6: {  	v3 =	vadd.s32 v1, v3;
	_ =	sdelay $0x2  }
0x2d7: {  	[tilespmem:s29], [sflag:$0x4] =	stream.indirect_vreg.gather [hbm4b:s4+s2], $0x80, v4, vm0, $0xb8;
	[tilespmem:$0x1E200] =	vst v63  }
0x2d8: {  	s30 =	simm.s32 $0x18A00  }
0x2d9: {  	[tilespmem:s30], [sflag:$0x4] =	stream.indirect_vreg.gather [hbm4b:s4+s2], $0x80, v3, vm0, $0xb8;
	[tilespmem:$0x1E200] =	vst v63  }
0x2da: {  	v3 =	vld [tilespmem:$0x190];
	_ =	sdelay $0x4  }
0x2db: {  	v59 =	vshll.u32 v3, $0x1  }
0x2dc: {  	v3 =	vand.u32 $0x7, v3;
	v4 =	vand.u32 $0xFFFFFFF0, v59  }
0x2dd: {  	v3 =	vor.u32 v3, v4  }
0x2de: {  	v4 =	vperm.xlane v3, v0;
	_ =	sdelay $0x1  }
0x2df: {  	v3 =	vperm.xlane v3, v2;
	v4 =	vadd.s32 v1, v4;
	_ =	sdelay $0x1  }
0x2e0: {  	v3 =	vadd.s32 v1, v3;
	_ =	sdelay $0x1  }
0x2e1: {  	s30 =	simm.s32 $0x19200  }
0x2e2: {  	[tilespmem:s30], [sflag:$0x4] =	stream.indirect_vreg.gather [hbm4b:s4+s2], $0x80, v4, vm0, $0xb8;
	[tilespmem:$0x1E200] =	vst v63  }
0x2e3: {  	_ = 	snop  }
0x2e4: {  	[tilespmem:s1], [sflag:$0x4] =	stream.indirect_vreg.gather [hbm4b:s4+s2], $0x80, v3, vm0, $0xb8;
	[tilespmem:$0x1E200] =	vst v63  }
0x2e5: {  	v3 =	vld [tilespmem:$0x1A0];
	_ =	sdelay $0x4  }
0x2e6: {  	v60 =	vshll.u32 v3, $0x1  }
0x2e7: {  	v3 =	vand.u32 $0x7, v3;
	v4 =	vand.u32 $0xFFFFFFF0, v60  }
0x2e8: {  	v3 =	vor.u32 v3, v4  }
0x2e9: {  	v4 =	vperm.xlane v3, v0;
	_ =	sdelay $0x1  }
0x2ea: {  	v3 =	vperm.xlane v3, v2;
	v4 =	vadd.s32 v1, v4;
	_ =	sdelay $0x1  }
0x2eb: {  	v3 =	vadd.s32 v1, v3;
	_ =	sdelay $0x2  }
0x2ec: {  	[tilespmem:s7], [sflag:$0x4] =	stream.indirect_vreg.gather [hbm4b:s4+s2], $0x80, v4, vm0, $0xb8;
	[tilespmem:$0x1E200] =	vst v63  }
0x2ed: {  	_ = 	snop  }
0x2ee: {  	[tilespmem:s8], [sflag:$0x4] =	stream.indirect_vreg.gather [hbm4b:s4+s2], $0x80, v3, vm0, $0xb8;
	[tilespmem:$0x1E200] =	vst v63  }
0x2ef: {  	v3 =	vld [tilespmem:$0x1B0];
	_ =	sdelay $0x4  }
0x2f0: {  	v61 =	vshll.u32 v3, $0x1  }
0x2f1: {  	v3 =	vand.u32 $0x7, v3;
	v4 =	vand.u32 $0xFFFFFFF0, v61  }
0x2f2: {  	v3 =	vor.u32 v3, v4  }
0x2f3: {  	v4 =	vperm.xlane v3, v0;
	_ =	sdelay $0x1  }
0x2f4: {  	v3 =	vperm.xlane v3, v2;
	v4 =	vadd.s32 v1, v4;
	_ =	sdelay $0x1  }
0x2f5: {  	v3 =	vadd.s32 v1, v3;
	_ =	sdelay $0x2  }
0x2f6: {  	[tilespmem:s10], [sflag:$0x4] =	stream.indirect_vreg.gather [hbm4b:s4+s2], $0x80, v4, vm0, $0xb8;
	[tilespmem:$0x1E200] =	vst v63  }
0x2f7: {  	_ = 	snop  }
0x2f8: {  	[tilespmem:s11], [sflag:$0x4] =	stream.indirect_vreg.gather [hbm4b:s4+s2], $0x80, v3, vm0, $0xb8;
	[tilespmem:$0x1E200] =	vst v63  }
0x2f9: {  	v3 =	vld [tilespmem:$0x1C0];
	_ =	sdelay $0x4  }
0x2fa: {  	v62 =	vshll.u32 v3, $0x1  }
0x2fb: {  	v3 =	vand.u32 $0x7, v3;
	v4 =	vand.u32 $0xFFFFFFF0, v62  }
0x2fc: {  	v3 =	vor.u32 v3, v4  }
0x2fd: {  	v4 =	vperm.xlane v3, v0;
	_ =	sdelay $0x1  }
0x2fe: {  	v3 =	vperm.xlane v3, v2;
	v4 =	vadd.s32 v1, v4;
	_ =	sdelay $0x1  }
0x2ff: {  	v3 =	vadd.s32 v1, v3;
	_ =	sdelay $0x2  }
0x300: {  	[tilespmem:s12], [sflag:$0x4] =	stream.indirect_vreg.gather [hbm4b:s4+s2], $0x80, v4, vm0, $0xb8;
	[tilespmem:$0x1E200] =	vst v63  }
0x301: {  	_ = 	snop  }
0x302: {  	[tilespmem:s13], [sflag:$0x4] =	stream.indirect_vreg.gather [hbm4b:s4+s2], $0x80, v3, vm0, $0xb8;
	[tilespmem:$0x1E200] =	vst v63  }
0x303: {  	v3 =	vld [tilespmem:$0x1D0];
	_ =	sdelay $0x4  }
0x304: {  	v63 =	vshll.u32 v3, $0x1  }
0x305: {  	v3 =	vand.u32 $0x7, v3;
	v4 =	vand.u32 $0xFFFFFFF0, v63  }
0x306: {  	v3 =	vor.u32 v3, v4  }
0x307: {  	v4 =	vperm.xlane v3, v0;
	_ =	sdelay $0x1  }
0x308: {  	v3 =	vperm.xlane v3, v2;
	v4 =	vadd.s32 v1, v4;
	_ =	sdelay $0x1  }
0x309: {  	v3 =	vadd.s32 v1, v3  }
.Ltmp4:
0x30a: {  	_ = 	snop;
	(pc) =	sbr.rel .LBB2_2-.Ltmp4, $4  }
0x30b: {  	s22 =	sadd.s32 $0x1800, s22;
	s20 =	sadd.s32 $0x2400, s20  }
0x30c: {  	[tilespmem:s14], [sflag:$0x4] =	stream.indirect_vreg.gather [hbm4b:s4+s2], $0x80, v4, vm0, $0xb8;
	[tilespmem:$0x1E200] =	vst v63  }
0x30d: {  	s19 =	sadd.s32 $0xC0, s19;
	s6 =	sadd.s32 $0x2400, s6;
	s28 =	sadd.s32 $0x18, s28  }
0x30e: {  	[tilespmem:s15], [sflag:$0x4] =	stream.indirect_vreg.gather [hbm4b:s4+s2], $0x80, v3, vm0, $0xb8;
	[tilespmem:$0x1E200] =	vst v63  }
.LBB2_7:
0x30f: {  	_ =	sfence.sel $0x180000  }
0x310: {  	[bflag:$0x0] =	sbarrier.arrive $0xFFFF  }
0x311: {  	_ =	strace $0x90000047  }
0x312: {  	s0 =	stileid.u32;
	[bflag:$0x2] =	sbarrier.arrive $0xFFFF  }
0x313: {  	p0 =	sne.s32 s0, $0x0;
	s0 =	rddreg [dreg:$0x1]  }
0x314: {  	s0 =	sadd.s32 @!p0 $0x100000, s0  }
0x315: {  	[sflag:s0] =	ssyncadd.tile.s32 @!p0 $0x1;
	_ =	shalt  }
.Lfunc_end2:
_tile_overlayer_lowered:
.L_overlay_start_2:
0x316: {  	(tag) =	ssettag $0x2  }
0x317: {  	s0 =	rddreg [dreg:$0x0];
	s2 =	stileid.u32  }
0x318: {  	s1 =	rddreg [dreg:$0x1];
	p0 =	sne.s32 s2, $0x0  }
0x319: {  	s3 =	rddreg [dreg:$0x2];
	[bflag:$0x3] =	sbarrier.arrive $0xFFFF;
	s2 =	simm.s32 @!p0 $0x1C05  }
0x31a: {  	[timem:s3], [sflag:s2] =	dma.local @!p0 [hbm:s0], s1  }
0x31b: {  	s0 =	simm.s32 @!p0 $0x5  }
0x31c: {  	_ =	swait.ge @!p0 [sflag:s0], s1  }
0x31d: {  	s1 =	ssub.s32 @!p0 $0x0, s1;
	[sflag:s0] =	ssyncset.done @!p0 $0x0  }
0x31e: {  	[sflag:s0] =	ssyncadd.s32 @!p0 s1  }
0x31f: {  	[bflag:$0x3] =	sbarrier.arrive $0xFFFF  }
0x320: {  	_ =	shalt  }

</sc_bundles>
